<compile_context>
chip_gen: v7x
topology: tpu7x:2x2x1
jax: 0.10.2.dev20260603
libtpu: 0.0.44.dev20260713+nightly
codegen_flags: <defaults>
</compile_context>

<pallas_src>
import functools

import jax
import jax.numpy as jnp
from jax.experimental import pallas as pl
from jax.experimental.pallas import tpu as pltpu
from jax.experimental.pallas import tpu_sc as plsc

N = 10000
NPAD = 10240
E = 320000
EPAD = 327680
ROWS = EPAD // 128
RA = ROWS // 32
RC = ROWS // 16
F = 384
CW = 128
NCH = 3
NBUF = 2
WROWS = RA // 2
KD = 8
RPT = NPAD // 16

_SC_MESH = plsc.VectorSubcoreMesh(
    core_axis_name="c", subcore_axis_name="s", num_cores=2, num_subcores=16)



@functools.partial(
    pl.kernel,
    out_type=jax.ShapeDtypeStruct((2, NPAD, CW), jnp.float32),
    mesh=_SC_MESH,
    scratch_types=[
        pltpu.VMEM((RA, 128), jnp.int32),
        pltpu.VMEM((128, CW), jnp.float32),
        pltpu.SemaphoreType.DMA,
        pltpu.VMEM_SHARED((NPAD, CW), jnp.float32),
    ],
)
def _deg_kernel(dst_hbm, zeros8_hbm, ones_hbm, out_hbm, idx_v, ones_v, ssem,
                deg_sh):
    c = jax.lax.axis_index("c")
    s = jax.lax.axis_index("s")
    pltpu.sync_copy(zeros8_hbm.at[pl.ds(s * RPT, RPT)],
                    deg_sh.at[pl.ds(s * RPT, RPT)])
    pltpu.sync_copy(ones_hbm, ones_v)
    w = c * 16 + s
    pltpu.sync_copy(dst_hbm.at[pl.ds(w * RA, RA)], idx_v)
    plsc.subcore_barrier()

    def body(it, carry):
        jo = it * KD
        for b in range(KD):
            pltpu.async_copy(ones_v, deg_sh.at[idx_v.at[jo + b]], ssem,
                             add=True)
        for b in range(KD):
            pltpu.make_async_copy(ones_v, deg_sh.at[idx_v.at[jo]],
                                  ssem).wait()
        return carry

    jax.lax.fori_loop(0, RA // KD, body, 0)
    plsc.subcore_barrier()

    @pl.when(c == 0)
    def _():
        pltpu.sync_copy(deg_sh.at[pl.ds(s * RPT, RPT)],
                        out_hbm.at[0, pl.ds(s * RPT, RPT)])

    @pl.when(c == 1)
    def _():
        pltpu.sync_copy(deg_sh.at[pl.ds(s * RPT, RPT)],
                        out_hbm.at[1, pl.ds(s * RPT, RPT)])



@functools.partial(
    pl.kernel,
    out_type=jax.ShapeDtypeStruct((2 * NCH, NPAD, CW), jnp.float32),
    mesh=_SC_MESH,
    scratch_types=[
        pltpu.VMEM((WROWS, 128), jnp.int32),
        pltpu.VMEM((WROWS, 128), jnp.int32),
        pltpu.VMEM((NBUF, 128, CW), jnp.float32),
        pltpu.SemaphoreType.DMA,
        pltpu.SemaphoreType.DMA,
        pltpu.SemaphoreType.DMA,
        pltpu.SemaphoreType.DMA,
        pltpu.VMEM_SHARED((NPAD, CW), jnp.float32),
    ],
)
def _agg_kernel(xs0_hbm, xs1_hbm, xs2_hbm, src_hbm, dst_hbm, zeros_hbm,
                out_hbm, swin, dwin, rows_v, g0, g1, s0, s1, agg_sh):
    gsem = (g0, g1)
    ssem = (s0, s1)
    c = jax.lax.axis_index("c")
    s = jax.lax.axis_index("s")
    w = c * 16 + s

    for ch, xs_hbm in enumerate((xs0_hbm, xs1_hbm, xs2_hbm)):
        pltpu.sync_copy(zeros_hbm.at[pl.ds(s * RPT, RPT)],
                        agg_sh.at[pl.ds(s * RPT, RPT)])
        pltpu.sync_copy(src_hbm.at[pl.ds(w * RA, WROWS)], swin)
        pltpu.sync_copy(dst_hbm.at[pl.ds(w * RA, WROWS)], dwin)
        plsc.subcore_barrier()

        for b in range(NBUF):
            pltpu.async_copy(xs_hbm.at[swin.at[b]], rows_v.at[b], gsem[b])

        def body(it, carry):
            jo = it * NBUF
            woff = jnp.where(jo >= WROWS, WROWS, 0)
            for b in range(NBUF):
                pltpu.make_async_copy(xs_hbm.at[swin.at[0]], rows_v.at[b],
                                      gsem[b]).wait()
                pltpu.async_copy(rows_v.at[b],
                                 agg_sh.at[dwin.at[jo + b - woff]],
                                 ssem[b], add=True)

            for b in range(NBUF):
                pltpu.make_async_copy(rows_v.at[b], agg_sh.at[dwin.at[0]],
                                      ssem[b]).wait()

            @pl.when(it == WROWS // NBUF - 1)
            def _():
                pltpu.sync_copy(src_hbm.at[pl.ds(w * RA + WROWS, WROWS)],
                                swin)
                pltpu.sync_copy(dst_hbm.at[pl.ds(w * RA + WROWS, WROWS)],
                                dwin)

            for b in range(NBUF):
                jn = jnp.minimum(jo + NBUF + b, RA - 1)
                jnw = jn - jnp.where(jn >= WROWS, WROWS, 0)
                pltpu.async_copy(xs_hbm.at[swin.at[jnw]], rows_v.at[b],
                                 gsem[b])
            return carry

        jax.lax.fori_loop(0, RA // NBUF, body, 0)

        for b in range(NBUF):
            pltpu.make_async_copy(xs_hbm.at[swin.at[0]], rows_v.at[b],
                                  gsem[b]).wait()
        plsc.subcore_barrier()

        @pl.when(c == 0)
        def _():
            pltpu.sync_copy(agg_sh.at[pl.ds(s * RPT, RPT)],
                            out_hbm.at[ch, pl.ds(s * RPT, RPT)])

        @pl.when(c == 1)
        def _():
            pltpu.sync_copy(agg_sh.at[pl.ds(s * RPT, RPT)],
                            out_hbm.at[NCH + ch, pl.ds(s * RPT, RPT)])



_BN = 2560


def _scale_body(xt_ref, deg_ref, xs0_ref, xs1_ref, xs2_ref):
    deg = deg_ref[0, :, 0:1] + deg_ref[1, :, 0:1] + 1.0
    dinv = jax.lax.rsqrt(deg)
    xs = xt_ref[...] * dinv
    xs0_ref[...] = xs[:, 0 * CW:1 * CW]
    xs1_ref[...] = xs[:, 1 * CW:2 * CW]
    xs2_ref[...] = xs[:, 2 * CW:3 * CW]


def _scale_kernel(xt, deg8):
    return pl.pallas_call(
        _scale_body,
        grid=(NPAD // _BN,),
        in_specs=[
            pl.BlockSpec((_BN, F), lambda i: (i, 0)),
            pl.BlockSpec((2, _BN, CW), lambda i: (0, i, 0)),
        ],
        out_specs=[
            pl.BlockSpec((_BN, CW), lambda i: (i, 0)),
            pl.BlockSpec((_BN, CW), lambda i: (i, 0)),
            pl.BlockSpec((_BN, CW), lambda i: (i, 0)),
        ],
        out_shape=[
            jax.ShapeDtypeStruct((NPAD, CW), jnp.float32),
            jax.ShapeDtypeStruct((NPAD, CW), jnp.float32),
            jax.ShapeDtypeStruct((NPAD, CW), jnp.float32),
        ],
    )(xt, deg8)


def _prep_body(wz_ref, lz_ref, bz_ref, lbz_ref, wh_ref, lh_ref, bh_ref,
               lbh_ref, att_ref, az_ref, ah_ref, czh_ref, probs_ref):
    lz = lz_ref[:128, :]
    lh = lh_ref[:128, :]
    az_ref[...] = jnp.dot(wz_ref[...], lz, preferred_element_type=jnp.float32)
    ah_ref[...] = jnp.dot(wh_ref[...], lh, preferred_element_type=jnp.float32)
    czh_ref[0:1, :] = jnp.dot(bz_ref[...], lz,
                              preferred_element_type=jnp.float32) + lbz_ref[...]
    czh_ref[1:2, :] = jnp.dot(bh_ref[...], lh,
                              preferred_element_type=jnp.float32) + lbh_ref[...]
    a = att_ref[...]
    m = jnp.max(a, axis=1, keepdims=True)
    e = jnp.exp(a - m)
    probs_ref[...] = e / jnp.sum(e, axis=1, keepdims=True)


def _prep_kernel(Wz, Lz, bz, lbz, Wh, Lh, bh, lbh, att):
    return pl.pallas_call(
        _prep_body,
        out_shape=[
            jax.ShapeDtypeStruct((32, 128), jnp.float32),
            jax.ShapeDtypeStruct((32, 128), jnp.float32),
            jax.ShapeDtypeStruct((2, 128), jnp.float32),
            jax.ShapeDtypeStruct((1, 12), jnp.float32),
        ],
    )(Wz, Lz, bz, lbz, Wh, Lh, bh, lbh, att)


def _final_body(agg_ref, xs0_ref, xs1_ref, xs2_ref, deg_ref, az_ref, ah_ref,
                czh_ref, probs_ref, wl_ref, bl_ref, out_ref):
    deg = deg_ref[0, :, 0:1] + deg_ref[1, :, 0:1] + 1.0
    dinv = jax.lax.rsqrt(deg)
    Az = az_ref[...]
    Ah = ah_ref[...]
    cz = czh_ref[0:1, :]
    ch = czh_ref[1:2, :]
    xs_refs = (xs0_ref, xs1_ref, xs2_ref)
    acc = jnp.zeros((_BN, 128), jnp.float32)
    for t in range(12):
        chk, tl = divmod(t, 4)
        off = tl * 32
        a = (agg_ref[chk, :, off:off + 32]
             + agg_ref[NCH + chk, :, off:off + 32]
             + xs_refs[chk][:, off:off + 32]) * dinv
        z = jax.nn.sigmoid(
            jnp.dot(a, Az, preferred_element_type=jnp.float32) + cz)
        hh = jnp.tanh(
            jnp.dot(a, Ah, preferred_element_type=jnp.float32) + ch)
        acc = acc + probs_ref[0, t] * ((1.0 - z) * hh)
    r = jnp.dot(jax.nn.relu(acc), wl_ref[...],
                preferred_element_type=jnp.float32) + bl_ref[...]
    m = jnp.max(r, axis=1, keepdims=True)
    e = jnp.exp(r - m)
    out_ref[...] = e / jnp.sum(e, axis=1, keepdims=True)


def _final_kernel(agg, xs0, xs1, xs2, deg8, Az, Ah, czh, probs, Wl, bl):
    return pl.pallas_call(
        _final_body,
        grid=(NPAD // _BN,),
        in_specs=[
            pl.BlockSpec((2 * NCH, _BN, CW), lambda i: (0, i, 0)),
            pl.BlockSpec((_BN, CW), lambda i: (i, 0)),
            pl.BlockSpec((_BN, CW), lambda i: (i, 0)),
            pl.BlockSpec((_BN, CW), lambda i: (i, 0)),
            pl.BlockSpec((2, _BN, CW), lambda i: (0, i, 0)),
            pl.BlockSpec((32, 128), lambda i: (0, 0)),
            pl.BlockSpec((32, 128), lambda i: (0, 0)),
            pl.BlockSpec((2, 128), lambda i: (0, 0)),
            pl.BlockSpec(memory_space=pltpu.SMEM),
            pl.BlockSpec((128, 128), lambda i: (0, 0)),
            pl.BlockSpec((1, 128), lambda i: (0, 0)),
        ],
        out_specs=pl.BlockSpec((_BN, 128), lambda i: (i, 0)),
        out_shape=jax.ShapeDtypeStruct((NPAD, 128), jnp.float32),
    )(agg, xs0, xs1, xs2, deg8, Az, Ah, czh, probs, Wl, bl)


def kernel(x, edge_index, Wz, bz, Lz, lbz, Wr, br, Lr, lbr, Wh, bh, Lh, lbh,
           att, Wl, bl):
    xt = jnp.pad(x.transpose(0, 2, 1).reshape(N, F), ((0, NPAD - N), (0, 0)))
    pad = N + jnp.arange(EPAD - E, dtype=jnp.int32) % (NPAD - N)
    srcp = jnp.concatenate([edge_index[0].astype(jnp.int32), pad]).reshape(ROWS, 128)
    dstp = jnp.concatenate([edge_index[1].astype(jnp.int32), pad]).reshape(ROWS, 128)
    zerosF = jnp.zeros((NPAD, CW), jnp.float32)
    onesF = jnp.ones((128, CW), jnp.float32)

    deg8 = _deg_kernel(dstp, zerosF, onesF)
    xs0, xs1, xs2 = _scale_kernel(xt, deg8)
    agg = _agg_kernel(xs0, xs1, xs2, srcp, dstp, zerosF)
    Az, Ah, czh, probs = _prep_kernel(
        Wz, Lz, bz.reshape(1, -1), lbz.reshape(1, -1),
        Wh, Lh, bh.reshape(1, -1), lbh.reshape(1, -1), att.reshape(1, -1))
    wl_pad = jnp.pad(Wl, ((0, 0), (0, 124)))
    bl_pad = jnp.pad(bl.reshape(1, -1), ((0, 0), (0, 124)),
                     constant_values=-1e30)
    out = _final_kernel(agg, xs0, xs1, xs2, deg8, Az, Ah, czh, probs,
                        wl_pad, bl_pad)
    return out[:N, :4]

# --- scband reference (transcript-rebuilt; emitter-appended) ---
"""Pipeline reference for scband-net-8048768712829 (READ-ONLY COPY).

The authoritative reference and input builder live on the scoring server;
editing this copy changes nothing except your own understanding.
"""

import jax, jax.numpy as jnp
import numpy as np

N = 10000
E = 320000
IN_C = 32
OUT_C = 128
PERIODS = 12


def setup_inputs(seed: int = 0):
    key = jax.random.key(seed)
    ks = jax.random.split(key, 16)
    def p(k, shape, scale=0.05):
        return jax.random.normal(k, shape, dtype=jnp.float32) * scale
    return {
        "x": jax.random.normal(ks[0], (N, IN_C, PERIODS), dtype=jnp.float32),
        "edge_index": jax.random.randint(ks[1], (2, E), 0, N),
        "Wz": p(ks[2], (IN_C, OUT_C)), "bz": jnp.zeros((OUT_C,), jnp.float32),
        "Lz": p(ks[3], (2 * OUT_C, OUT_C)), "lbz": jnp.zeros((OUT_C,), jnp.float32),
        "Wr": p(ks[4], (IN_C, OUT_C)), "br": jnp.zeros((OUT_C,), jnp.float32),
        "Lr": p(ks[5], (2 * OUT_C, OUT_C)), "lbr": jnp.zeros((OUT_C,), jnp.float32),
        "Wh": p(ks[6], (IN_C, OUT_C)), "bh": jnp.zeros((OUT_C,), jnp.float32),
        "Lh": p(ks[7], (2 * OUT_C, OUT_C)), "lbh": jnp.zeros((OUT_C,), jnp.float32),
        "att": p(ks[8], (PERIODS,), 1.0),
        "Wl": p(ks[9], (OUT_C, 4)), "bl": jnp.zeros((4,), jnp.float32),
    }


def _gcn_conv(x, src, dst, norm, W, b):
    xw = x @ W
    msgs = xw[src] * norm[:, None]
    out = jax.ops.segment_sum(msgs, dst, num_segments=N)
    return out + b


def reference(x, edge_index, Wz, bz, Lz, lbz, Wr, br, Lr, lbr, Wh, bh, Lh, lbh, att, Wl, bl):
    loops = jnp.arange(N)
    src = jnp.concatenate([edge_index[0], loops])
    dst = jnp.concatenate([edge_index[1], loops])
    deg = jax.ops.segment_sum(jnp.ones_like(src, dtype=jnp.float32), dst, num_segments=N)
    dinv = jnp.where(deg > 0, deg ** -0.5, 0.0)
    norm = dinv[src] * dinv[dst]

    probs = jax.nn.softmax(att)
    H_accum = jnp.zeros((N, OUT_C), jnp.float32)
    for t in range(PERIODS):
        xt = x[:, :, t]
        H = jnp.zeros((N, OUT_C), jnp.float32)
        Z = jax.nn.sigmoid(jnp.concatenate([_gcn_conv(xt, src, dst, norm, Wz, bz), H], axis=1) @ Lz + lbz)
        R = jax.nn.sigmoid(jnp.concatenate([_gcn_conv(xt, src, dst, norm, Wr, br), H], axis=1) @ Lr + lbr)
        Ht = jnp.tanh(jnp.concatenate([_gcn_conv(xt, src, dst, norm, Wh, bh), H * R], axis=1) @ Lh + lbh)
        H = Z * H + (1.0 - Z) * Ht
        H_accum = H_accum + probs[t] * H
    h = jax.nn.relu(H_accum)
    h = h @ Wl + bl
    return jax.nn.softmax(h, axis=1)

if __name__ == "__main__":
    import jax
    _d = setup_inputs()
    print(jax.jit(kernel)(*tuple(_d.values())))

</pallas_src>

<mosaic_0001>
#map = affine_map<(d0, d1) -> (0, 0)>
#map1 = affine_map<(d0, d1) -> (0, 0, 0)>
module attributes {stable_mosaic.version = 14 : i64} {
  func.func @_agg_kernel(%arg0: i32, %arg1: i32, %arg2: memref<10240x128xf32, #tpu.memory_space<hbm>>, %arg3: memref<10240x128xf32, #tpu.memory_space<hbm>>, %arg4: memref<10240x128xf32, #tpu.memory_space<hbm>>, %arg5: memref<2560x128xi32, #tpu.memory_space<hbm>>, %arg6: memref<2560x128xi32, #tpu.memory_space<hbm>>, %arg7: memref<10240x128xf32, #tpu.memory_space<hbm>>, %arg8: memref<6x10240x128xf32, #tpu.memory_space<hbm>>, %arg9: memref<40x128xi32, #tpu.memory_space<vmem>>, %arg10: memref<40x128xi32, #tpu.memory_space<vmem>>, %arg11: memref<2x128x128xf32, #tpu.memory_space<vmem>>, %arg12: memref<!tpu.dma_semaphore, #tpu.memory_space<semaphore_mem>>, %arg13: memref<!tpu.dma_semaphore, #tpu.memory_space<semaphore_mem>>, %arg14: memref<!tpu.dma_semaphore, #tpu.memory_space<semaphore_mem>>, %arg15: memref<!tpu.dma_semaphore, #tpu.memory_space<semaphore_mem>>, %arg16: memref<10240x128xf32, #tpu.memory_space<vmem_shared>>) attributes {dimension_semantics = [#tpu.dimension_semantics<core_parallel>, #tpu.dimension_semantics<subcore_parallel>], iteration_bounds = array<i64: 2, 16>, scalar_prefetch = 0 : i64, scratch_operands = 8 : i64, tpu.core_type = #tpu.core_type<sc_vector_subcore>, window_params = [{transform_indices = #map}, {transform_indices = #map}, {transform_indices = #map}, {transform_indices = #map}, {transform_indices = #map}, {transform_indices = #map}, {transform_indices = #map1}]} {
    %mul3A = arith.constant 16 : i32
    %mul3A_0 = arith.muli %arg0, %mul3A : i32
    %add3A = arith.addi %mul3A_0, %arg1 : i32
    %mul3A_1 = arith.constant 640 : i32
    %mul3A_2 = arith.muli %arg1, %mul3A_1 : i32
    %mul3A_3 = arith.constant 640 : i32
    %mul3A_4 = arith.muli %arg1, %mul3A_3 : i32
    "tpu.region"() ({
      %run_scoped3A = tpu.sem_alloc : memref<!tpu.dma_semaphore, #tpu.memory_space<semaphore_mem>>
      %dma_start3A_216 = arith.constant 0 : i32
      %dma_start3A_217 = tpu.memref_slice %arg16[%mul3A_4, %dma_start3A_216] : memref<10240x128xf32, #tpu.memory_space<vmem_shared>> -> memref<640x128xf32, #tpu.memory_space<vmem_shared>>
      %dma_start3A_218 = arith.constant 0 : i32
      %dma_start3A_219 = tpu.memref_slice %arg7[%mul3A_2, %dma_start3A_218] : memref<10240x128xf32, #tpu.memory_space<hbm>> -> memref<640x128xf32, #tpu.memory_space<hbm>>
      tpu.enqueue_dma source(%dma_start3A_219 : memref<640x128xf32, #tpu.memory_space<hbm>>) target(%dma_start3A_217 : memref<640x128xf32, #tpu.memory_space<vmem_shared>>) target_semaphore(%run_scoped3A : memref<!tpu.dma_semaphore, #tpu.memory_space<semaphore_mem>>)
      %dma_wait3A_220 = arith.constant 0 : i32
      %dma_wait3A_221 = tpu.memref_slice %arg16[%mul3A_4, %dma_wait3A_220] : memref<10240x128xf32, #tpu.memory_space<vmem_shared>> -> memref<640x128xf32, #tpu.memory_space<vmem_shared>>
      %dma_wait3A_222 = arith.constant 0 : i32
      %dma_wait3A_223 = tpu.memref_slice %arg7[%mul3A_2, %dma_wait3A_222] : memref<10240x128xf32, #tpu.memory_space<hbm>> -> memref<640x128xf32, #tpu.memory_space<hbm>>
      tpu.wait_dma2 semaphore(%run_scoped3A : memref<!tpu.dma_semaphore, #tpu.memory_space<semaphore_mem>>) src(%dma_wait3A_223 : memref<640x128xf32, #tpu.memory_space<hbm>>) dst(%dma_wait3A_221 : memref<640x128xf32, #tpu.memory_space<vmem_shared>>)
      tpu.yield
    }) : () -> ()
    %mul3A_5 = arith.constant 80 : i32
    %mul3A_6 = arith.muli %add3A, %mul3A_5 : i32
    "tpu.region"() ({
      %run_scoped3A = tpu.sem_alloc : memref<!tpu.dma_semaphore, #tpu.memory_space<semaphore_mem>>
      %dma_start3A_216 = arith.constant 0 : i32
      %dma_start3A_217 = tpu.memref_slice %arg5[%mul3A_6, %dma_start3A_216] : memref<2560x128xi32, #tpu.memory_space<hbm>> -> memref<40x128xi32, #tpu.memory_space<hbm>>
      %dma_start3A_218 = arith.constant 0 : i32
      %dma_start3A_219 = tpu.memref_slice %arg5[%mul3A_6, %dma_start3A_218] : memref<2560x128xi32, #tpu.memory_space<hbm>> -> memref<40x128xi32, #tpu.memory_space<hbm>>
      tpu.enqueue_dma source(%dma_start3A_219 : memref<40x128xi32, #tpu.memory_space<hbm>>) target(%arg9 : memref<40x128xi32, #tpu.memory_space<vmem>>) target_semaphore(%run_scoped3A : memref<!tpu.dma_semaphore, #tpu.memory_space<semaphore_mem>>)
      %dma_wait3A_220 = arith.constant 0 : i32
      %dma_wait3A_221 = tpu.memref_slice %arg5[%mul3A_6, %dma_wait3A_220] : memref<2560x128xi32, #tpu.memory_space<hbm>> -> memref<40x128xi32, #tpu.memory_space<hbm>>
      %dma_wait3A_222 = arith.constant 0 : i32
      %dma_wait3A_223 = tpu.memref_slice %arg5[%mul3A_6, %dma_wait3A_222] : memref<2560x128xi32, #tpu.memory_space<hbm>> -> memref<40x128xi32, #tpu.memory_space<hbm>>
      tpu.wait_dma2 semaphore(%run_scoped3A : memref<!tpu.dma_semaphore, #tpu.memory_space<semaphore_mem>>) src(%dma_wait3A_223 : memref<40x128xi32, #tpu.memory_space<hbm>>) dst(%arg9 : memref<40x128xi32, #tpu.memory_space<vmem>>)
      tpu.yield
    }) : () -> ()
    %mul3A_7 = arith.constant 80 : i32
    %mul3A_8 = arith.muli %add3A, %mul3A_7 : i32
    "tpu.region"() ({
      %run_scoped3A = tpu.sem_alloc : memref<!tpu.dma_semaphore, #tpu.memory_space<semaphore_mem>>
      %dma_start3A_216 = arith.constant 0 : i32
      %dma_start3A_217 = tpu.memref_slice %arg6[%mul3A_8, %dma_start3A_216] : memref<2560x128xi32, #tpu.memory_space<hbm>> -> memref<40x128xi32, #tpu.memory_space<hbm>>
      %dma_start3A_218 = arith.constant 0 : i32
      %dma_start3A_219 = tpu.memref_slice %arg6[%mul3A_8, %dma_start3A_218] : memref<2560x128xi32, #tpu.memory_space<hbm>> -> memref<40x128xi32, #tpu.memory_space<hbm>>
      tpu.enqueue_dma source(%dma_start3A_219 : memref<40x128xi32, #tpu.memory_space<hbm>>) target(%arg10 : memref<40x128xi32, #tpu.memory_space<vmem>>) target_semaphore(%run_scoped3A : memref<!tpu.dma_semaphore, #tpu.memory_space<semaphore_mem>>)
      %dma_wait3A_220 = arith.constant 0 : i32
      %dma_wait3A_221 = tpu.memref_slice %arg6[%mul3A_8, %dma_wait3A_220] : memref<2560x128xi32, #tpu.memory_space<hbm>> -> memref<40x128xi32, #tpu.memory_space<hbm>>
      %dma_wait3A_222 = arith.constant 0 : i32
      %dma_wait3A_223 = tpu.memref_slice %arg6[%mul3A_8, %dma_wait3A_222] : memref<2560x128xi32, #tpu.memory_space<hbm>> -> memref<40x128xi32, #tpu.memory_space<hbm>>
      tpu.wait_dma2 semaphore(%run_scoped3A : memref<!tpu.dma_semaphore, #tpu.memory_space<semaphore_mem>>) src(%dma_wait3A_223 : memref<40x128xi32, #tpu.memory_space<hbm>>) dst(%arg10 : memref<40x128xi32, #tpu.memory_space<vmem>>)
      tpu.yield
    }) : () -> ()
    %barrier3A = arith.constant 0 : index
    tpu.barrier barrier_id(%barrier3A)
    %dma_start3A = arith.constant 0 : i32
    %dma_start3A_9 = arith.constant 0 : i32
    %dma_start3A_10 = arith.constant 0 : i32
    %dma_start3A_11 = arith.constant 0 : i32
    %dma_start3A_12 = tpu.memref_slice %arg11[%dma_start3A_9, %dma_start3A_10, %dma_start3A_11] : memref<2x128x128xf32, #tpu.memory_space<vmem>> -> memref<1x128x128xf32, #tpu.memory_space<vmem>>
    %dma_start3A_13 = tpu.memref_squeeze %dma_start3A_12 : memref<1x128x128xf32, #tpu.memory_space<vmem>> -> memref<128x128xf32, #tpu.memory_space<vmem>>
    %dma_start3A_14 = arith.constant 0 : i32
    %dma_start3A_15 = tpu.memref_slice %arg9[%dma_start3A, %dma_start3A_14] : memref<40x128xi32, #tpu.memory_space<vmem>> -> memref<1x128xi32, #tpu.memory_space<vmem>>
    %dma_start3A_16 = tpu.memref_squeeze %dma_start3A_15 : memref<1x128xi32, #tpu.memory_space<vmem>> -> memref<128xi32, #tpu.memory_space<vmem>>
    %dma_start3A_17 = arith.constant 0 : i32
    %dma_start3A_18 = arith.constant 0 : i32
    %dma_start3A_19 = tpu.memref_slice %arg2[%dma_start3A_17, %dma_start3A_18] : memref<10240x128xf32, #tpu.memory_space<hbm>> -> memref<10240x128xf32, #tpu.memory_space<hbm>>
    tpu.enqueue_indirect_dma source(%dma_start3A_19 : memref<10240x128xf32, #tpu.memory_space<hbm>>) target(%dma_start3A_13 : memref<128x128xf32, #tpu.memory_space<vmem>>) offsets(%dma_start3A_16 : memref<128xi32, #tpu.memory_space<vmem>>) semaphore(%arg12 : memref<!tpu.dma_semaphore, #tpu.memory_space<semaphore_mem>>)
    %dma_start3A_20 = arith.constant 1 : i32
    %dma_start3A_21 = arith.constant 1 : i32
    %dma_start3A_22 = arith.constant 0 : i32
    %dma_start3A_23 = arith.constant 0 : i32
    %dma_start3A_24 = tpu.memref_slice %arg11[%dma_start3A_21, %dma_start3A_22, %dma_start3A_23] : memref<2x128x128xf32, #tpu.memory_space<vmem>> -> memref<1x128x128xf32, #tpu.memory_space<vmem>>
    %dma_start3A_25 = tpu.memref_squeeze %dma_start3A_24 : memref<1x128x128xf32, #tpu.memory_space<vmem>> -> memref<128x128xf32, #tpu.memory_space<vmem>>
    %dma_start3A_26 = arith.constant 0 : i32
    %dma_start3A_27 = tpu.memref_slice %arg9[%dma_start3A_20, %dma_start3A_26] : memref<40x128xi32, #tpu.memory_space<vmem>> -> memref<1x128xi32, #tpu.memory_space<vmem>>
    %dma_start3A_28 = tpu.memref_squeeze %dma_start3A_27 : memref<1x128xi32, #tpu.memory_space<vmem>> -> memref<128xi32, #tpu.memory_space<vmem>>
    %dma_start3A_29 = arith.constant 0 : i32
    %dma_start3A_30 = arith.constant 0 : i32
    %dma_start3A_31 = tpu.memref_slice %arg2[%dma_start3A_29, %dma_start3A_30] : memref<10240x128xf32, #tpu.memory_space<hbm>> -> memref<10240x128xf32, #tpu.memory_space<hbm>>
    tpu.enqueue_indirect_dma source(%dma_start3A_31 : memref<10240x128xf32, #tpu.memory_space<hbm>>) target(%dma_start3A_25 : memref<128x128xf32, #tpu.memory_space<vmem>>) offsets(%dma_start3A_28 : memref<128xi32, #tpu.memory_space<vmem>>) semaphore(%arg13 : memref<!tpu.dma_semaphore, #tpu.memory_space<semaphore_mem>>)
    %scan3A = arith.constant 0 : i32
    %scan3A_32 = arith.constant 0 : i32
    %scan3A_33 = arith.constant 40 : i32
    %scan3A_34 = arith.addi %scan3A_32, %scan3A_33 : i32
    %scan3A_35 = arith.constant 1 : i32
    scf.for %scan3A_216 = %scan3A_32 to %scan3A_34 step %scan3A_35  : i32 {
      %mul3A_217 = arith.constant 2 : i32
      %mul3A_218 = arith.muli %scan3A_216, %mul3A_217 : i32
      %ge3A = arith.constant 40 : i32
      %ge3A_219 = arith.cmpi sge, %mul3A_218, %ge3A : i32
      %jit3A = arith.constant 40 : i32
      %jit3A_220 = arith.constant 0 : i32
      %select_n3A = arith.select %ge3A_219, %jit3A, %jit3A_220 : i32
      %dma_wait3A_221 = arith.constant 0 : i32
      %dma_wait3A_222 = arith.constant 0 : i32
      %dma_wait3A_223 = arith.constant 0 : i32
      %dma_wait3A_224 = arith.constant 0 : i32
      %dma_wait3A_225 = tpu.memref_slice %arg11[%dma_wait3A_222, %dma_wait3A_223, %dma_wait3A_224] : memref<2x128x128xf32, #tpu.memory_space<vmem>> -> memref<1x128x128xf32, #tpu.memory_space<vmem>>
      %dma_wait3A_226 = tpu.memref_squeeze %dma_wait3A_225 : memref<1x128x128xf32, #tpu.memory_space<vmem>> -> memref<128x128xf32, #tpu.memory_space<vmem>>
      %dma_wait3A_227 = arith.constant 0 : i32
      %dma_wait3A_228 = tpu.memref_slice %arg9[%dma_wait3A_221, %dma_wait3A_227] : memref<40x128xi32, #tpu.memory_space<vmem>> -> memref<1x128xi32, #tpu.memory_space<vmem>>
      %dma_wait3A_229 = tpu.memref_squeeze %dma_wait3A_228 : memref<1x128xi32, #tpu.memory_space<vmem>> -> memref<128xi32, #tpu.memory_space<vmem>>
      %dma_wait3A_230 = arith.constant 0 : i32
      %dma_wait3A_231 = arith.constant 0 : i32
      %dma_wait3A_232 = tpu.memref_slice %arg2[%dma_wait3A_230, %dma_wait3A_231] : memref<10240x128xf32, #tpu.memory_space<hbm>> -> memref<10240x128xf32, #tpu.memory_space<hbm>>
      tpu.wait_indirect_dma semaphore(%arg12 : memref<!tpu.dma_semaphore, #tpu.memory_space<semaphore_mem>>) src(%dma_wait3A_232 : memref<10240x128xf32, #tpu.memory_space<hbm>>) dst(%dma_wait3A_226 : memref<128x128xf32, #tpu.memory_space<vmem>>)
      %add3A_233 = arith.constant 0 : i32
      %add3A_234 = arith.addi %mul3A_218, %add3A_233 : i32
      %sub3A = arith.subi %add3A_234, %select_n3A : i32
      %dma_start3A_235 = arith.constant 0 : i32
      %dma_start3A_236 = arith.constant 0 : i32
      %dma_start3A_237 = arith.constant 0 : i32
      %dma_start3A_238 = tpu.memref_slice %arg11[%dma_start3A_235, %dma_start3A_236, %dma_start3A_237] : memref<2x128x128xf32, #tpu.memory_space<vmem>> -> memref<1x128x128xf32, #tpu.memory_space<vmem>>
      %dma_start3A_239 = tpu.memref_squeeze %dma_start3A_238 : memref<1x128x128xf32, #tpu.memory_space<vmem>> -> memref<128x128xf32, #tpu.memory_space<vmem>>
      %dma_start3A_240 = arith.constant 0 : i32
      %dma_start3A_241 = tpu.memref_slice %arg10[%sub3A, %dma_start3A_240] : memref<40x128xi32, #tpu.memory_space<vmem>> -> memref<1x128xi32, #tpu.memory_space<vmem>>
      %dma_start3A_242 = tpu.memref_squeeze %dma_start3A_241 : memref<1x128xi32, #tpu.memory_space<vmem>> -> memref<128xi32, #tpu.memory_space<vmem>>
      %dma_start3A_243 = arith.constant 0 : i32
      %dma_start3A_244 = arith.constant 0 : i32
      %dma_start3A_245 = tpu.memref_slice %arg16[%dma_start3A_243, %dma_start3A_244] : memref<10240x128xf32, #tpu.memory_space<vmem_shared>> -> memref<10240x128xf32, #tpu.memory_space<vmem_shared>>
      tpu.enqueue_indirect_dma source(%dma_start3A_239 : memref<128x128xf32, #tpu.memory_space<vmem>>) target(%dma_start3A_245 : memref<10240x128xf32, #tpu.memory_space<vmem_shared>>) offsets(%dma_start3A_242 : memref<128xi32, #tpu.memory_space<vmem>>) semaphore(%arg14 : memref<!tpu.dma_semaphore, #tpu.memory_space<semaphore_mem>>) {add = true}
      %dma_wait3A_246 = arith.constant 0 : i32
      %dma_wait3A_247 = arith.constant 1 : i32
      %dma_wait3A_248 = arith.constant 0 : i32
      %dma_wait3A_249 = arith.constant 0 : i32
      %dma_wait3A_250 = tpu.memref_slice %arg11[%dma_wait3A_247, %dma_wait3A_248, %dma_wait3A_249] : memref<2x128x128xf32, #tpu.memory_space<vmem>> -> memref<1x128x128xf32, #tpu.memory_space<vmem>>
      %dma_wait3A_251 = tpu.memref_squeeze %dma_wait3A_250 : memref<1x128x128xf32, #tpu.memory_space<vmem>> -> memref<128x128xf32, #tpu.memory_space<vmem>>
      %dma_wait3A_252 = arith.constant 0 : i32
      %dma_wait3A_253 = tpu.memref_slice %arg9[%dma_wait3A_246, %dma_wait3A_252] : memref<40x128xi32, #tpu.memory_space<vmem>> -> memref<1x128xi32, #tpu.memory_space<vmem>>
      %dma_wait3A_254 = tpu.memref_squeeze %dma_wait3A_253 : memref<1x128xi32, #tpu.memory_space<vmem>> -> memref<128xi32, #tpu.memory_space<vmem>>
      %dma_wait3A_255 = arith.constant 0 : i32
      %dma_wait3A_256 = arith.constant 0 : i32
      %dma_wait3A_257 = tpu.memref_slice %arg2[%dma_wait3A_255, %dma_wait3A_256] : memref<10240x128xf32, #tpu.memory_space<hbm>> -> memref<10240x128xf32, #tpu.memory_space<hbm>>
      tpu.wait_indirect_dma semaphore(%arg13 : memref<!tpu.dma_semaphore, #tpu.memory_space<semaphore_mem>>) src(%dma_wait3A_257 : memref<10240x128xf32, #tpu.memory_space<hbm>>) dst(%dma_wait3A_251 : memref<128x128xf32, #tpu.memory_space<vmem>>)
      %add3A_258 = arith.constant 1 : i32
      %add3A_259 = arith.addi %mul3A_218, %add3A_258 : i32
      %sub3A_260 = arith.subi %add3A_259, %select_n3A : i32
      %dma_start3A_261 = arith.constant 1 : i32
      %dma_start3A_262 = arith.constant 0 : i32
      %dma_start3A_263 = arith.constant 0 : i32
      %dma_start3A_264 = tpu.memref_slice %arg11[%dma_start3A_261, %dma_start3A_262, %dma_start3A_263] : memref<2x128x128xf32, #tpu.memory_space<vmem>> -> memref<1x128x128xf32, #tpu.memory_space<vmem>>
      %dma_start3A_265 = tpu.memref_squeeze %dma_start3A_264 : memref<1x128x128xf32, #tpu.memory_space<vmem>> -> memref<128x128xf32, #tpu.memory_space<vmem>>
      %dma_start3A_266 = arith.constant 0 : i32
      %dma_start3A_267 = tpu.memref_slice %arg10[%sub3A_260, %dma_start3A_266] : memref<40x128xi32, #tpu.memory_space<vmem>> -> memref<1x128xi32, #tpu.memory_space<vmem>>
      %dma_start3A_268 = tpu.memref_squeeze %dma_start3A_267 : memref<1x128xi32, #tpu.memory_space<vmem>> -> memref<128xi32, #tpu.memory_space<vmem>>
      %dma_start3A_269 = arith.constant 0 : i32
      %dma_start3A_270 = arith.constant 0 : i32
      %dma_start3A_271 = tpu.memref_slice %arg16[%dma_start3A_269, %dma_start3A_270] : memref<10240x128xf32, #tpu.memory_space<vmem_shared>> -> memref<10240x128xf32, #tpu.memory_space<vmem_shared>>
      tpu.enqueue_indirect_dma source(%dma_start3A_265 : memref<128x128xf32, #tpu.memory_space<vmem>>) target(%dma_start3A_271 : memref<10240x128xf32, #tpu.memory_space<vmem_shared>>) offsets(%dma_start3A_268 : memref<128xi32, #tpu.memory_space<vmem>>) semaphore(%arg15 : memref<!tpu.dma_semaphore, #tpu.memory_space<semaphore_mem>>) {add = true}
      %dma_wait3A_272 = arith.constant 0 : i32
      %dma_wait3A_273 = arith.constant 0 : i32
      %dma_wait3A_274 = arith.constant 0 : i32
      %dma_wait3A_275 = arith.constant 0 : i32
      %dma_wait3A_276 = tpu.memref_slice %arg11[%dma_wait3A_272, %dma_wait3A_274, %dma_wait3A_275] : memref<2x128x128xf32, #tpu.memory_space<vmem>> -> memref<1x128x128xf32, #tpu.memory_space<vmem>>
      %dma_wait3A_277 = tpu.memref_squeeze %dma_wait3A_276 : memref<1x128x128xf32, #tpu.memory_space<vmem>> -> memref<128x128xf32, #tpu.memory_space<vmem>>
      %dma_wait3A_278 = arith.constant 0 : i32
      %dma_wait3A_279 = tpu.memref_slice %arg10[%dma_wait3A_273, %dma_wait3A_278] : memref<40x128xi32, #tpu.memory_space<vmem>> -> memref<1x128xi32, #tpu.memory_space<vmem>>
      %dma_wait3A_280 = tpu.memref_squeeze %dma_wait3A_279 : memref<1x128xi32, #tpu.memory_space<vmem>> -> memref<128xi32, #tpu.memory_space<vmem>>
      %dma_wait3A_281 = arith.constant 0 : i32
      %dma_wait3A_282 = arith.constant 0 : i32
      %dma_wait3A_283 = tpu.memref_slice %arg16[%dma_wait3A_281, %dma_wait3A_282] : memref<10240x128xf32, #tpu.memory_space<vmem_shared>> -> memref<10240x128xf32, #tpu.memory_space<vmem_shared>>
      tpu.wait_indirect_dma semaphore(%arg14 : memref<!tpu.dma_semaphore, #tpu.memory_space<semaphore_mem>>) src(%dma_wait3A_277 : memref<128x128xf32, #tpu.memory_space<vmem>>) dst(%dma_wait3A_283 : memref<10240x128xf32, #tpu.memory_space<vmem_shared>>)
      %dma_wait3A_284 = arith.constant 1 : i32
      %dma_wait3A_285 = arith.constant 0 : i32
      %dma_wait3A_286 = arith.constant 0 : i32
      %dma_wait3A_287 = arith.constant 0 : i32
      %dma_wait3A_288 = tpu.memref_slice %arg11[%dma_wait3A_284, %dma_wait3A_286, %dma_wait3A_287] : memref<2x128x128xf32, #tpu.memory_space<vmem>> -> memref<1x128x128xf32, #tpu.memory_space<vmem>>
      %dma_wait3A_289 = tpu.memref_squeeze %dma_wait3A_288 : memref<1x128x128xf32, #tpu.memory_space<vmem>> -> memref<128x128xf32, #tpu.memory_space<vmem>>
      %dma_wait3A_290 = arith.constant 0 : i32
      %dma_wait3A_291 = tpu.memref_slice %arg10[%dma_wait3A_285, %dma_wait3A_290] : memref<40x128xi32, #tpu.memory_space<vmem>> -> memref<1x128xi32, #tpu.memory_space<vmem>>
      %dma_wait3A_292 = tpu.memref_squeeze %dma_wait3A_291 : memref<1x128xi32, #tpu.memory_space<vmem>> -> memref<128xi32, #tpu.memory_space<vmem>>
      %dma_wait3A_293 = arith.constant 0 : i32
      %dma_wait3A_294 = arith.constant 0 : i32
      %dma_wait3A_295 = tpu.memref_slice %arg16[%dma_wait3A_293, %dma_wait3A_294] : memref<10240x128xf32, #tpu.memory_space<vmem_shared>> -> memref<10240x128xf32, #tpu.memory_space<vmem_shared>>
      tpu.wait_indirect_dma semaphore(%arg15 : memref<!tpu.dma_semaphore, #tpu.memory_space<semaphore_mem>>) src(%dma_wait3A_289 : memref<128x128xf32, #tpu.memory_space<vmem>>) dst(%dma_wait3A_295 : memref<10240x128xf32, #tpu.memory_space<vmem_shared>>)
      %eq3A_296 = arith.constant 19 : i32
      %eq3A_297 = arith.cmpi eq, %scan3A_216, %eq3A_296 : i32
      %convert_element_type3A_298 = arith.extui %eq3A_297 : i1 to i32
      %cond3A_299 = arith.constant 0 : i32
      %cond3A_300 = arith.cmpi ne, %convert_element_type3A_298, %cond3A_299 : i32
      scf.if %cond3A_300 {
        %mul3A_346 = arith.constant 80 : i32
        %mul3A_347 = arith.muli %add3A, %mul3A_346 : i32
        %add3A_348 = arith.constant 40 : i32
        %add3A_349 = arith.addi %mul3A_347, %add3A_348 : i32
        "tpu.region"() ({
          %run_scoped3A = tpu.sem_alloc : memref<!tpu.dma_semaphore, #tpu.memory_space<semaphore_mem>>
          %dma_start3A_354 = arith.constant 0 : i32
          %dma_start3A_355 = tpu.memref_slice %arg5[%add3A_349, %dma_start3A_354] : memref<2560x128xi32, #tpu.memory_space<hbm>> -> memref<40x128xi32, #tpu.memory_space<hbm>>
          %dma_start3A_356 = arith.constant 0 : i32
          %dma_start3A_357 = tpu.memref_slice %arg5[%add3A_349, %dma_start3A_356] : memref<2560x128xi32, #tpu.memory_space<hbm>> -> memref<40x128xi32, #tpu.memory_space<hbm>>
          tpu.enqueue_dma source(%dma_start3A_357 : memref<40x128xi32, #tpu.memory_space<hbm>>) target(%arg9 : memref<40x128xi32, #tpu.memory_space<vmem>>) target_semaphore(%run_scoped3A : memref<!tpu.dma_semaphore, #tpu.memory_space<semaphore_mem>>)
          %dma_wait3A_358 = arith.constant 0 : i32
          %dma_wait3A_359 = tpu.memref_slice %arg5[%add3A_349, %dma_wait3A_358] : memref<2560x128xi32, #tpu.memory_space<hbm>> -> memref<40x128xi32, #tpu.memory_space<hbm>>
          %dma_wait3A_360 = arith.constant 0 : i32
          %dma_wait3A_361 = tpu.memref_slice %arg5[%add3A_349, %dma_wait3A_360] : memref<2560x128xi32, #tpu.memory_space<hbm>> -> memref<40x128xi32, #tpu.memory_space<hbm>>
          tpu.wait_dma2 semaphore(%run_scoped3A : memref<!tpu.dma_semaphore, #tpu.memory_space<semaphore_mem>>) src(%dma_wait3A_361 : memref<40x128xi32, #tpu.memory_space<hbm>>) dst(%arg9 : memref<40x128xi32, #tpu.memory_space<vmem>>)
          tpu.yield
        }) : () -> ()
        %mul3A_350 = arith.constant 80 : i32
        %mul3A_351 = arith.muli %add3A, %mul3A_350 : i32
        %add3A_352 = arith.constant 40 : i32
        %add3A_353 = arith.addi %mul3A_351, %add3A_352 : i32
        "tpu.region"() ({
          %run_scoped3A = tpu.sem_alloc : memref<!tpu.dma_semaphore, #tpu.memory_space<semaphore_mem>>
          %dma_start3A_354 = arith.constant 0 : i32
          %dma_start3A_355 = tpu.memref_slice %arg6[%add3A_353, %dma_start3A_354] : memref<2560x128xi32, #tpu.memory_space<hbm>> -> memref<40x128xi32, #tpu.memory_space<hbm>>
          %dma_start3A_356 = arith.constant 0 : i32
          %dma_start3A_357 = tpu.memref_slice %arg6[%add3A_353, %dma_start3A_356] : memref<2560x128xi32, #tpu.memory_space<hbm>> -> memref<40x128xi32, #tpu.memory_space<hbm>>
          tpu.enqueue_dma source(%dma_start3A_357 : memref<40x128xi32, #tpu.memory_space<hbm>>) target(%arg10 : memref<40x128xi32, #tpu.memory_space<vmem>>) target_semaphore(%run_scoped3A : memref<!tpu.dma_semaphore, #tpu.memory_space<semaphore_mem>>)
          %dma_wait3A_358 = arith.constant 0 : i32
          %dma_wait3A_359 = tpu.memref_slice %arg6[%add3A_353, %dma_wait3A_358] : memref<2560x128xi32, #tpu.memory_space<hbm>> -> memref<40x128xi32, #tpu.memory_space<hbm>>
          %dma_wait3A_360 = arith.constant 0 : i32
          %dma_wait3A_361 = tpu.memref_slice %arg6[%add3A_353, %dma_wait3A_360] : memref<2560x128xi32, #tpu.memory_space<hbm>> -> memref<40x128xi32, #tpu.memory_space<hbm>>
          tpu.wait_dma2 semaphore(%run_scoped3A : memref<!tpu.dma_semaphore, #tpu.memory_space<semaphore_mem>>) src(%dma_wait3A_361 : memref<40x128xi32, #tpu.memory_space<hbm>>) dst(%arg10 : memref<40x128xi32, #tpu.memory_space<vmem>>)
          tpu.yield
        }) : () -> ()
      } else {
      }
      %add3A_301 = arith.constant 2 : i32
      %add3A_302 = arith.addi %mul3A_218, %add3A_301 : i32
      %add3A_303 = arith.constant 0 : i32
      %add3A_304 = arith.addi %add3A_302, %add3A_303 : i32
      %min3A = arith.constant 79 : i32
      %min3A_305 = arith.minsi %add3A_304, %min3A : i32
      %ge3A_306 = arith.constant 40 : i32
      %ge3A_307 = arith.cmpi sge, %min3A_305, %ge3A_306 : i32
      %jit3A_308 = arith.constant 40 : i32
      %jit3A_309 = arith.constant 0 : i32
      %select_n3A_310 = arith.select %ge3A_307, %jit3A_308, %jit3A_309 : i32
      %sub3A_311 = arith.subi %min3A_305, %select_n3A_310 : i32
      %dma_start3A_312 = arith.constant 0 : i32
      %dma_start3A_313 = arith.constant 0 : i32
      %dma_start3A_314 = arith.constant 0 : i32
      %dma_start3A_315 = tpu.memref_slice %arg11[%dma_start3A_312, %dma_start3A_313, %dma_start3A_314] : memref<2x128x128xf32, #tpu.memory_space<vmem>> -> memref<1x128x128xf32, #tpu.memory_space<vmem>>
      %dma_start3A_316 = tpu.memref_squeeze %dma_start3A_315 : memref<1x128x128xf32, #tpu.memory_space<vmem>> -> memref<128x128xf32, #tpu.memory_space<vmem>>
      %dma_start3A_317 = arith.constant 0 : i32
      %dma_start3A_318 = tpu.memref_slice %arg9[%sub3A_311, %dma_start3A_317] : memref<40x128xi32, #tpu.memory_space<vmem>> -> memref<1x128xi32, #tpu.memory_space<vmem>>
      %dma_start3A_319 = tpu.memref_squeeze %dma_start3A_318 : memref<1x128xi32, #tpu.memory_space<vmem>> -> memref<128xi32, #tpu.memory_space<vmem>>
      %dma_start3A_320 = arith.constant 0 : i32
      %dma_start3A_321 = arith.constant 0 : i32
      %dma_start3A_322 = tpu.memref_slice %arg2[%dma_start3A_320, %dma_start3A_321] : memref<10240x128xf32, #tpu.memory_space<hbm>> -> memref<10240x128xf32, #tpu.memory_space<hbm>>
      tpu.enqueue_indirect_dma source(%dma_start3A_322 : memref<10240x128xf32, #tpu.memory_space<hbm>>) target(%dma_start3A_316 : memref<128x128xf32, #tpu.memory_space<vmem>>) offsets(%dma_start3A_319 : memref<128xi32, #tpu.memory_space<vmem>>) semaphore(%arg12 : memref<!tpu.dma_semaphore, #tpu.memory_space<semaphore_mem>>)
      %add3A_323 = arith.constant 2 : i32
      %add3A_324 = arith.addi %mul3A_218, %add3A_323 : i32
      %add3A_325 = arith.constant 1 : i32
      %add3A_326 = arith.addi %add3A_324, %add3A_325 : i32
      %min3A_327 = arith.constant 79 : i32
      %min3A_328 = arith.minsi %add3A_326, %min3A_327 : i32
      %ge3A_329 = arith.constant 40 : i32
      %ge3A_330 = arith.cmpi sge, %min3A_328, %ge3A_329 : i32
      %jit3A_331 = arith.constant 40 : i32
      %jit3A_332 = arith.constant 0 : i32
      %select_n3A_333 = arith.select %ge3A_330, %jit3A_331, %jit3A_332 : i32
      %sub3A_334 = arith.subi %min3A_328, %select_n3A_333 : i32
      %dma_start3A_335 = arith.constant 1 : i32
      %dma_start3A_336 = arith.constant 0 : i32
      %dma_start3A_337 = arith.constant 0 : i32
      %dma_start3A_338 = tpu.memref_slice %arg11[%dma_start3A_335, %dma_start3A_336, %dma_start3A_337] : memref<2x128x128xf32, #tpu.memory_space<vmem>> -> memref<1x128x128xf32, #tpu.memory_space<vmem>>
      %dma_start3A_339 = tpu.memref_squeeze %dma_start3A_338 : memref<1x128x128xf32, #tpu.memory_space<vmem>> -> memref<128x128xf32, #tpu.memory_space<vmem>>
      %dma_start3A_340 = arith.constant 0 : i32
      %dma_start3A_341 = tpu.memref_slice %arg9[%sub3A_334, %dma_start3A_340] : memref<40x128xi32, #tpu.memory_space<vmem>> -> memref<1x128xi32, #tpu.memory_space<vmem>>
      %dma_start3A_342 = tpu.memref_squeeze %dma_start3A_341 : memref<1x128xi32, #tpu.memory_space<vmem>> -> memref<128xi32, #tpu.memory_space<vmem>>
      %dma_start3A_343 = arith.constant 0 : i32
      %dma_start3A_344 = arith.constant 0 : i32
      %dma_start3A_345 = tpu.memref_slice %arg2[%dma_start3A_343, %dma_start3A_344] : memref<10240x128xf32, #tpu.memory_space<hbm>> -> memref<10240x128xf32, #tpu.memory_space<hbm>>
      tpu.enqueue_indirect_dma source(%dma_start3A_345 : memref<10240x128xf32, #tpu.memory_space<hbm>>) target(%dma_start3A_339 : memref<128x128xf32, #tpu.memory_space<vmem>>) offsets(%dma_start3A_342 : memref<128xi32, #tpu.memory_space<vmem>>) semaphore(%arg13 : memref<!tpu.dma_semaphore, #tpu.memory_space<semaphore_mem>>)
    }
    %scan3A_36 = arith.constant 40 : i32
    %dma_wait3A = arith.constant 0 : i32
    %dma_wait3A_37 = arith.constant 0 : i32
    %dma_wait3A_38 = arith.constant 0 : i32
    %dma_wait3A_39 = arith.constant 0 : i32
    %dma_wait3A_40 = tpu.memref_slice %arg11[%dma_wait3A_37, %dma_wait3A_38, %dma_wait3A_39] : memref<2x128x128xf32, #tpu.memory_space<vmem>> -> memref<1x128x128xf32, #tpu.memory_space<vmem>>
    %dma_wait3A_41 = tpu.memref_squeeze %dma_wait3A_40 : memref<1x128x128xf32, #tpu.memory_space<vmem>> -> memref<128x128xf32, #tpu.memory_space<vmem>>
    %dma_wait3A_42 = arith.constant 0 : i32
    %dma_wait3A_43 = tpu.memref_slice %arg9[%dma_wait3A, %dma_wait3A_42] : memref<40x128xi32, #tpu.memory_space<vmem>> -> memref<1x128xi32, #tpu.memory_space<vmem>>
    %dma_wait3A_44 = tpu.memref_squeeze %dma_wait3A_43 : memref<1x128xi32, #tpu.memory_space<vmem>> -> memref<128xi32, #tpu.memory_space<vmem>>
    %dma_wait3A_45 = arith.constant 0 : i32
    %dma_wait3A_46 = arith.constant 0 : i32
    %dma_wait3A_47 = tpu.memref_slice %arg2[%dma_wait3A_45, %dma_wait3A_46] : memref<10240x128xf32, #tpu.memory_space<hbm>> -> memref<10240x128xf32, #tpu.memory_space<hbm>>
    tpu.wait_indirect_dma semaphore(%arg12 : memref<!tpu.dma_semaphore, #tpu.memory_space<semaphore_mem>>) src(%dma_wait3A_47 : memref<10240x128xf32, #tpu.memory_space<hbm>>) dst(%dma_wait3A_41 : memref<128x128xf32, #tpu.memory_space<vmem>>)
    %dma_wait3A_48 = arith.constant 0 : i32
    %dma_wait3A_49 = arith.constant 1 : i32
    %dma_wait3A_50 = arith.constant 0 : i32
    %dma_wait3A_51 = arith.constant 0 : i32
    %dma_wait3A_52 = tpu.memref_slice %arg11[%dma_wait3A_49, %dma_wait3A_50, %dma_wait3A_51] : memref<2x128x128xf32, #tpu.memory_space<vmem>> -> memref<1x128x128xf32, #tpu.memory_space<vmem>>
    %dma_wait3A_53 = tpu.memref_squeeze %dma_wait3A_52 : memref<1x128x128xf32, #tpu.memory_space<vmem>> -> memref<128x128xf32, #tpu.memory_space<vmem>>
    %dma_wait3A_54 = arith.constant 0 : i32
    %dma_wait3A_55 = tpu.memref_slice %arg9[%dma_wait3A_48, %dma_wait3A_54] : memref<40x128xi32, #tpu.memory_space<vmem>> -> memref<1x128xi32, #tpu.memory_space<vmem>>
    %dma_wait3A_56 = tpu.memref_squeeze %dma_wait3A_55 : memref<1x128xi32, #tpu.memory_space<vmem>> -> memref<128xi32, #tpu.memory_space<vmem>>
    %dma_wait3A_57 = arith.constant 0 : i32
    %dma_wait3A_58 = arith.constant 0 : i32
    %dma_wait3A_59 = tpu.memref_slice %arg2[%dma_wait3A_57, %dma_wait3A_58] : memref<10240x128xf32, #tpu.memory_space<hbm>> -> memref<10240x128xf32, #tpu.memory_space<hbm>>
    tpu.wait_indirect_dma semaphore(%arg13 : memref<!tpu.dma_semaphore, #tpu.memory_space<semaphore_mem>>) src(%dma_wait3A_59 : memref<10240x128xf32, #tpu.memory_space<hbm>>) dst(%dma_wait3A_53 : memref<128x128xf32, #tpu.memory_space<vmem>>)
    %barrier3A_60 = arith.constant 0 : index
    tpu.barrier barrier_id(%barrier3A_60)
    %eq3A = arith.constant 0 : i32
    %eq3A_61 = arith.cmpi eq, %arg0, %eq3A : i32
    %convert_element_type3A = arith.extui %eq3A_61 : i1 to i32
    %cond3A = arith.constant 0 : i32
    %cond3A_62 = arith.cmpi ne, %convert_element_type3A, %cond3A : i32
    scf.if %cond3A_62 {
      %mul3A_216 = arith.constant 640 : i32
      %mul3A_217 = arith.muli %arg1, %mul3A_216 : i32
      %mul3A_218 = arith.constant 640 : i32
      %mul3A_219 = arith.muli %arg1, %mul3A_218 : i32
      %run_scoped3A = arith.constant 0 : i32
      "tpu.region"() ({
        %run_scoped3A_220 = tpu.sem_alloc : memref<!tpu.dma_semaphore, #tpu.memory_space<semaphore_mem>>
        %dma_start3A_221 = arith.constant 0 : i32
        %dma_start3A_222 = tpu.memref_slice %arg8[%run_scoped3A, %mul3A_219, %dma_start3A_221] : memref<6x10240x128xf32, #tpu.memory_space<hbm>> -> memref<1x640x128xf32, #tpu.memory_space<hbm>>
        %dma_start3A_223 = tpu.memref_squeeze %dma_start3A_222 : memref<1x640x128xf32, #tpu.memory_space<hbm>> -> memref<640x128xf32, #tpu.memory_space<hbm>>
        %dma_start3A_224 = arith.constant 0 : i32
        %dma_start3A_225 = tpu.memref_slice %arg16[%mul3A_217, %dma_start3A_224] : memref<10240x128xf32, #tpu.memory_space<vmem_shared>> -> memref<640x128xf32, #tpu.memory_space<vmem_shared>>
        tpu.enqueue_dma source(%dma_start3A_225 : memref<640x128xf32, #tpu.memory_space<vmem_shared>>) target(%dma_start3A_223 : memref<640x128xf32, #tpu.memory_space<hbm>>) target_semaphore(%run_scoped3A_220 : memref<!tpu.dma_semaphore, #tpu.memory_space<semaphore_mem>>)
        %dma_wait3A_226 = arith.constant 0 : i32
        %dma_wait3A_227 = tpu.memref_slice %arg8[%run_scoped3A, %mul3A_219, %dma_wait3A_226] : memref<6x10240x128xf32, #tpu.memory_space<hbm>> -> memref<1x640x128xf32, #tpu.memory_space<hbm>>
        %dma_wait3A_228 = tpu.memref_squeeze %dma_wait3A_227 : memref<1x640x128xf32, #tpu.memory_space<hbm>> -> memref<640x128xf32, #tpu.memory_space<hbm>>
        %dma_wait3A_229 = arith.constant 0 : i32
        %dma_wait3A_230 = tpu.memref_slice %arg16[%mul3A_217, %dma_wait3A_229] : memref<10240x128xf32, #tpu.memory_space<vmem_shared>> -> memref<640x128xf32, #tpu.memory_space<vmem_shared>>
        tpu.wait_dma2 semaphore(%run_scoped3A_220 : memref<!tpu.dma_semaphore, #tpu.memory_space<semaphore_mem>>) src(%dma_wait3A_230 : memref<640x128xf32, #tpu.memory_space<vmem_shared>>) dst(%dma_wait3A_228 : memref<640x128xf32, #tpu.memory_space<hbm>>)
        tpu.yield
      }) : () -> ()
    } else {
    }
    %eq3A_63 = arith.constant 1 : i32
    %eq3A_64 = arith.cmpi eq, %arg0, %eq3A_63 : i32
    %convert_element_type3A_65 = arith.extui %eq3A_64 : i1 to i32
    %cond3A_66 = arith.constant 0 : i32
    %cond3A_67 = arith.cmpi ne, %convert_element_type3A_65, %cond3A_66 : i32
    scf.if %cond3A_67 {
      %mul3A_216 = arith.constant 640 : i32
      %mul3A_217 = arith.muli %arg1, %mul3A_216 : i32
      %mul3A_218 = arith.constant 640 : i32
      %mul3A_219 = arith.muli %arg1, %mul3A_218 : i32
      %run_scoped3A = arith.constant 3 : i32
      "tpu.region"() ({
        %run_scoped3A_220 = tpu.sem_alloc : memref<!tpu.dma_semaphore, #tpu.memory_space<semaphore_mem>>
        %dma_start3A_221 = arith.constant 0 : i32
        %dma_start3A_222 = tpu.memref_slice %arg8[%run_scoped3A, %mul3A_219, %dma_start3A_221] : memref<6x10240x128xf32, #tpu.memory_space<hbm>> -> memref<1x640x128xf32, #tpu.memory_space<hbm>>
        %dma_start3A_223 = tpu.memref_squeeze %dma_start3A_222 : memref<1x640x128xf32, #tpu.memory_space<hbm>> -> memref<640x128xf32, #tpu.memory_space<hbm>>
        %dma_start3A_224 = arith.constant 0 : i32
        %dma_start3A_225 = tpu.memref_slice %arg16[%mul3A_217, %dma_start3A_224] : memref<10240x128xf32, #tpu.memory_space<vmem_shared>> -> memref<640x128xf32, #tpu.memory_space<vmem_shared>>
        tpu.enqueue_dma source(%dma_start3A_225 : memref<640x128xf32, #tpu.memory_space<vmem_shared>>) target(%dma_start3A_223 : memref<640x128xf32, #tpu.memory_space<hbm>>) target_semaphore(%run_scoped3A_220 : memref<!tpu.dma_semaphore, #tpu.memory_space<semaphore_mem>>)
        %dma_wait3A_226 = arith.constant 0 : i32
        %dma_wait3A_227 = tpu.memref_slice %arg8[%run_scoped3A, %mul3A_219, %dma_wait3A_226] : memref<6x10240x128xf32, #tpu.memory_space<hbm>> -> memref<1x640x128xf32, #tpu.memory_space<hbm>>
        %dma_wait3A_228 = tpu.memref_squeeze %dma_wait3A_227 : memref<1x640x128xf32, #tpu.memory_space<hbm>> -> memref<640x128xf32, #tpu.memory_space<hbm>>
        %dma_wait3A_229 = arith.constant 0 : i32
        %dma_wait3A_230 = tpu.memref_slice %arg16[%mul3A_217, %dma_wait3A_229] : memref<10240x128xf32, #tpu.memory_space<vmem_shared>> -> memref<640x128xf32, #tpu.memory_space<vmem_shared>>
        tpu.wait_dma2 semaphore(%run_scoped3A_220 : memref<!tpu.dma_semaphore, #tpu.memory_space<semaphore_mem>>) src(%dma_wait3A_230 : memref<640x128xf32, #tpu.memory_space<vmem_shared>>) dst(%dma_wait3A_228 : memref<640x128xf32, #tpu.memory_space<hbm>>)
        tpu.yield
      }) : () -> ()
    } else {
    }
    %mul3A_68 = arith.constant 640 : i32
    %mul3A_69 = arith.muli %arg1, %mul3A_68 : i32
    %mul3A_70 = arith.constant 640 : i32
    %mul3A_71 = arith.muli %arg1, %mul3A_70 : i32
    "tpu.region"() ({
      %run_scoped3A = tpu.sem_alloc : memref<!tpu.dma_semaphore, #tpu.memory_space<semaphore_mem>>
      %dma_start3A_216 = arith.constant 0 : i32
      %dma_start3A_217 = tpu.memref_slice %arg16[%mul3A_71, %dma_start3A_216] : memref<10240x128xf32, #tpu.memory_space<vmem_shared>> -> memref<640x128xf32, #tpu.memory_space<vmem_shared>>
      %dma_start3A_218 = arith.constant 0 : i32
      %dma_start3A_219 = tpu.memref_slice %arg7[%mul3A_69, %dma_start3A_218] : memref<10240x128xf32, #tpu.memory_space<hbm>> -> memref<640x128xf32, #tpu.memory_space<hbm>>
      tpu.enqueue_dma source(%dma_start3A_219 : memref<640x128xf32, #tpu.memory_space<hbm>>) target(%dma_start3A_217 : memref<640x128xf32, #tpu.memory_space<vmem_shared>>) target_semaphore(%run_scoped3A : memref<!tpu.dma_semaphore, #tpu.memory_space<semaphore_mem>>)
      %dma_wait3A_220 = arith.constant 0 : i32
      %dma_wait3A_221 = tpu.memref_slice %arg16[%mul3A_71, %dma_wait3A_220] : memref<10240x128xf32, #tpu.memory_space<vmem_shared>> -> memref<640x128xf32, #tpu.memory_space<vmem_shared>>
      %dma_wait3A_222 = arith.constant 0 : i32
      %dma_wait3A_223 = tpu.memref_slice %arg7[%mul3A_69, %dma_wait3A_222] : memref<10240x128xf32, #tpu.memory_space<hbm>> -> memref<640x128xf32, #tpu.memory_space<hbm>>
      tpu.wait_dma2 semaphore(%run_scoped3A : memref<!tpu.dma_semaphore, #tpu.memory_space<semaphore_mem>>) src(%dma_wait3A_223 : memref<640x128xf32, #tpu.memory_space<hbm>>) dst(%dma_wait3A_221 : memref<640x128xf32, #tpu.memory_space<vmem_shared>>)
      tpu.yield
    }) : () -> ()
    %mul3A_72 = arith.constant 80 : i32
    %mul3A_73 = arith.muli %add3A, %mul3A_72 : i32
    "tpu.region"() ({
      %run_scoped3A = tpu.sem_alloc : memref<!tpu.dma_semaphore, #tpu.memory_space<semaphore_mem>>
      %dma_start3A_216 = arith.constant 0 : i32
      %dma_start3A_217 = tpu.memref_slice %arg5[%mul3A_73, %dma_start3A_216] : memref<2560x128xi32, #tpu.memory_space<hbm>> -> memref<40x128xi32, #tpu.memory_space<hbm>>
      %dma_start3A_218 = arith.constant 0 : i32
      %dma_start3A_219 = tpu.memref_slice %arg5[%mul3A_73, %dma_start3A_218] : memref<2560x128xi32, #tpu.memory_space<hbm>> -> memref<40x128xi32, #tpu.memory_space<hbm>>
      tpu.enqueue_dma source(%dma_start3A_219 : memref<40x128xi32, #tpu.memory_space<hbm>>) target(%arg9 : memref<40x128xi32, #tpu.memory_space<vmem>>) target_semaphore(%run_scoped3A : memref<!tpu.dma_semaphore, #tpu.memory_space<semaphore_mem>>)
      %dma_wait3A_220 = arith.constant 0 : i32
      %dma_wait3A_221 = tpu.memref_slice %arg5[%mul3A_73, %dma_wait3A_220] : memref<2560x128xi32, #tpu.memory_space<hbm>> -> memref<40x128xi32, #tpu.memory_space<hbm>>
      %dma_wait3A_222 = arith.constant 0 : i32
      %dma_wait3A_223 = tpu.memref_slice %arg5[%mul3A_73, %dma_wait3A_222] : memref<2560x128xi32, #tpu.memory_space<hbm>> -> memref<40x128xi32, #tpu.memory_space<hbm>>
      tpu.wait_dma2 semaphore(%run_scoped3A : memref<!tpu.dma_semaphore, #tpu.memory_space<semaphore_mem>>) src(%dma_wait3A_223 : memref<40x128xi32, #tpu.memory_space<hbm>>) dst(%arg9 : memref<40x128xi32, #tpu.memory_space<vmem>>)
      tpu.yield
    }) : () -> ()
    %mul3A_74 = arith.constant 80 : i32
    %mul3A_75 = arith.muli %add3A, %mul3A_74 : i32
    "tpu.region"() ({
      %run_scoped3A = tpu.sem_alloc : memref<!tpu.dma_semaphore, #tpu.memory_space<semaphore_mem>>
      %dma_start3A_216 = arith.constant 0 : i32
      %dma_start3A_217 = tpu.memref_slice %arg6[%mul3A_75, %dma_start3A_216] : memref<2560x128xi32, #tpu.memory_space<hbm>> -> memref<40x128xi32, #tpu.memory_space<hbm>>
      %dma_start3A_218 = arith.constant 0 : i32
      %dma_start3A_219 = tpu.memref_slice %arg6[%mul3A_75, %dma_start3A_218] : memref<2560x128xi32, #tpu.memory_space<hbm>> -> memref<40x128xi32, #tpu.memory_space<hbm>>
      tpu.enqueue_dma source(%dma_start3A_219 : memref<40x128xi32, #tpu.memory_space<hbm>>) target(%arg10 : memref<40x128xi32, #tpu.memory_space<vmem>>) target_semaphore(%run_scoped3A : memref<!tpu.dma_semaphore, #tpu.memory_space<semaphore_mem>>)
      %dma_wait3A_220 = arith.constant 0 : i32
      %dma_wait3A_221 = tpu.memref_slice %arg6[%mul3A_75, %dma_wait3A_220] : memref<2560x128xi32, #tpu.memory_space<hbm>> -> memref<40x128xi32, #tpu.memory_space<hbm>>
      %dma_wait3A_222 = arith.constant 0 : i32
      %dma_wait3A_223 = tpu.memref_slice %arg6[%mul3A_75, %dma_wait3A_222] : memref<2560x128xi32, #tpu.memory_space<hbm>> -> memref<40x128xi32, #tpu.memory_space<hbm>>
      tpu.wait_dma2 semaphore(%run_scoped3A : memref<!tpu.dma_semaphore, #tpu.memory_space<semaphore_mem>>) src(%dma_wait3A_223 : memref<40x128xi32, #tpu.memory_space<hbm>>) dst(%arg10 : memref<40x128xi32, #tpu.memory_space<vmem>>)
      tpu.yield
    }) : () -> ()
    %barrier3A_76 = arith.constant 0 : index
    tpu.barrier barrier_id(%barrier3A_76)
    %dma_start3A_77 = arith.constant 0 : i32
    %dma_start3A_78 = arith.constant 0 : i32
    %dma_start3A_79 = arith.constant 0 : i32
    %dma_start3A_80 = arith.constant 0 : i32
    %dma_start3A_81 = tpu.memref_slice %arg11[%dma_start3A_78, %dma_start3A_79, %dma_start3A_80] : memref<2x128x128xf32, #tpu.memory_space<vmem>> -> memref<1x128x128xf32, #tpu.memory_space<vmem>>
    %dma_start3A_82 = tpu.memref_squeeze %dma_start3A_81 : memref<1x128x128xf32, #tpu.memory_space<vmem>> -> memref<128x128xf32, #tpu.memory_space<vmem>>
    %dma_start3A_83 = arith.constant 0 : i32
    %dma_start3A_84 = tpu.memref_slice %arg9[%dma_start3A_77, %dma_start3A_83] : memref<40x128xi32, #tpu.memory_space<vmem>> -> memref<1x128xi32, #tpu.memory_space<vmem>>
    %dma_start3A_85 = tpu.memref_squeeze %dma_start3A_84 : memref<1x128xi32, #tpu.memory_space<vmem>> -> memref<128xi32, #tpu.memory_space<vmem>>
    %dma_start3A_86 = arith.constant 0 : i32
    %dma_start3A_87 = arith.constant 0 : i32
    %dma_start3A_88 = tpu.memref_slice %arg3[%dma_start3A_86, %dma_start3A_87] : memref<10240x128xf32, #tpu.memory_space<hbm>> -> memref<10240x128xf32, #tpu.memory_space<hbm>>
    tpu.enqueue_indirect_dma source(%dma_start3A_88 : memref<10240x128xf32, #tpu.memory_space<hbm>>) target(%dma_start3A_82 : memref<128x128xf32, #tpu.memory_space<vmem>>) offsets(%dma_start3A_85 : memref<128xi32, #tpu.memory_space<vmem>>) semaphore(%arg12 : memref<!tpu.dma_semaphore, #tpu.memory_space<semaphore_mem>>)
    %dma_start3A_89 = arith.constant 1 : i32
    %dma_start3A_90 = arith.constant 1 : i32
    %dma_start3A_91 = arith.constant 0 : i32
    %dma_start3A_92 = arith.constant 0 : i32
    %dma_start3A_93 = tpu.memref_slice %arg11[%dma_start3A_90, %dma_start3A_91, %dma_start3A_92] : memref<2x128x128xf32, #tpu.memory_space<vmem>> -> memref<1x128x128xf32, #tpu.memory_space<vmem>>
    %dma_start3A_94 = tpu.memref_squeeze %dma_start3A_93 : memref<1x128x128xf32, #tpu.memory_space<vmem>> -> memref<128x128xf32, #tpu.memory_space<vmem>>
    %dma_start3A_95 = arith.constant 0 : i32
    %dma_start3A_96 = tpu.memref_slice %arg9[%dma_start3A_89, %dma_start3A_95] : memref<40x128xi32, #tpu.memory_space<vmem>> -> memref<1x128xi32, #tpu.memory_space<vmem>>
    %dma_start3A_97 = tpu.memref_squeeze %dma_start3A_96 : memref<1x128xi32, #tpu.memory_space<vmem>> -> memref<128xi32, #tpu.memory_space<vmem>>
    %dma_start3A_98 = arith.constant 0 : i32
    %dma_start3A_99 = arith.constant 0 : i32
    %dma_start3A_100 = tpu.memref_slice %arg3[%dma_start3A_98, %dma_start3A_99] : memref<10240x128xf32, #tpu.memory_space<hbm>> -> memref<10240x128xf32, #tpu.memory_space<hbm>>
    tpu.enqueue_indirect_dma source(%dma_start3A_100 : memref<10240x128xf32, #tpu.memory_space<hbm>>) target(%dma_start3A_94 : memref<128x128xf32, #tpu.memory_space<vmem>>) offsets(%dma_start3A_97 : memref<128xi32, #tpu.memory_space<vmem>>) semaphore(%arg13 : memref<!tpu.dma_semaphore, #tpu.memory_space<semaphore_mem>>)
    %scan3A_101 = arith.constant 0 : i32
    %scan3A_102 = arith.constant 0 : i32
    %scan3A_103 = arith.constant 40 : i32
    %scan3A_104 = arith.addi %scan3A_102, %scan3A_103 : i32
    %scan3A_105 = arith.constant 1 : i32
    scf.for %scan3A_216 = %scan3A_102 to %scan3A_104 step %scan3A_105  : i32 {
      %mul3A_217 = arith.constant 2 : i32
      %mul3A_218 = arith.muli %scan3A_216, %mul3A_217 : i32
      %ge3A = arith.constant 40 : i32
      %ge3A_219 = arith.cmpi sge, %mul3A_218, %ge3A : i32
      %jit3A = arith.constant 40 : i32
      %jit3A_220 = arith.constant 0 : i32
      %select_n3A = arith.select %ge3A_219, %jit3A, %jit3A_220 : i32
      %dma_wait3A_221 = arith.constant 0 : i32
      %dma_wait3A_222 = arith.constant 0 : i32
      %dma_wait3A_223 = arith.constant 0 : i32
      %dma_wait3A_224 = arith.constant 0 : i32
      %dma_wait3A_225 = tpu.memref_slice %arg11[%dma_wait3A_222, %dma_wait3A_223, %dma_wait3A_224] : memref<2x128x128xf32, #tpu.memory_space<vmem>> -> memref<1x128x128xf32, #tpu.memory_space<vmem>>
      %dma_wait3A_226 = tpu.memref_squeeze %dma_wait3A_225 : memref<1x128x128xf32, #tpu.memory_space<vmem>> -> memref<128x128xf32, #tpu.memory_space<vmem>>
      %dma_wait3A_227 = arith.constant 0 : i32
      %dma_wait3A_228 = tpu.memref_slice %arg9[%dma_wait3A_221, %dma_wait3A_227] : memref<40x128xi32, #tpu.memory_space<vmem>> -> memref<1x128xi32, #tpu.memory_space<vmem>>
      %dma_wait3A_229 = tpu.memref_squeeze %dma_wait3A_228 : memref<1x128xi32, #tpu.memory_space<vmem>> -> memref<128xi32, #tpu.memory_space<vmem>>
      %dma_wait3A_230 = arith.constant 0 : i32
      %dma_wait3A_231 = arith.constant 0 : i32
      %dma_wait3A_232 = tpu.memref_slice %arg3[%dma_wait3A_230, %dma_wait3A_231] : memref<10240x128xf32, #tpu.memory_space<hbm>> -> memref<10240x128xf32, #tpu.memory_space<hbm>>
      tpu.wait_indirect_dma semaphore(%arg12 : memref<!tpu.dma_semaphore, #tpu.memory_space<semaphore_mem>>) src(%dma_wait3A_232 : memref<10240x128xf32, #tpu.memory_space<hbm>>) dst(%dma_wait3A_226 : memref<128x128xf32, #tpu.memory_space<vmem>>)
      %add3A_233 = arith.constant 0 : i32
      %add3A_234 = arith.addi %mul3A_218, %add3A_233 : i32
      %sub3A = arith.subi %add3A_234, %select_n3A : i32
      %dma_start3A_235 = arith.constant 0 : i32
      %dma_start3A_236 = arith.constant 0 : i32
      %dma_start3A_237 = arith.constant 0 : i32
      %dma_start3A_238 = tpu.memref_slice %arg11[%dma_start3A_235, %dma_start3A_236, %dma_start3A_237] : memref<2x128x128xf32, #tpu.memory_space<vmem>> -> memref<1x128x128xf32, #tpu.memory_space<vmem>>
      %dma_start3A_239 = tpu.memref_squeeze %dma_start3A_238 : memref<1x128x128xf32, #tpu.memory_space<vmem>> -> memref<128x128xf32, #tpu.memory_space<vmem>>
      %dma_start3A_240 = arith.constant 0 : i32
      %dma_start3A_241 = tpu.memref_slice %arg10[%sub3A, %dma_start3A_240] : memref<40x128xi32, #tpu.memory_space<vmem>> -> memref<1x128xi32, #tpu.memory_space<vmem>>
      %dma_start3A_242 = tpu.memref_squeeze %dma_start3A_241 : memref<1x128xi32, #tpu.memory_space<vmem>> -> memref<128xi32, #tpu.memory_space<vmem>>
      %dma_start3A_243 = arith.constant 0 : i32
      %dma_start3A_244 = arith.constant 0 : i32
      %dma_start3A_245 = tpu.memref_slice %arg16[%dma_start3A_243, %dma_start3A_244] : memref<10240x128xf32, #tpu.memory_space<vmem_shared>> -> memref<10240x128xf32, #tpu.memory_space<vmem_shared>>
      tpu.enqueue_indirect_dma source(%dma_start3A_239 : memref<128x128xf32, #tpu.memory_space<vmem>>) target(%dma_start3A_245 : memref<10240x128xf32, #tpu.memory_space<vmem_shared>>) offsets(%dma_start3A_242 : memref<128xi32, #tpu.memory_space<vmem>>) semaphore(%arg14 : memref<!tpu.dma_semaphore, #tpu.memory_space<semaphore_mem>>) {add = true}
      %dma_wait3A_246 = arith.constant 0 : i32
      %dma_wait3A_247 = arith.constant 1 : i32
      %dma_wait3A_248 = arith.constant 0 : i32
      %dma_wait3A_249 = arith.constant 0 : i32
      %dma_wait3A_250 = tpu.memref_slice %arg11[%dma_wait3A_247, %dma_wait3A_248, %dma_wait3A_249] : memref<2x128x128xf32, #tpu.memory_space<vmem>> -> memref<1x128x128xf32, #tpu.memory_space<vmem>>
      %dma_wait3A_251 = tpu.memref_squeeze %dma_wait3A_250 : memref<1x128x128xf32, #tpu.memory_space<vmem>> -> memref<128x128xf32, #tpu.memory_space<vmem>>
      %dma_wait3A_252 = arith.constant 0 : i32
      %dma_wait3A_253 = tpu.memref_slice %arg9[%dma_wait3A_246, %dma_wait3A_252] : memref<40x128xi32, #tpu.memory_space<vmem>> -> memref<1x128xi32, #tpu.memory_space<vmem>>
      %dma_wait3A_254 = tpu.memref_squeeze %dma_wait3A_253 : memref<1x128xi32, #tpu.memory_space<vmem>> -> memref<128xi32, #tpu.memory_space<vmem>>
      %dma_wait3A_255 = arith.constant 0 : i32
      %dma_wait3A_256 = arith.constant 0 : i32
      %dma_wait3A_257 = tpu.memref_slice %arg3[%dma_wait3A_255, %dma_wait3A_256] : memref<10240x128xf32, #tpu.memory_space<hbm>> -> memref<10240x128xf32, #tpu.memory_space<hbm>>
      tpu.wait_indirect_dma semaphore(%arg13 : memref<!tpu.dma_semaphore, #tpu.memory_space<semaphore_mem>>) src(%dma_wait3A_257 : memref<10240x128xf32, #tpu.memory_space<hbm>>) dst(%dma_wait3A_251 : memref<128x128xf32, #tpu.memory_space<vmem>>)
      %add3A_258 = arith.constant 1 : i32
      %add3A_259 = arith.addi %mul3A_218, %add3A_258 : i32
      %sub3A_260 = arith.subi %add3A_259, %select_n3A : i32
      %dma_start3A_261 = arith.constant 1 : i32
      %dma_start3A_262 = arith.constant 0 : i32
      %dma_start3A_263 = arith.constant 0 : i32
      %dma_start3A_264 = tpu.memref_slice %arg11[%dma_start3A_261, %dma_start3A_262, %dma_start3A_263] : memref<2x128x128xf32, #tpu.memory_space<vmem>> -> memref<1x128x128xf32, #tpu.memory_space<vmem>>
      %dma_start3A_265 = tpu.memref_squeeze %dma_start3A_264 : memref<1x128x128xf32, #tpu.memory_space<vmem>> -> memref<128x128xf32, #tpu.memory_space<vmem>>
      %dma_start3A_266 = arith.constant 0 : i32
      %dma_start3A_267 = tpu.memref_slice %arg10[%sub3A_260, %dma_start3A_266] : memref<40x128xi32, #tpu.memory_space<vmem>> -> memref<1x128xi32, #tpu.memory_space<vmem>>
      %dma_start3A_268 = tpu.memref_squeeze %dma_start3A_267 : memref<1x128xi32, #tpu.memory_space<vmem>> -> memref<128xi32, #tpu.memory_space<vmem>>
      %dma_start3A_269 = arith.constant 0 : i32
      %dma_start3A_270 = arith.constant 0 : i32
      %dma_start3A_271 = tpu.memref_slice %arg16[%dma_start3A_269, %dma_start3A_270] : memref<10240x128xf32, #tpu.memory_space<vmem_shared>> -> memref<10240x128xf32, #tpu.memory_space<vmem_shared>>
      tpu.enqueue_indirect_dma source(%dma_start3A_265 : memref<128x128xf32, #tpu.memory_space<vmem>>) target(%dma_start3A_271 : memref<10240x128xf32, #tpu.memory_space<vmem_shared>>) offsets(%dma_start3A_268 : memref<128xi32, #tpu.memory_space<vmem>>) semaphore(%arg15 : memref<!tpu.dma_semaphore, #tpu.memory_space<semaphore_mem>>) {add = true}
      %dma_wait3A_272 = arith.constant 0 : i32
      %dma_wait3A_273 = arith.constant 0 : i32
      %dma_wait3A_274 = arith.constant 0 : i32
      %dma_wait3A_275 = arith.constant 0 : i32
      %dma_wait3A_276 = tpu.memref_slice %arg11[%dma_wait3A_272, %dma_wait3A_274, %dma_wait3A_275] : memref<2x128x128xf32, #tpu.memory_space<vmem>> -> memref<1x128x128xf32, #tpu.memory_space<vmem>>
      %dma_wait3A_277 = tpu.memref_squeeze %dma_wait3A_276 : memref<1x128x128xf32, #tpu.memory_space<vmem>> -> memref<128x128xf32, #tpu.memory_space<vmem>>
      %dma_wait3A_278 = arith.constant 0 : i32
      %dma_wait3A_279 = tpu.memref_slice %arg10[%dma_wait3A_273, %dma_wait3A_278] : memref<40x128xi32, #tpu.memory_space<vmem>> -> memref<1x128xi32, #tpu.memory_space<vmem>>
      %dma_wait3A_280 = tpu.memref_squeeze %dma_wait3A_279 : memref<1x128xi32, #tpu.memory_space<vmem>> -> memref<128xi32, #tpu.memory_space<vmem>>
      %dma_wait3A_281 = arith.constant 0 : i32
      %dma_wait3A_282 = arith.constant 0 : i32
      %dma_wait3A_283 = tpu.memref_slice %arg16[%dma_wait3A_281, %dma_wait3A_282] : memref<10240x128xf32, #tpu.memory_space<vmem_shared>> -> memref<10240x128xf32, #tpu.memory_space<vmem_shared>>
      tpu.wait_indirect_dma semaphore(%arg14 : memref<!tpu.dma_semaphore, #tpu.memory_space<semaphore_mem>>) src(%dma_wait3A_277 : memref<128x128xf32, #tpu.memory_space<vmem>>) dst(%dma_wait3A_283 : memref<10240x128xf32, #tpu.memory_space<vmem_shared>>)
      %dma_wait3A_284 = arith.constant 1 : i32
      %dma_wait3A_285 = arith.constant 0 : i32
      %dma_wait3A_286 = arith.constant 0 : i32
      %dma_wait3A_287 = arith.constant 0 : i32
      %dma_wait3A_288 = tpu.memref_slice %arg11[%dma_wait3A_284, %dma_wait3A_286, %dma_wait3A_287] : memref<2x128x128xf32, #tpu.memory_space<vmem>> -> memref<1x128x128xf32, #tpu.memory_space<vmem>>
      %dma_wait3A_289 = tpu.memref_squeeze %dma_wait3A_288 : memref<1x128x128xf32, #tpu.memory_space<vmem>> -> memref<128x128xf32, #tpu.memory_space<vmem>>
      %dma_wait3A_290 = arith.constant 0 : i32
      %dma_wait3A_291 = tpu.memref_slice %arg10[%dma_wait3A_285, %dma_wait3A_290] : memref<40x128xi32, #tpu.memory_space<vmem>> -> memref<1x128xi32, #tpu.memory_space<vmem>>
      %dma_wait3A_292 = tpu.memref_squeeze %dma_wait3A_291 : memref<1x128xi32, #tpu.memory_space<vmem>> -> memref<128xi32, #tpu.memory_space<vmem>>
      %dma_wait3A_293 = arith.constant 0 : i32
      %dma_wait3A_294 = arith.constant 0 : i32
      %dma_wait3A_295 = tpu.memref_slice %arg16[%dma_wait3A_293, %dma_wait3A_294] : memref<10240x128xf32, #tpu.memory_space<vmem_shared>> -> memref<10240x128xf32, #tpu.memory_space<vmem_shared>>
      tpu.wait_indirect_dma semaphore(%arg15 : memref<!tpu.dma_semaphore, #tpu.memory_space<semaphore_mem>>) src(%dma_wait3A_289 : memref<128x128xf32, #tpu.memory_space<vmem>>) dst(%dma_wait3A_295 : memref<10240x128xf32, #tpu.memory_space<vmem_shared>>)
      %eq3A_296 = arith.constant 19 : i32
      %eq3A_297 = arith.cmpi eq, %scan3A_216, %eq3A_296 : i32
      %convert_element_type3A_298 = arith.extui %eq3A_297 : i1 to i32
      %cond3A_299 = arith.constant 0 : i32
      %cond3A_300 = arith.cmpi ne, %convert_element_type3A_298, %cond3A_299 : i32
      scf.if %cond3A_300 {
        %mul3A_346 = arith.constant 80 : i32
        %mul3A_347 = arith.muli %add3A, %mul3A_346 : i32
        %add3A_348 = arith.constant 40 : i32
        %add3A_349 = arith.addi %mul3A_347, %add3A_348 : i32
        "tpu.region"() ({
          %run_scoped3A = tpu.sem_alloc : memref<!tpu.dma_semaphore, #tpu.memory_space<semaphore_mem>>
          %dma_start3A_354 = arith.constant 0 : i32
          %dma_start3A_355 = tpu.memref_slice %arg5[%add3A_349, %dma_start3A_354] : memref<2560x128xi32, #tpu.memory_space<hbm>> -> memref<40x128xi32, #tpu.memory_space<hbm>>
          %dma_start3A_356 = arith.constant 0 : i32
          %dma_start3A_357 = tpu.memref_slice %arg5[%add3A_349, %dma_start3A_356] : memref<2560x128xi32, #tpu.memory_space<hbm>> -> memref<40x128xi32, #tpu.memory_space<hbm>>
          tpu.enqueue_dma source(%dma_start3A_357 : memref<40x128xi32, #tpu.memory_space<hbm>>) target(%arg9 : memref<40x128xi32, #tpu.memory_space<vmem>>) target_semaphore(%run_scoped3A : memref<!tpu.dma_semaphore, #tpu.memory_space<semaphore_mem>>)
          %dma_wait3A_358 = arith.constant 0 : i32
          %dma_wait3A_359 = tpu.memref_slice %arg5[%add3A_349, %dma_wait3A_358] : memref<2560x128xi32, #tpu.memory_space<hbm>> -> memref<40x128xi32, #tpu.memory_space<hbm>>
          %dma_wait3A_360 = arith.constant 0 : i32
          %dma_wait3A_361 = tpu.memref_slice %arg5[%add3A_349, %dma_wait3A_360] : memref<2560x128xi32, #tpu.memory_space<hbm>> -> memref<40x128xi32, #tpu.memory_space<hbm>>
          tpu.wait_dma2 semaphore(%run_scoped3A : memref<!tpu.dma_semaphore, #tpu.memory_space<semaphore_mem>>) src(%dma_wait3A_361 : memref<40x128xi32, #tpu.memory_space<hbm>>) dst(%arg9 : memref<40x128xi32, #tpu.memory_space<vmem>>)
          tpu.yield
        }) : () -> ()
        %mul3A_350 = arith.constant 80 : i32
        %mul3A_351 = arith.muli %add3A, %mul3A_350 : i32
        %add3A_352 = arith.constant 40 : i32
        %add3A_353 = arith.addi %mul3A_351, %add3A_352 : i32
        "tpu.region"() ({
          %run_scoped3A = tpu.sem_alloc : memref<!tpu.dma_semaphore, #tpu.memory_space<semaphore_mem>>
          %dma_start3A_354 = arith.constant 0 : i32
          %dma_start3A_355 = tpu.memref_slice %arg6[%add3A_353, %dma_start3A_354] : memref<2560x128xi32, #tpu.memory_space<hbm>> -> memref<40x128xi32, #tpu.memory_space<hbm>>
          %dma_start3A_356 = arith.constant 0 : i32
          %dma_start3A_357 = tpu.memref_slice %arg6[%add3A_353, %dma_start3A_356] : memref<2560x128xi32, #tpu.memory_space<hbm>> -> memref<40x128xi32, #tpu.memory_space<hbm>>
          tpu.enqueue_dma source(%dma_start3A_357 : memref<40x128xi32, #tpu.memory_space<hbm>>) target(%arg10 : memref<40x128xi32, #tpu.memory_space<vmem>>) target_semaphore(%run_scoped3A : memref<!tpu.dma_semaphore, #tpu.memory_space<semaphore_mem>>)
          %dma_wait3A_358 = arith.constant 0 : i32
          %dma_wait3A_359 = tpu.memref_slice %arg6[%add3A_353, %dma_wait3A_358] : memref<2560x128xi32, #tpu.memory_space<hbm>> -> memref<40x128xi32, #tpu.memory_space<hbm>>
          %dma_wait3A_360 = arith.constant 0 : i32
          %dma_wait3A_361 = tpu.memref_slice %arg6[%add3A_353, %dma_wait3A_360] : memref<2560x128xi32, #tpu.memory_space<hbm>> -> memref<40x128xi32, #tpu.memory_space<hbm>>
          tpu.wait_dma2 semaphore(%run_scoped3A : memref<!tpu.dma_semaphore, #tpu.memory_space<semaphore_mem>>) src(%dma_wait3A_361 : memref<40x128xi32, #tpu.memory_space<hbm>>) dst(%arg10 : memref<40x128xi32, #tpu.memory_space<vmem>>)
          tpu.yield
        }) : () -> ()
      } else {
      }
      %add3A_301 = arith.constant 2 : i32
      %add3A_302 = arith.addi %mul3A_218, %add3A_301 : i32
      %add3A_303 = arith.constant 0 : i32
      %add3A_304 = arith.addi %add3A_302, %add3A_303 : i32
      %min3A = arith.constant 79 : i32
      %min3A_305 = arith.minsi %add3A_304, %min3A : i32
      %ge3A_306 = arith.constant 40 : i32
      %ge3A_307 = arith.cmpi sge, %min3A_305, %ge3A_306 : i32
      %jit3A_308 = arith.constant 40 : i32
      %jit3A_309 = arith.constant 0 : i32
      %select_n3A_310 = arith.select %ge3A_307, %jit3A_308, %jit3A_309 : i32
      %sub3A_311 = arith.subi %min3A_305, %select_n3A_310 : i32
      %dma_start3A_312 = arith.constant 0 : i32
      %dma_start3A_313 = arith.constant 0 : i32
      %dma_start3A_314 = arith.constant 0 : i32
      %dma_start3A_315 = tpu.memref_slice %arg11[%dma_start3A_312, %dma_start3A_313, %dma_start3A_314] : memref<2x128x128xf32, #tpu.memory_space<vmem>> -> memref<1x128x128xf32, #tpu.memory_space<vmem>>
      %dma_start3A_316 = tpu.memref_squeeze %dma_start3A_315 : memref<1x128x128xf32, #tpu.memory_space<vmem>> -> memref<128x128xf32, #tpu.memory_space<vmem>>
      %dma_start3A_317 = arith.constant 0 : i32
      %dma_start3A_318 = tpu.memref_slice %arg9[%sub3A_311, %dma_start3A_317] : memref<40x128xi32, #tpu.memory_space<vmem>> -> memref<1x128xi32, #tpu.memory_space<vmem>>
      %dma_start3A_319 = tpu.memref_squeeze %dma_start3A_318 : memref<1x128xi32, #tpu.memory_space<vmem>> -> memref<128xi32, #tpu.memory_space<vmem>>
      %dma_start3A_320 = arith.constant 0 : i32
      %dma_start3A_321 = arith.constant 0 : i32
      %dma_start3A_322 = tpu.memref_slice %arg3[%dma_start3A_320, %dma_start3A_321] : memref<10240x128xf32, #tpu.memory_space<hbm>> -> memref<10240x128xf32, #tpu.memory_space<hbm>>
      tpu.enqueue_indirect_dma source(%dma_start3A_322 : memref<10240x128xf32, #tpu.memory_space<hbm>>) target(%dma_start3A_316 : memref<128x128xf32, #tpu.memory_space<vmem>>) offsets(%dma_start3A_319 : memref<128xi32, #tpu.memory_space<vmem>>) semaphore(%arg12 : memref<!tpu.dma_semaphore, #tpu.memory_space<semaphore_mem>>)
      %add3A_323 = arith.constant 2 : i32
      %add3A_324 = arith.addi %mul3A_218, %add3A_323 : i32
      %add3A_325 = arith.constant 1 : i32
      %add3A_326 = arith.addi %add3A_324, %add3A_325 : i32
      %min3A_327 = arith.constant 79 : i32
      %min3A_328 = arith.minsi %add3A_326, %min3A_327 : i32
      %ge3A_329 = arith.constant 40 : i32
      %ge3A_330 = arith.cmpi sge, %min3A_328, %ge3A_329 : i32
      %jit3A_331 = arith.constant 40 : i32
      %jit3A_332 = arith.constant 0 : i32
      %select_n3A_333 = arith.select %ge3A_330, %jit3A_331, %jit3A_332 : i32
      %sub3A_334 = arith.subi %min3A_328, %select_n3A_333 : i32
      %dma_start3A_335 = arith.constant 1 : i32
      %dma_start3A_336 = arith.constant 0 : i32
      %dma_start3A_337 = arith.constant 0 : i32
      %dma_start3A_338 = tpu.memref_slice %arg11[%dma_start3A_335, %dma_start3A_336, %dma_start3A_337] : memref<2x128x128xf32, #tpu.memory_space<vmem>> -> memref<1x128x128xf32, #tpu.memory_space<vmem>>
      %dma_start3A_339 = tpu.memref_squeeze %dma_start3A_338 : memref<1x128x128xf32, #tpu.memory_space<vmem>> -> memref<128x128xf32, #tpu.memory_space<vmem>>
      %dma_start3A_340 = arith.constant 0 : i32
      %dma_start3A_341 = tpu.memref_slice %arg9[%sub3A_334, %dma_start3A_340] : memref<40x128xi32, #tpu.memory_space<vmem>> -> memref<1x128xi32, #tpu.memory_space<vmem>>
      %dma_start3A_342 = tpu.memref_squeeze %dma_start3A_341 : memref<1x128xi32, #tpu.memory_space<vmem>> -> memref<128xi32, #tpu.memory_space<vmem>>
      %dma_start3A_343 = arith.constant 0 : i32
      %dma_start3A_344 = arith.constant 0 : i32
      %dma_start3A_345 = tpu.memref_slice %arg3[%dma_start3A_343, %dma_start3A_344] : memref<10240x128xf32, #tpu.memory_space<hbm>> -> memref<10240x128xf32, #tpu.memory_space<hbm>>
      tpu.enqueue_indirect_dma source(%dma_start3A_345 : memref<10240x128xf32, #tpu.memory_space<hbm>>) target(%dma_start3A_339 : memref<128x128xf32, #tpu.memory_space<vmem>>) offsets(%dma_start3A_342 : memref<128xi32, #tpu.memory_space<vmem>>) semaphore(%arg13 : memref<!tpu.dma_semaphore, #tpu.memory_space<semaphore_mem>>)
    }
    %scan3A_106 = arith.constant 40 : i32
    %dma_wait3A_107 = arith.constant 0 : i32
    %dma_wait3A_108 = arith.constant 0 : i32
    %dma_wait3A_109 = arith.constant 0 : i32
    %dma_wait3A_110 = arith.constant 0 : i32
    %dma_wait3A_111 = tpu.memref_slice %arg11[%dma_wait3A_108, %dma_wait3A_109, %dma_wait3A_110] : memref<2x128x128xf32, #tpu.memory_space<vmem>> -> memref<1x128x128xf32, #tpu.memory_space<vmem>>
    %dma_wait3A_112 = tpu.memref_squeeze %dma_wait3A_111 : memref<1x128x128xf32, #tpu.memory_space<vmem>> -> memref<128x128xf32, #tpu.memory_space<vmem>>
    %dma_wait3A_113 = arith.constant 0 : i32
    %dma_wait3A_114 = tpu.memref_slice %arg9[%dma_wait3A_107, %dma_wait3A_113] : memref<40x128xi32, #tpu.memory_space<vmem>> -> memref<1x128xi32, #tpu.memory_space<vmem>>
    %dma_wait3A_115 = tpu.memref_squeeze %dma_wait3A_114 : memref<1x128xi32, #tpu.memory_space<vmem>> -> memref<128xi32, #tpu.memory_space<vmem>>
    %dma_wait3A_116 = arith.constant 0 : i32
    %dma_wait3A_117 = arith.constant 0 : i32
    %dma_wait3A_118 = tpu.memref_slice %arg3[%dma_wait3A_116, %dma_wait3A_117] : memref<10240x128xf32, #tpu.memory_space<hbm>> -> memref<10240x128xf32, #tpu.memory_space<hbm>>
    tpu.wait_indirect_dma semaphore(%arg12 : memref<!tpu.dma_semaphore, #tpu.memory_space<semaphore_mem>>) src(%dma_wait3A_118 : memref<10240x128xf32, #tpu.memory_space<hbm>>) dst(%dma_wait3A_112 : memref<128x128xf32, #tpu.memory_space<vmem>>)
    %dma_wait3A_119 = arith.constant 0 : i32
    %dma_wait3A_120 = arith.constant 1 : i32
    %dma_wait3A_121 = arith.constant 0 : i32
    %dma_wait3A_122 = arith.constant 0 : i32
    %dma_wait3A_123 = tpu.memref_slice %arg11[%dma_wait3A_120, %dma_wait3A_121, %dma_wait3A_122] : memref<2x128x128xf32, #tpu.memory_space<vmem>> -> memref<1x128x128xf32, #tpu.memory_space<vmem>>
    %dma_wait3A_124 = tpu.memref_squeeze %dma_wait3A_123 : memref<1x128x128xf32, #tpu.memory_space<vmem>> -> memref<128x128xf32, #tpu.memory_space<vmem>>
    %dma_wait3A_125 = arith.constant 0 : i32
    %dma_wait3A_126 = tpu.memref_slice %arg9[%dma_wait3A_119, %dma_wait3A_125] : memref<40x128xi32, #tpu.memory_space<vmem>> -> memref<1x128xi32, #tpu.memory_space<vmem>>
    %dma_wait3A_127 = tpu.memref_squeeze %dma_wait3A_126 : memref<1x128xi32, #tpu.memory_space<vmem>> -> memref<128xi32, #tpu.memory_space<vmem>>
    %dma_wait3A_128 = arith.constant 0 : i32
    %dma_wait3A_129 = arith.constant 0 : i32
    %dma_wait3A_130 = tpu.memref_slice %arg3[%dma_wait3A_128, %dma_wait3A_129] : memref<10240x128xf32, #tpu.memory_space<hbm>> -> memref<10240x128xf32, #tpu.memory_space<hbm>>
    tpu.wait_indirect_dma semaphore(%arg13 : memref<!tpu.dma_semaphore, #tpu.memory_space<semaphore_mem>>) src(%dma_wait3A_130 : memref<10240x128xf32, #tpu.memory_space<hbm>>) dst(%dma_wait3A_124 : memref<128x128xf32, #tpu.memory_space<vmem>>)
    %barrier3A_131 = arith.constant 0 : index
    tpu.barrier barrier_id(%barrier3A_131)
    %eq3A_132 = arith.constant 0 : i32
    %eq3A_133 = arith.cmpi eq, %arg0, %eq3A_132 : i32
    %convert_element_type3A_134 = arith.extui %eq3A_133 : i1 to i32
    %cond3A_135 = arith.constant 0 : i32
    %cond3A_136 = arith.cmpi ne, %convert_element_type3A_134, %cond3A_135 : i32
    scf.if %cond3A_136 {
      %mul3A_216 = arith.constant 640 : i32
      %mul3A_217 = arith.muli %arg1, %mul3A_216 : i32
      %mul3A_218 = arith.constant 640 : i32
      %mul3A_219 = arith.muli %arg1, %mul3A_218 : i32
      %run_scoped3A = arith.constant 1 : i32
      "tpu.region"() ({
        %run_scoped3A_220 = tpu.sem_alloc : memref<!tpu.dma_semaphore, #tpu.memory_space<semaphore_mem>>
        %dma_start3A_221 = arith.constant 0 : i32
        %dma_start3A_222 = tpu.memref_slice %arg8[%run_scoped3A, %mul3A_219, %dma_start3A_221] : memref<6x10240x128xf32, #tpu.memory_space<hbm>> -> memref<1x640x128xf32, #tpu.memory_space<hbm>>
        %dma_start3A_223 = tpu.memref_squeeze %dma_start3A_222 : memref<1x640x128xf32, #tpu.memory_space<hbm>> -> memref<640x128xf32, #tpu.memory_space<hbm>>
        %dma_start3A_224 = arith.constant 0 : i32
        %dma_start3A_225 = tpu.memref_slice %arg16[%mul3A_217, %dma_start3A_224] : memref<10240x128xf32, #tpu.memory_space<vmem_shared>> -> memref<640x128xf32, #tpu.memory_space<vmem_shared>>
        tpu.enqueue_dma source(%dma_start3A_225 : memref<640x128xf32, #tpu.memory_space<vmem_shared>>) target(%dma_start3A_223 : memref<640x128xf32, #tpu.memory_space<hbm>>) target_semaphore(%run_scoped3A_220 : memref<!tpu.dma_semaphore, #tpu.memory_space<semaphore_mem>>)
        %dma_wait3A_226 = arith.constant 0 : i32
        %dma_wait3A_227 = tpu.memref_slice %arg8[%run_scoped3A, %mul3A_219, %dma_wait3A_226] : memref<6x10240x128xf32, #tpu.memory_space<hbm>> -> memref<1x640x128xf32, #tpu.memory_space<hbm>>
        %dma_wait3A_228 = tpu.memref_squeeze %dma_wait3A_227 : memref<1x640x128xf32, #tpu.memory_space<hbm>> -> memref<640x128xf32, #tpu.memory_space<hbm>>
        %dma_wait3A_229 = arith.constant 0 : i32
        %dma_wait3A_230 = tpu.memref_slice %arg16[%mul3A_217, %dma_wait3A_229] : memref<10240x128xf32, #tpu.memory_space<vmem_shared>> -> memref<640x128xf32, #tpu.memory_space<vmem_shared>>
        tpu.wait_dma2 semaphore(%run_scoped3A_220 : memref<!tpu.dma_semaphore, #tpu.memory_space<semaphore_mem>>) src(%dma_wait3A_230 : memref<640x128xf32, #tpu.memory_space<vmem_shared>>) dst(%dma_wait3A_228 : memref<640x128xf32, #tpu.memory_space<hbm>>)
        tpu.yield
      }) : () -> ()
    } else {
    }
    %eq3A_137 = arith.constant 1 : i32
    %eq3A_138 = arith.cmpi eq, %arg0, %eq3A_137 : i32
    %convert_element_type3A_139 = arith.extui %eq3A_138 : i1 to i32
    %cond3A_140 = arith.constant 0 : i32
    %cond3A_141 = arith.cmpi ne, %convert_element_type3A_139, %cond3A_140 : i32
    scf.if %cond3A_141 {
      %mul3A_216 = arith.constant 640 : i32
      %mul3A_217 = arith.muli %arg1, %mul3A_216 : i32
      %mul3A_218 = arith.constant 640 : i32
      %mul3A_219 = arith.muli %arg1, %mul3A_218 : i32
      %run_scoped3A = arith.constant 4 : i32
      "tpu.region"() ({
        %run_scoped3A_220 = tpu.sem_alloc : memref<!tpu.dma_semaphore, #tpu.memory_space<semaphore_mem>>
        %dma_start3A_221 = arith.constant 0 : i32
        %dma_start3A_222 = tpu.memref_slice %arg8[%run_scoped3A, %mul3A_219, %dma_start3A_221] : memref<6x10240x128xf32, #tpu.memory_space<hbm>> -> memref<1x640x128xf32, #tpu.memory_space<hbm>>
        %dma_start3A_223 = tpu.memref_squeeze %dma_start3A_222 : memref<1x640x128xf32, #tpu.memory_space<hbm>> -> memref<640x128xf32, #tpu.memory_space<hbm>>
        %dma_start3A_224 = arith.constant 0 : i32
        %dma_start3A_225 = tpu.memref_slice %arg16[%mul3A_217, %dma_start3A_224] : memref<10240x128xf32, #tpu.memory_space<vmem_shared>> -> memref<640x128xf32, #tpu.memory_space<vmem_shared>>
        tpu.enqueue_dma source(%dma_start3A_225 : memref<640x128xf32, #tpu.memory_space<vmem_shared>>) target(%dma_start3A_223 : memref<640x128xf32, #tpu.memory_space<hbm>>) target_semaphore(%run_scoped3A_220 : memref<!tpu.dma_semaphore, #tpu.memory_space<semaphore_mem>>)
        %dma_wait3A_226 = arith.constant 0 : i32
        %dma_wait3A_227 = tpu.memref_slice %arg8[%run_scoped3A, %mul3A_219, %dma_wait3A_226] : memref<6x10240x128xf32, #tpu.memory_space<hbm>> -> memref<1x640x128xf32, #tpu.memory_space<hbm>>
        %dma_wait3A_228 = tpu.memref_squeeze %dma_wait3A_227 : memref<1x640x128xf32, #tpu.memory_space<hbm>> -> memref<640x128xf32, #tpu.memory_space<hbm>>
        %dma_wait3A_229 = arith.constant 0 : i32
        %dma_wait3A_230 = tpu.memref_slice %arg16[%mul3A_217, %dma_wait3A_229] : memref<10240x128xf32, #tpu.memory_space<vmem_shared>> -> memref<640x128xf32, #tpu.memory_space<vmem_shared>>
        tpu.wait_dma2 semaphore(%run_scoped3A_220 : memref<!tpu.dma_semaphore, #tpu.memory_space<semaphore_mem>>) src(%dma_wait3A_230 : memref<640x128xf32, #tpu.memory_space<vmem_shared>>) dst(%dma_wait3A_228 : memref<640x128xf32, #tpu.memory_space<hbm>>)
        tpu.yield
      }) : () -> ()
    } else {
    }
    %mul3A_142 = arith.constant 640 : i32
    %mul3A_143 = arith.muli %arg1, %mul3A_142 : i32
    %mul3A_144 = arith.constant 640 : i32
    %mul3A_145 = arith.muli %arg1, %mul3A_144 : i32
    "tpu.region"() ({
      %run_scoped3A = tpu.sem_alloc : memref<!tpu.dma_semaphore, #tpu.memory_space<semaphore_mem>>
      %dma_start3A_216 = arith.constant 0 : i32
      %dma_start3A_217 = tpu.memref_slice %arg16[%mul3A_145, %dma_start3A_216] : memref<10240x128xf32, #tpu.memory_space<vmem_shared>> -> memref<640x128xf32, #tpu.memory_space<vmem_shared>>
      %dma_start3A_218 = arith.constant 0 : i32
      %dma_start3A_219 = tpu.memref_slice %arg7[%mul3A_143, %dma_start3A_218] : memref<10240x128xf32, #tpu.memory_space<hbm>> -> memref<640x128xf32, #tpu.memory_space<hbm>>
      tpu.enqueue_dma source(%dma_start3A_219 : memref<640x128xf32, #tpu.memory_space<hbm>>) target(%dma_start3A_217 : memref<640x128xf32, #tpu.memory_space<vmem_shared>>) target_semaphore(%run_scoped3A : memref<!tpu.dma_semaphore, #tpu.memory_space<semaphore_mem>>)
      %dma_wait3A_220 = arith.constant 0 : i32
      %dma_wait3A_221 = tpu.memref_slice %arg16[%mul3A_145, %dma_wait3A_220] : memref<10240x128xf32, #tpu.memory_space<vmem_shared>> -> memref<640x128xf32, #tpu.memory_space<vmem_shared>>
      %dma_wait3A_222 = arith.constant 0 : i32
      %dma_wait3A_223 = tpu.memref_slice %arg7[%mul3A_143, %dma_wait3A_222] : memref<10240x128xf32, #tpu.memory_space<hbm>> -> memref<640x128xf32, #tpu.memory_space<hbm>>
      tpu.wait_dma2 semaphore(%run_scoped3A : memref<!tpu.dma_semaphore, #tpu.memory_space<semaphore_mem>>) src(%dma_wait3A_223 : memref<640x128xf32, #tpu.memory_space<hbm>>) dst(%dma_wait3A_221 : memref<640x128xf32, #tpu.memory_space<vmem_shared>>)
      tpu.yield
    }) : () -> ()
    %mul3A_146 = arith.constant 80 : i32
    %mul3A_147 = arith.muli %add3A, %mul3A_146 : i32
    "tpu.region"() ({
      %run_scoped3A = tpu.sem_alloc : memref<!tpu.dma_semaphore, #tpu.memory_space<semaphore_mem>>
      %dma_start3A_216 = arith.constant 0 : i32
      %dma_start3A_217 = tpu.memref_slice %arg5[%mul3A_147, %dma_start3A_216] : memref<2560x128xi32, #tpu.memory_space<hbm>> -> memref<40x128xi32, #tpu.memory_space<hbm>>
      %dma_start3A_218 = arith.constant 0 : i32
      %dma_start3A_219 = tpu.memref_slice %arg5[%mul3A_147, %dma_start3A_218] : memref<2560x128xi32, #tpu.memory_space<hbm>> -> memref<40x128xi32, #tpu.memory_space<hbm>>
      tpu.enqueue_dma source(%dma_start3A_219 : memref<40x128xi32, #tpu.memory_space<hbm>>) target(%arg9 : memref<40x128xi32, #tpu.memory_space<vmem>>) target_semaphore(%run_scoped3A : memref<!tpu.dma_semaphore, #tpu.memory_space<semaphore_mem>>)
      %dma_wait3A_220 = arith.constant 0 : i32
      %dma_wait3A_221 = tpu.memref_slice %arg5[%mul3A_147, %dma_wait3A_220] : memref<2560x128xi32, #tpu.memory_space<hbm>> -> memref<40x128xi32, #tpu.memory_space<hbm>>
      %dma_wait3A_222 = arith.constant 0 : i32
      %dma_wait3A_223 = tpu.memref_slice %arg5[%mul3A_147, %dma_wait3A_222] : memref<2560x128xi32, #tpu.memory_space<hbm>> -> memref<40x128xi32, #tpu.memory_space<hbm>>
      tpu.wait_dma2 semaphore(%run_scoped3A : memref<!tpu.dma_semaphore, #tpu.memory_space<semaphore_mem>>) src(%dma_wait3A_223 : memref<40x128xi32, #tpu.memory_space<hbm>>) dst(%arg9 : memref<40x128xi32, #tpu.memory_space<vmem>>)
      tpu.yield
    }) : () -> ()
    %mul3A_148 = arith.constant 80 : i32
    %mul3A_149 = arith.muli %add3A, %mul3A_148 : i32
    "tpu.region"() ({
      %run_scoped3A = tpu.sem_alloc : memref<!tpu.dma_semaphore, #tpu.memory_space<semaphore_mem>>
      %dma_start3A_216 = arith.constant 0 : i32
      %dma_start3A_217 = tpu.memref_slice %arg6[%mul3A_149, %dma_start3A_216] : memref<2560x128xi32, #tpu.memory_space<hbm>> -> memref<40x128xi32, #tpu.memory_space<hbm>>
      %dma_start3A_218 = arith.constant 0 : i32
      %dma_start3A_219 = tpu.memref_slice %arg6[%mul3A_149, %dma_start3A_218] : memref<2560x128xi32, #tpu.memory_space<hbm>> -> memref<40x128xi32, #tpu.memory_space<hbm>>
      tpu.enqueue_dma source(%dma_start3A_219 : memref<40x128xi32, #tpu.memory_space<hbm>>) target(%arg10 : memref<40x128xi32, #tpu.memory_space<vmem>>) target_semaphore(%run_scoped3A : memref<!tpu.dma_semaphore, #tpu.memory_space<semaphore_mem>>)
      %dma_wait3A_220 = arith.constant 0 : i32
      %dma_wait3A_221 = tpu.memref_slice %arg6[%mul3A_149, %dma_wait3A_220] : memref<2560x128xi32, #tpu.memory_space<hbm>> -> memref<40x128xi32, #tpu.memory_space<hbm>>
      %dma_wait3A_222 = arith.constant 0 : i32
      %dma_wait3A_223 = tpu.memref_slice %arg6[%mul3A_149, %dma_wait3A_222] : memref<2560x128xi32, #tpu.memory_space<hbm>> -> memref<40x128xi32, #tpu.memory_space<hbm>>
      tpu.wait_dma2 semaphore(%run_scoped3A : memref<!tpu.dma_semaphore, #tpu.memory_space<semaphore_mem>>) src(%dma_wait3A_223 : memref<40x128xi32, #tpu.memory_space<hbm>>) dst(%arg10 : memref<40x128xi32, #tpu.memory_space<vmem>>)
      tpu.yield
    }) : () -> ()
    %barrier3A_150 = arith.constant 0 : index
    tpu.barrier barrier_id(%barrier3A_150)
    %dma_start3A_151 = arith.constant 0 : i32
    %dma_start3A_152 = arith.constant 0 : i32
    %dma_start3A_153 = arith.constant 0 : i32
    %dma_start3A_154 = arith.constant 0 : i32
    %dma_start3A_155 = tpu.memref_slice %arg11[%dma_start3A_152, %dma_start3A_153, %dma_start3A_154] : memref<2x128x128xf32, #tpu.memory_space<vmem>> -> memref<1x128x128xf32, #tpu.memory_space<vmem>>
    %dma_start3A_156 = tpu.memref_squeeze %dma_start3A_155 : memref<1x128x128xf32, #tpu.memory_space<vmem>> -> memref<128x128xf32, #tpu.memory_space<vmem>>
    %dma_start3A_157 = arith.constant 0 : i32
    %dma_start3A_158 = tpu.memref_slice %arg9[%dma_start3A_151, %dma_start3A_157] : memref<40x128xi32, #tpu.memory_space<vmem>> -> memref<1x128xi32, #tpu.memory_space<vmem>>
    %dma_start3A_159 = tpu.memref_squeeze %dma_start3A_158 : memref<1x128xi32, #tpu.memory_space<vmem>> -> memref<128xi32, #tpu.memory_space<vmem>>
    %dma_start3A_160 = arith.constant 0 : i32
    %dma_start3A_161 = arith.constant 0 : i32
    %dma_start3A_162 = tpu.memref_slice %arg4[%dma_start3A_160, %dma_start3A_161] : memref<10240x128xf32, #tpu.memory_space<hbm>> -> memref<10240x128xf32, #tpu.memory_space<hbm>>
    tpu.enqueue_indirect_dma source(%dma_start3A_162 : memref<10240x128xf32, #tpu.memory_space<hbm>>) target(%dma_start3A_156 : memref<128x128xf32, #tpu.memory_space<vmem>>) offsets(%dma_start3A_159 : memref<128xi32, #tpu.memory_space<vmem>>) semaphore(%arg12 : memref<!tpu.dma_semaphore, #tpu.memory_space<semaphore_mem>>)
    %dma_start3A_163 = arith.constant 1 : i32
    %dma_start3A_164 = arith.constant 1 : i32
    %dma_start3A_165 = arith.constant 0 : i32
    %dma_start3A_166 = arith.constant 0 : i32
    %dma_start3A_167 = tpu.memref_slice %arg11[%dma_start3A_164, %dma_start3A_165, %dma_start3A_166] : memref<2x128x128xf32, #tpu.memory_space<vmem>> -> memref<1x128x128xf32, #tpu.memory_space<vmem>>
    %dma_start3A_168 = tpu.memref_squeeze %dma_start3A_167 : memref<1x128x128xf32, #tpu.memory_space<vmem>> -> memref<128x128xf32, #tpu.memory_space<vmem>>
    %dma_start3A_169 = arith.constant 0 : i32
    %dma_start3A_170 = tpu.memref_slice %arg9[%dma_start3A_163, %dma_start3A_169] : memref<40x128xi32, #tpu.memory_space<vmem>> -> memref<1x128xi32, #tpu.memory_space<vmem>>
    %dma_start3A_171 = tpu.memref_squeeze %dma_start3A_170 : memref<1x128xi32, #tpu.memory_space<vmem>> -> memref<128xi32, #tpu.memory_space<vmem>>
    %dma_start3A_172 = arith.constant 0 : i32
    %dma_start3A_173 = arith.constant 0 : i32
    %dma_start3A_174 = tpu.memref_slice %arg4[%dma_start3A_172, %dma_start3A_173] : memref<10240x128xf32, #tpu.memory_space<hbm>> -> memref<10240x128xf32, #tpu.memory_space<hbm>>
    tpu.enqueue_indirect_dma source(%dma_start3A_174 : memref<10240x128xf32, #tpu.memory_space<hbm>>) target(%dma_start3A_168 : memref<128x128xf32, #tpu.memory_space<vmem>>) offsets(%dma_start3A_171 : memref<128xi32, #tpu.memory_space<vmem>>) semaphore(%arg13 : memref<!tpu.dma_semaphore, #tpu.memory_space<semaphore_mem>>)
    %scan3A_175 = arith.constant 0 : i32
    %scan3A_176 = arith.constant 0 : i32
    %scan3A_177 = arith.constant 40 : i32
    %scan3A_178 = arith.addi %scan3A_176, %scan3A_177 : i32
    %scan3A_179 = arith.constant 1 : i32
    scf.for %scan3A_216 = %scan3A_176 to %scan3A_178 step %scan3A_179  : i32 {
      %mul3A_217 = arith.constant 2 : i32
      %mul3A_218 = arith.muli %scan3A_216, %mul3A_217 : i32
      %ge3A = arith.constant 40 : i32
      %ge3A_219 = arith.cmpi sge, %mul3A_218, %ge3A : i32
      %jit3A = arith.constant 40 : i32
      %jit3A_220 = arith.constant 0 : i32
      %select_n3A = arith.select %ge3A_219, %jit3A, %jit3A_220 : i32
      %dma_wait3A_221 = arith.constant 0 : i32
      %dma_wait3A_222 = arith.constant 0 : i32
      %dma_wait3A_223 = arith.constant 0 : i32
      %dma_wait3A_224 = arith.constant 0 : i32
      %dma_wait3A_225 = tpu.memref_slice %arg11[%dma_wait3A_222, %dma_wait3A_223, %dma_wait3A_224] : memref<2x128x128xf32, #tpu.memory_space<vmem>> -> memref<1x128x128xf32, #tpu.memory_space<vmem>>
      %dma_wait3A_226 = tpu.memref_squeeze %dma_wait3A_225 : memref<1x128x128xf32, #tpu.memory_space<vmem>> -> memref<128x128xf32, #tpu.memory_space<vmem>>
      %dma_wait3A_227 = arith.constant 0 : i32
      %dma_wait3A_228 = tpu.memref_slice %arg9[%dma_wait3A_221, %dma_wait3A_227] : memref<40x128xi32, #tpu.memory_space<vmem>> -> memref<1x128xi32, #tpu.memory_space<vmem>>
      %dma_wait3A_229 = tpu.memref_squeeze %dma_wait3A_228 : memref<1x128xi32, #tpu.memory_space<vmem>> -> memref<128xi32, #tpu.memory_space<vmem>>
      %dma_wait3A_230 = arith.constant 0 : i32
      %dma_wait3A_231 = arith.constant 0 : i32
      %dma_wait3A_232 = tpu.memref_slice %arg4[%dma_wait3A_230, %dma_wait3A_231] : memref<10240x128xf32, #tpu.memory_space<hbm>> -> memref<10240x128xf32, #tpu.memory_space<hbm>>
      tpu.wait_indirect_dma semaphore(%arg12 : memref<!tpu.dma_semaphore, #tpu.memory_space<semaphore_mem>>) src(%dma_wait3A_232 : memref<10240x128xf32, #tpu.memory_space<hbm>>) dst(%dma_wait3A_226 : memref<128x128xf32, #tpu.memory_space<vmem>>)
      %add3A_233 = arith.constant 0 : i32
      %add3A_234 = arith.addi %mul3A_218, %add3A_233 : i32
      %sub3A = arith.subi %add3A_234, %select_n3A : i32
      %dma_start3A_235 = arith.constant 0 : i32
      %dma_start3A_236 = arith.constant 0 : i32
      %dma_start3A_237 = arith.constant 0 : i32
      %dma_start3A_238 = tpu.memref_slice %arg11[%dma_start3A_235, %dma_start3A_236, %dma_start3A_237] : memref<2x128x128xf32, #tpu.memory_space<vmem>> -> memref<1x128x128xf32, #tpu.memory_space<vmem>>
      %dma_start3A_239 = tpu.memref_squeeze %dma_start3A_238 : memref<1x128x128xf32, #tpu.memory_space<vmem>> -> memref<128x128xf32, #tpu.memory_space<vmem>>
      %dma_start3A_240 = arith.constant 0 : i32
      %dma_start3A_241 = tpu.memref_slice %arg10[%sub3A, %dma_start3A_240] : memref<40x128xi32, #tpu.memory_space<vmem>> -> memref<1x128xi32, #tpu.memory_space<vmem>>
      %dma_start3A_242 = tpu.memref_squeeze %dma_start3A_241 : memref<1x128xi32, #tpu.memory_space<vmem>> -> memref<128xi32, #tpu.memory_space<vmem>>
      %dma_start3A_243 = arith.constant 0 : i32
      %dma_start3A_244 = arith.constant 0 : i32
      %dma_start3A_245 = tpu.memref_slice %arg16[%dma_start3A_243, %dma_start3A_244] : memref<10240x128xf32, #tpu.memory_space<vmem_shared>> -> memref<10240x128xf32, #tpu.memory_space<vmem_shared>>
      tpu.enqueue_indirect_dma source(%dma_start3A_239 : memref<128x128xf32, #tpu.memory_space<vmem>>) target(%dma_start3A_245 : memref<10240x128xf32, #tpu.memory_space<vmem_shared>>) offsets(%dma_start3A_242 : memref<128xi32, #tpu.memory_space<vmem>>) semaphore(%arg14 : memref<!tpu.dma_semaphore, #tpu.memory_space<semaphore_mem>>) {add = true}
      %dma_wait3A_246 = arith.constant 0 : i32
      %dma_wait3A_247 = arith.constant 1 : i32
      %dma_wait3A_248 = arith.constant 0 : i32
      %dma_wait3A_249 = arith.constant 0 : i32
      %dma_wait3A_250 = tpu.memref_slice %arg11[%dma_wait3A_247, %dma_wait3A_248, %dma_wait3A_249] : memref<2x128x128xf32, #tpu.memory_space<vmem>> -> memref<1x128x128xf32, #tpu.memory_space<vmem>>
      %dma_wait3A_251 = tpu.memref_squeeze %dma_wait3A_250 : memref<1x128x128xf32, #tpu.memory_space<vmem>> -> memref<128x128xf32, #tpu.memory_space<vmem>>
      %dma_wait3A_252 = arith.constant 0 : i32
      %dma_wait3A_253 = tpu.memref_slice %arg9[%dma_wait3A_246, %dma_wait3A_252] : memref<40x128xi32, #tpu.memory_space<vmem>> -> memref<1x128xi32, #tpu.memory_space<vmem>>
      %dma_wait3A_254 = tpu.memref_squeeze %dma_wait3A_253 : memref<1x128xi32, #tpu.memory_space<vmem>> -> memref<128xi32, #tpu.memory_space<vmem>>
      %dma_wait3A_255 = arith.constant 0 : i32
      %dma_wait3A_256 = arith.constant 0 : i32
      %dma_wait3A_257 = tpu.memref_slice %arg4[%dma_wait3A_255, %dma_wait3A_256] : memref<10240x128xf32, #tpu.memory_space<hbm>> -> memref<10240x128xf32, #tpu.memory_space<hbm>>
      tpu.wait_indirect_dma semaphore(%arg13 : memref<!tpu.dma_semaphore, #tpu.memory_space<semaphore_mem>>) src(%dma_wait3A_257 : memref<10240x128xf32, #tpu.memory_space<hbm>>) dst(%dma_wait3A_251 : memref<128x128xf32, #tpu.memory_space<vmem>>)
      %add3A_258 = arith.constant 1 : i32
      %add3A_259 = arith.addi %mul3A_218, %add3A_258 : i32
      %sub3A_260 = arith.subi %add3A_259, %select_n3A : i32
      %dma_start3A_261 = arith.constant 1 : i32
      %dma_start3A_262 = arith.constant 0 : i32
      %dma_start3A_263 = arith.constant 0 : i32
      %dma_start3A_264 = tpu.memref_slice %arg11[%dma_start3A_261, %dma_start3A_262, %dma_start3A_263] : memref<2x128x128xf32, #tpu.memory_space<vmem>> -> memref<1x128x128xf32, #tpu.memory_space<vmem>>
      %dma_start3A_265 = tpu.memref_squeeze %dma_start3A_264 : memref<1x128x128xf32, #tpu.memory_space<vmem>> -> memref<128x128xf32, #tpu.memory_space<vmem>>
      %dma_start3A_266 = arith.constant 0 : i32
      %dma_start3A_267 = tpu.memref_slice %arg10[%sub3A_260, %dma_start3A_266] : memref<40x128xi32, #tpu.memory_space<vmem>> -> memref<1x128xi32, #tpu.memory_space<vmem>>
      %dma_start3A_268 = tpu.memref_squeeze %dma_start3A_267 : memref<1x128xi32, #tpu.memory_space<vmem>> -> memref<128xi32, #tpu.memory_space<vmem>>
      %dma_start3A_269 = arith.constant 0 : i32
      %dma_start3A_270 = arith.constant 0 : i32
      %dma_start3A_271 = tpu.memref_slice %arg16[%dma_start3A_269, %dma_start3A_270] : memref<10240x128xf32, #tpu.memory_space<vmem_shared>> -> memref<10240x128xf32, #tpu.memory_space<vmem_shared>>
      tpu.enqueue_indirect_dma source(%dma_start3A_265 : memref<128x128xf32, #tpu.memory_space<vmem>>) target(%dma_start3A_271 : memref<10240x128xf32, #tpu.memory_space<vmem_shared>>) offsets(%dma_start3A_268 : memref<128xi32, #tpu.memory_space<vmem>>) semaphore(%arg15 : memref<!tpu.dma_semaphore, #tpu.memory_space<semaphore_mem>>) {add = true}
      %dma_wait3A_272 = arith.constant 0 : i32
      %dma_wait3A_273 = arith.constant 0 : i32
      %dma_wait3A_274 = arith.constant 0 : i32
      %dma_wait3A_275 = arith.constant 0 : i32
      %dma_wait3A_276 = tpu.memref_slice %arg11[%dma_wait3A_272, %dma_wait3A_274, %dma_wait3A_275] : memref<2x128x128xf32, #tpu.memory_space<vmem>> -> memref<1x128x128xf32, #tpu.memory_space<vmem>>
      %dma_wait3A_277 = tpu.memref_squeeze %dma_wait3A_276 : memref<1x128x128xf32, #tpu.memory_space<vmem>> -> memref<128x128xf32, #tpu.memory_space<vmem>>
      %dma_wait3A_278 = arith.constant 0 : i32
      %dma_wait3A_279 = tpu.memref_slice %arg10[%dma_wait3A_273, %dma_wait3A_278] : memref<40x128xi32, #tpu.memory_space<vmem>> -> memref<1x128xi32, #tpu.memory_space<vmem>>
      %dma_wait3A_280 = tpu.memref_squeeze %dma_wait3A_279 : memref<1x128xi32, #tpu.memory_space<vmem>> -> memref<128xi32, #tpu.memory_space<vmem>>
      %dma_wait3A_281 = arith.constant 0 : i32
      %dma_wait3A_282 = arith.constant 0 : i32
      %dma_wait3A_283 = tpu.memref_slice %arg16[%dma_wait3A_281, %dma_wait3A_282] : memref<10240x128xf32, #tpu.memory_space<vmem_shared>> -> memref<10240x128xf32, #tpu.memory_space<vmem_shared>>
      tpu.wait_indirect_dma semaphore(%arg14 : memref<!tpu.dma_semaphore, #tpu.memory_space<semaphore_mem>>) src(%dma_wait3A_277 : memref<128x128xf32, #tpu.memory_space<vmem>>) dst(%dma_wait3A_283 : memref<10240x128xf32, #tpu.memory_space<vmem_shared>>)
      %dma_wait3A_284 = arith.constant 1 : i32
      %dma_wait3A_285 = arith.constant 0 : i32
      %dma_wait3A_286 = arith.constant 0 : i32
      %dma_wait3A_287 = arith.constant 0 : i32
      %dma_wait3A_288 = tpu.memref_slice %arg11[%dma_wait3A_284, %dma_wait3A_286, %dma_wait3A_287] : memref<2x128x128xf32, #tpu.memory_space<vmem>> -> memref<1x128x128xf32, #tpu.memory_space<vmem>>
      %dma_wait3A_289 = tpu.memref_squeeze %dma_wait3A_288 : memref<1x128x128xf32, #tpu.memory_space<vmem>> -> memref<128x128xf32, #tpu.memory_space<vmem>>
      %dma_wait3A_290 = arith.constant 0 : i32
      %dma_wait3A_291 = tpu.memref_slice %arg10[%dma_wait3A_285, %dma_wait3A_290] : memref<40x128xi32, #tpu.memory_space<vmem>> -> memref<1x128xi32, #tpu.memory_space<vmem>>
      %dma_wait3A_292 = tpu.memref_squeeze %dma_wait3A_291 : memref<1x128xi32, #tpu.memory_space<vmem>> -> memref<128xi32, #tpu.memory_space<vmem>>
      %dma_wait3A_293 = arith.constant 0 : i32
      %dma_wait3A_294 = arith.constant 0 : i32
      %dma_wait3A_295 = tpu.memref_slice %arg16[%dma_wait3A_293, %dma_wait3A_294] : memref<10240x128xf32, #tpu.memory_space<vmem_shared>> -> memref<10240x128xf32, #tpu.memory_space<vmem_shared>>
      tpu.wait_indirect_dma semaphore(%arg15 : memref<!tpu.dma_semaphore, #tpu.memory_space<semaphore_mem>>) src(%dma_wait3A_289 : memref<128x128xf32, #tpu.memory_space<vmem>>) dst(%dma_wait3A_295 : memref<10240x128xf32, #tpu.memory_space<vmem_shared>>)
      %eq3A_296 = arith.constant 19 : i32
      %eq3A_297 = arith.cmpi eq, %scan3A_216, %eq3A_296 : i32
      %convert_element_type3A_298 = arith.extui %eq3A_297 : i1 to i32
      %cond3A_299 = arith.constant 0 : i32
      %cond3A_300 = arith.cmpi ne, %convert_element_type3A_298, %cond3A_299 : i32
      scf.if %cond3A_300 {
        %mul3A_346 = arith.constant 80 : i32
        %mul3A_347 = arith.muli %add3A, %mul3A_346 : i32
        %add3A_348 = arith.constant 40 : i32
        %add3A_349 = arith.addi %mul3A_347, %add3A_348 : i32
        "tpu.region"() ({
          %run_scoped3A = tpu.sem_alloc : memref<!tpu.dma_semaphore, #tpu.memory_space<semaphore_mem>>
          %dma_start3A_354 = arith.constant 0 : i32
          %dma_start3A_355 = tpu.memref_slice %arg5[%add3A_349, %dma_start3A_354] : memref<2560x128xi32, #tpu.memory_space<hbm>> -> memref<40x128xi32, #tpu.memory_space<hbm>>
          %dma_start3A_356 = arith.constant 0 : i32
          %dma_start3A_357 = tpu.memref_slice %arg5[%add3A_349, %dma_start3A_356] : memref<2560x128xi32, #tpu.memory_space<hbm>> -> memref<40x128xi32, #tpu.memory_space<hbm>>
          tpu.enqueue_dma source(%dma_start3A_357 : memref<40x128xi32, #tpu.memory_space<hbm>>) target(%arg9 : memref<40x128xi32, #tpu.memory_space<vmem>>) target_semaphore(%run_scoped3A : memref<!tpu.dma_semaphore, #tpu.memory_space<semaphore_mem>>)
          %dma_wait3A_358 = arith.constant 0 : i32
          %dma_wait3A_359 = tpu.memref_slice %arg5[%add3A_349, %dma_wait3A_358] : memref<2560x128xi32, #tpu.memory_space<hbm>> -> memref<40x128xi32, #tpu.memory_space<hbm>>
          %dma_wait3A_360 = arith.constant 0 : i32
          %dma_wait3A_361 = tpu.memref_slice %arg5[%add3A_349, %dma_wait3A_360] : memref<2560x128xi32, #tpu.memory_space<hbm>> -> memref<40x128xi32, #tpu.memory_space<hbm>>
          tpu.wait_dma2 semaphore(%run_scoped3A : memref<!tpu.dma_semaphore, #tpu.memory_space<semaphore_mem>>) src(%dma_wait3A_361 : memref<40x128xi32, #tpu.memory_space<hbm>>) dst(%arg9 : memref<40x128xi32, #tpu.memory_space<vmem>>)
          tpu.yield
        }) : () -> ()
        %mul3A_350 = arith.constant 80 : i32
        %mul3A_351 = arith.muli %add3A, %mul3A_350 : i32
        %add3A_352 = arith.constant 40 : i32
        %add3A_353 = arith.addi %mul3A_351, %add3A_352 : i32
        "tpu.region"() ({
          %run_scoped3A = tpu.sem_alloc : memref<!tpu.dma_semaphore, #tpu.memory_space<semaphore_mem>>
          %dma_start3A_354 = arith.constant 0 : i32
          %dma_start3A_355 = tpu.memref_slice %arg6[%add3A_353, %dma_start3A_354] : memref<2560x128xi32, #tpu.memory_space<hbm>> -> memref<40x128xi32, #tpu.memory_space<hbm>>
          %dma_start3A_356 = arith.constant 0 : i32
          %dma_start3A_357 = tpu.memref_slice %arg6[%add3A_353, %dma_start3A_356] : memref<2560x128xi32, #tpu.memory_space<hbm>> -> memref<40x128xi32, #tpu.memory_space<hbm>>
          tpu.enqueue_dma source(%dma_start3A_357 : memref<40x128xi32, #tpu.memory_space<hbm>>) target(%arg10 : memref<40x128xi32, #tpu.memory_space<vmem>>) target_semaphore(%run_scoped3A : memref<!tpu.dma_semaphore, #tpu.memory_space<semaphore_mem>>)
          %dma_wait3A_358 = arith.constant 0 : i32
          %dma_wait3A_359 = tpu.memref_slice %arg6[%add3A_353, %dma_wait3A_358] : memref<2560x128xi32, #tpu.memory_space<hbm>> -> memref<40x128xi32, #tpu.memory_space<hbm>>
          %dma_wait3A_360 = arith.constant 0 : i32
          %dma_wait3A_361 = tpu.memref_slice %arg6[%add3A_353, %dma_wait3A_360] : memref<2560x128xi32, #tpu.memory_space<hbm>> -> memref<40x128xi32, #tpu.memory_space<hbm>>
          tpu.wait_dma2 semaphore(%run_scoped3A : memref<!tpu.dma_semaphore, #tpu.memory_space<semaphore_mem>>) src(%dma_wait3A_361 : memref<40x128xi32, #tpu.memory_space<hbm>>) dst(%arg10 : memref<40x128xi32, #tpu.memory_space<vmem>>)
          tpu.yield
        }) : () -> ()
      } else {
      }
      %add3A_301 = arith.constant 2 : i32
      %add3A_302 = arith.addi %mul3A_218, %add3A_301 : i32
      %add3A_303 = arith.constant 0 : i32
      %add3A_304 = arith.addi %add3A_302, %add3A_303 : i32
      %min3A = arith.constant 79 : i32
      %min3A_305 = arith.minsi %add3A_304, %min3A : i32
      %ge3A_306 = arith.constant 40 : i32
      %ge3A_307 = arith.cmpi sge, %min3A_305, %ge3A_306 : i32
      %jit3A_308 = arith.constant 40 : i32
      %jit3A_309 = arith.constant 0 : i32
      %select_n3A_310 = arith.select %ge3A_307, %jit3A_308, %jit3A_309 : i32
      %sub3A_311 = arith.subi %min3A_305, %select_n3A_310 : i32
      %dma_start3A_312 = arith.constant 0 : i32
      %dma_start3A_313 = arith.constant 0 : i32
      %dma_start3A_314 = arith.constant 0 : i32
      %dma_start3A_315 = tpu.memref_slice %arg11[%dma_start3A_312, %dma_start3A_313, %dma_start3A_314] : memref<2x128x128xf32, #tpu.memory_space<vmem>> -> memref<1x128x128xf32, #tpu.memory_space<vmem>>
      %dma_start3A_316 = tpu.memref_squeeze %dma_start3A_315 : memref<1x128x128xf32, #tpu.memory_space<vmem>> -> memref<128x128xf32, #tpu.memory_space<vmem>>
      %dma_start3A_317 = arith.constant 0 : i32
      %dma_start3A_318 = tpu.memref_slice %arg9[%sub3A_311, %dma_start3A_317] : memref<40x128xi32, #tpu.memory_space<vmem>> -> memref<1x128xi32, #tpu.memory_space<vmem>>
      %dma_start3A_319 = tpu.memref_squeeze %dma_start3A_318 : memref<1x128xi32, #tpu.memory_space<vmem>> -> memref<128xi32, #tpu.memory_space<vmem>>
      %dma_start3A_320 = arith.constant 0 : i32
      %dma_start3A_321 = arith.constant 0 : i32
      %dma_start3A_322 = tpu.memref_slice %arg4[%dma_start3A_320, %dma_start3A_321] : memref<10240x128xf32, #tpu.memory_space<hbm>> -> memref<10240x128xf32, #tpu.memory_space<hbm>>
      tpu.enqueue_indirect_dma source(%dma_start3A_322 : memref<10240x128xf32, #tpu.memory_space<hbm>>) target(%dma_start3A_316 : memref<128x128xf32, #tpu.memory_space<vmem>>) offsets(%dma_start3A_319 : memref<128xi32, #tpu.memory_space<vmem>>) semaphore(%arg12 : memref<!tpu.dma_semaphore, #tpu.memory_space<semaphore_mem>>)
      %add3A_323 = arith.constant 2 : i32
      %add3A_324 = arith.addi %mul3A_218, %add3A_323 : i32
      %add3A_325 = arith.constant 1 : i32
      %add3A_326 = arith.addi %add3A_324, %add3A_325 : i32
      %min3A_327 = arith.constant 79 : i32
      %min3A_328 = arith.minsi %add3A_326, %min3A_327 : i32
      %ge3A_329 = arith.constant 40 : i32
      %ge3A_330 = arith.cmpi sge, %min3A_328, %ge3A_329 : i32
      %jit3A_331 = arith.constant 40 : i32
      %jit3A_332 = arith.constant 0 : i32
      %select_n3A_333 = arith.select %ge3A_330, %jit3A_331, %jit3A_332 : i32
      %sub3A_334 = arith.subi %min3A_328, %select_n3A_333 : i32
      %dma_start3A_335 = arith.constant 1 : i32
      %dma_start3A_336 = arith.constant 0 : i32
      %dma_start3A_337 = arith.constant 0 : i32
      %dma_start3A_338 = tpu.memref_slice %arg11[%dma_start3A_335, %dma_start3A_336, %dma_start3A_337] : memref<2x128x128xf32, #tpu.memory_space<vmem>> -> memref<1x128x128xf32, #tpu.memory_space<vmem>>
      %dma_start3A_339 = tpu.memref_squeeze %dma_start3A_338 : memref<1x128x128xf32, #tpu.memory_space<vmem>> -> memref<128x128xf32, #tpu.memory_space<vmem>>
      %dma_start3A_340 = arith.constant 0 : i32
      %dma_start3A_341 = tpu.memref_slice %arg9[%sub3A_334, %dma_start3A_340] : memref<40x128xi32, #tpu.memory_space<vmem>> -> memref<1x128xi32, #tpu.memory_space<vmem>>
      %dma_start3A_342 = tpu.memref_squeeze %dma_start3A_341 : memref<1x128xi32, #tpu.memory_space<vmem>> -> memref<128xi32, #tpu.memory_space<vmem>>
      %dma_start3A_343 = arith.constant 0 : i32
      %dma_start3A_344 = arith.constant 0 : i32
      %dma_start3A_345 = tpu.memref_slice %arg4[%dma_start3A_343, %dma_start3A_344] : memref<10240x128xf32, #tpu.memory_space<hbm>> -> memref<10240x128xf32, #tpu.memory_space<hbm>>
      tpu.enqueue_indirect_dma source(%dma_start3A_345 : memref<10240x128xf32, #tpu.memory_space<hbm>>) target(%dma_start3A_339 : memref<128x128xf32, #tpu.memory_space<vmem>>) offsets(%dma_start3A_342 : memref<128xi32, #tpu.memory_space<vmem>>) semaphore(%arg13 : memref<!tpu.dma_semaphore, #tpu.memory_space<semaphore_mem>>)
    }
    %scan3A_180 = arith.constant 40 : i32
    %dma_wait3A_181 = arith.constant 0 : i32
    %dma_wait3A_182 = arith.constant 0 : i32
    %dma_wait3A_183 = arith.constant 0 : i32
    %dma_wait3A_184 = arith.constant 0 : i32
    %dma_wait3A_185 = tpu.memref_slice %arg11[%dma_wait3A_182, %dma_wait3A_183, %dma_wait3A_184] : memref<2x128x128xf32, #tpu.memory_space<vmem>> -> memref<1x128x128xf32, #tpu.memory_space<vmem>>
    %dma_wait3A_186 = tpu.memref_squeeze %dma_wait3A_185 : memref<1x128x128xf32, #tpu.memory_space<vmem>> -> memref<128x128xf32, #tpu.memory_space<vmem>>
    %dma_wait3A_187 = arith.constant 0 : i32
    %dma_wait3A_188 = tpu.memref_slice %arg9[%dma_wait3A_181, %dma_wait3A_187] : memref<40x128xi32, #tpu.memory_space<vmem>> -> memref<1x128xi32, #tpu.memory_space<vmem>>
    %dma_wait3A_189 = tpu.memref_squeeze %dma_wait3A_188 : memref<1x128xi32, #tpu.memory_space<vmem>> -> memref<128xi32, #tpu.memory_space<vmem>>
    %dma_wait3A_190 = arith.constant 0 : i32
    %dma_wait3A_191 = arith.constant 0 : i32
    %dma_wait3A_192 = tpu.memref_slice %arg4[%dma_wait3A_190, %dma_wait3A_191] : memref<10240x128xf32, #tpu.memory_space<hbm>> -> memref<10240x128xf32, #tpu.memory_space<hbm>>
    tpu.wait_indirect_dma semaphore(%arg12 : memref<!tpu.dma_semaphore, #tpu.memory_space<semaphore_mem>>) src(%dma_wait3A_192 : memref<10240x128xf32, #tpu.memory_space<hbm>>) dst(%dma_wait3A_186 : memref<128x128xf32, #tpu.memory_space<vmem>>)
    %dma_wait3A_193 = arith.constant 0 : i32
    %dma_wait3A_194 = arith.constant 1 : i32
    %dma_wait3A_195 = arith.constant 0 : i32
    %dma_wait3A_196 = arith.constant 0 : i32
    %dma_wait3A_197 = tpu.memref_slice %arg11[%dma_wait3A_194, %dma_wait3A_195, %dma_wait3A_196] : memref<2x128x128xf32, #tpu.memory_space<vmem>> -> memref<1x128x128xf32, #tpu.memory_space<vmem>>
    %dma_wait3A_198 = tpu.memref_squeeze %dma_wait3A_197 : memref<1x128x128xf32, #tpu.memory_space<vmem>> -> memref<128x128xf32, #tpu.memory_space<vmem>>
    %dma_wait3A_199 = arith.constant 0 : i32
    %dma_wait3A_200 = tpu.memref_slice %arg9[%dma_wait3A_193, %dma_wait3A_199] : memref<40x128xi32, #tpu.memory_space<vmem>> -> memref<1x128xi32, #tpu.memory_space<vmem>>
    %dma_wait3A_201 = tpu.memref_squeeze %dma_wait3A_200 : memref<1x128xi32, #tpu.memory_space<vmem>> -> memref<128xi32, #tpu.memory_space<vmem>>
    %dma_wait3A_202 = arith.constant 0 : i32
    %dma_wait3A_203 = arith.constant 0 : i32
    %dma_wait3A_204 = tpu.memref_slice %arg4[%dma_wait3A_202, %dma_wait3A_203] : memref<10240x128xf32, #tpu.memory_space<hbm>> -> memref<10240x128xf32, #tpu.memory_space<hbm>>
    tpu.wait_indirect_dma semaphore(%arg13 : memref<!tpu.dma_semaphore, #tpu.memory_space<semaphore_mem>>) src(%dma_wait3A_204 : memref<10240x128xf32, #tpu.memory_space<hbm>>) dst(%dma_wait3A_198 : memref<128x128xf32, #tpu.memory_space<vmem>>)
    %barrier3A_205 = arith.constant 0 : index
    tpu.barrier barrier_id(%barrier3A_205)
    %eq3A_206 = arith.constant 0 : i32
    %eq3A_207 = arith.cmpi eq, %arg0, %eq3A_206 : i32
    %convert_element_type3A_208 = arith.extui %eq3A_207 : i1 to i32
    %cond3A_209 = arith.constant 0 : i32
    %cond3A_210 = arith.cmpi ne, %convert_element_type3A_208, %cond3A_209 : i32
    scf.if %cond3A_210 {
      %mul3A_216 = arith.constant 640 : i32
      %mul3A_217 = arith.muli %arg1, %mul3A_216 : i32
      %mul3A_218 = arith.constant 640 : i32
      %mul3A_219 = arith.muli %arg1, %mul3A_218 : i32
      %run_scoped3A = arith.constant 2 : i32
      "tpu.region"() ({
        %run_scoped3A_220 = tpu.sem_alloc : memref<!tpu.dma_semaphore, #tpu.memory_space<semaphore_mem>>
        %dma_start3A_221 = arith.constant 0 : i32
        %dma_start3A_222 = tpu.memref_slice %arg8[%run_scoped3A, %mul3A_219, %dma_start3A_221] : memref<6x10240x128xf32, #tpu.memory_space<hbm>> -> memref<1x640x128xf32, #tpu.memory_space<hbm>>
        %dma_start3A_223 = tpu.memref_squeeze %dma_start3A_222 : memref<1x640x128xf32, #tpu.memory_space<hbm>> -> memref<640x128xf32, #tpu.memory_space<hbm>>
        %dma_start3A_224 = arith.constant 0 : i32
        %dma_start3A_225 = tpu.memref_slice %arg16[%mul3A_217, %dma_start3A_224] : memref<10240x128xf32, #tpu.memory_space<vmem_shared>> -> memref<640x128xf32, #tpu.memory_space<vmem_shared>>
        tpu.enqueue_dma source(%dma_start3A_225 : memref<640x128xf32, #tpu.memory_space<vmem_shared>>) target(%dma_start3A_223 : memref<640x128xf32, #tpu.memory_space<hbm>>) target_semaphore(%run_scoped3A_220 : memref<!tpu.dma_semaphore, #tpu.memory_space<semaphore_mem>>)
        %dma_wait3A_226 = arith.constant 0 : i32
        %dma_wait3A_227 = tpu.memref_slice %arg8[%run_scoped3A, %mul3A_219, %dma_wait3A_226] : memref<6x10240x128xf32, #tpu.memory_space<hbm>> -> memref<1x640x128xf32, #tpu.memory_space<hbm>>
        %dma_wait3A_228 = tpu.memref_squeeze %dma_wait3A_227 : memref<1x640x128xf32, #tpu.memory_space<hbm>> -> memref<640x128xf32, #tpu.memory_space<hbm>>
        %dma_wait3A_229 = arith.constant 0 : i32
        %dma_wait3A_230 = tpu.memref_slice %arg16[%mul3A_217, %dma_wait3A_229] : memref<10240x128xf32, #tpu.memory_space<vmem_shared>> -> memref<640x128xf32, #tpu.memory_space<vmem_shared>>
        tpu.wait_dma2 semaphore(%run_scoped3A_220 : memref<!tpu.dma_semaphore, #tpu.memory_space<semaphore_mem>>) src(%dma_wait3A_230 : memref<640x128xf32, #tpu.memory_space<vmem_shared>>) dst(%dma_wait3A_228 : memref<640x128xf32, #tpu.memory_space<hbm>>)
        tpu.yield
      }) : () -> ()
    } else {
    }
    %eq3A_211 = arith.constant 1 : i32
    %eq3A_212 = arith.cmpi eq, %arg0, %eq3A_211 : i32
    %convert_element_type3A_213 = arith.extui %eq3A_212 : i1 to i32
    %cond3A_214 = arith.constant 0 : i32
    %cond3A_215 = arith.cmpi ne, %convert_element_type3A_213, %cond3A_214 : i32
    scf.if %cond3A_215 {
      %mul3A_216 = arith.constant 640 : i32
      %mul3A_217 = arith.muli %arg1, %mul3A_216 : i32
      %mul3A_218 = arith.constant 640 : i32
      %mul3A_219 = arith.muli %arg1, %mul3A_218 : i32
      %run_scoped3A = arith.constant 5 : i32
      "tpu.region"() ({
        %run_scoped3A_220 = tpu.sem_alloc : memref<!tpu.dma_semaphore, #tpu.memory_space<semaphore_mem>>
        %dma_start3A_221 = arith.constant 0 : i32
        %dma_start3A_222 = tpu.memref_slice %arg8[%run_scoped3A, %mul3A_219, %dma_start3A_221] : memref<6x10240x128xf32, #tpu.memory_space<hbm>> -> memref<1x640x128xf32, #tpu.memory_space<hbm>>
        %dma_start3A_223 = tpu.memref_squeeze %dma_start3A_222 : memref<1x640x128xf32, #tpu.memory_space<hbm>> -> memref<640x128xf32, #tpu.memory_space<hbm>>
        %dma_start3A_224 = arith.constant 0 : i32
        %dma_start3A_225 = tpu.memref_slice %arg16[%mul3A_217, %dma_start3A_224] : memref<10240x128xf32, #tpu.memory_space<vmem_shared>> -> memref<640x128xf32, #tpu.memory_space<vmem_shared>>
        tpu.enqueue_dma source(%dma_start3A_225 : memref<640x128xf32, #tpu.memory_space<vmem_shared>>) target(%dma_start3A_223 : memref<640x128xf32, #tpu.memory_space<hbm>>) target_semaphore(%run_scoped3A_220 : memref<!tpu.dma_semaphore, #tpu.memory_space<semaphore_mem>>)
        %dma_wait3A_226 = arith.constant 0 : i32
        %dma_wait3A_227 = tpu.memref_slice %arg8[%run_scoped3A, %mul3A_219, %dma_wait3A_226] : memref<6x10240x128xf32, #tpu.memory_space<hbm>> -> memref<1x640x128xf32, #tpu.memory_space<hbm>>
        %dma_wait3A_228 = tpu.memref_squeeze %dma_wait3A_227 : memref<1x640x128xf32, #tpu.memory_space<hbm>> -> memref<640x128xf32, #tpu.memory_space<hbm>>
        %dma_wait3A_229 = arith.constant 0 : i32
        %dma_wait3A_230 = tpu.memref_slice %arg16[%mul3A_217, %dma_wait3A_229] : memref<10240x128xf32, #tpu.memory_space<vmem_shared>> -> memref<640x128xf32, #tpu.memory_space<vmem_shared>>
        tpu.wait_dma2 semaphore(%run_scoped3A_220 : memref<!tpu.dma_semaphore, #tpu.memory_space<semaphore_mem>>) src(%dma_wait3A_230 : memref<640x128xf32, #tpu.memory_space<vmem_shared>>) dst(%dma_wait3A_228 : memref<640x128xf32, #tpu.memory_space<hbm>>)
        tpu.yield
      }) : () -> ()
    } else {
    }
    return
  }
}

#map = affine_map<(d0, d1) -> (0, 0)>
#map1 = affine_map<(d0, d1) -> (0, 0, 0)>
module attributes {stable_mosaic.version = 14 : i64} {
  func.func @_deg_kernel(%arg0: i32, %arg1: i32, %arg2: memref<2560x128xi32, #tpu.memory_space<hbm>>, %arg3: memref<10240x128xf32, #tpu.memory_space<hbm>>, %arg4: memref<128x128xf32, #tpu.memory_space<hbm>>, %arg5: memref<2x10240x128xf32, #tpu.memory_space<hbm>>, %arg6: memref<80x128xi32, #tpu.memory_space<vmem>>, %arg7: memref<128x128xf32, #tpu.memory_space<vmem>>, %arg8: memref<!tpu.dma_semaphore, #tpu.memory_space<semaphore_mem>>, %arg9: memref<10240x128xf32, #tpu.memory_space<vmem_shared>>) attributes {dimension_semantics = [#tpu.dimension_semantics<core_parallel>, #tpu.dimension_semantics<subcore_parallel>], iteration_bounds = array<i64: 2, 16>, scalar_prefetch = 0 : i64, scratch_operands = 4 : i64, tpu.core_type = #tpu.core_type<sc_vector_subcore>, window_params = [{transform_indices = #map}, {transform_indices = #map}, {transform_indices = #map}, {transform_indices = #map1}]} {
    %mul3A = arith.constant 640 : i32
    %mul3A_0 = arith.muli %arg1, %mul3A : i32
    %mul3A_1 = arith.constant 640 : i32
    %mul3A_2 = arith.muli %arg1, %mul3A_1 : i32
    "tpu.region"() ({
      %run_scoped3A = tpu.sem_alloc : memref<!tpu.dma_semaphore, #tpu.memory_space<semaphore_mem>>
      %dma_start3A = arith.constant 0 : i32
      %dma_start3A_20 = tpu.memref_slice %arg9[%mul3A_2, %dma_start3A] : memref<10240x128xf32, #tpu.memory_space<vmem_shared>> -> memref<640x128xf32, #tpu.memory_space<vmem_shared>>
      %dma_start3A_21 = arith.constant 0 : i32
      %dma_start3A_22 = tpu.memref_slice %arg3[%mul3A_0, %dma_start3A_21] : memref<10240x128xf32, #tpu.memory_space<hbm>> -> memref<640x128xf32, #tpu.memory_space<hbm>>
      tpu.enqueue_dma source(%dma_start3A_22 : memref<640x128xf32, #tpu.memory_space<hbm>>) target(%dma_start3A_20 : memref<640x128xf32, #tpu.memory_space<vmem_shared>>) target_semaphore(%run_scoped3A : memref<!tpu.dma_semaphore, #tpu.memory_space<semaphore_mem>>)
      %dma_wait3A = arith.constant 0 : i32
      %dma_wait3A_23 = tpu.memref_slice %arg9[%mul3A_2, %dma_wait3A] : memref<10240x128xf32, #tpu.memory_space<vmem_shared>> -> memref<640x128xf32, #tpu.memory_space<vmem_shared>>
      %dma_wait3A_24 = arith.constant 0 : i32
      %dma_wait3A_25 = tpu.memref_slice %arg3[%mul3A_0, %dma_wait3A_24] : memref<10240x128xf32, #tpu.memory_space<hbm>> -> memref<640x128xf32, #tpu.memory_space<hbm>>
      tpu.wait_dma2 semaphore(%run_scoped3A : memref<!tpu.dma_semaphore, #tpu.memory_space<semaphore_mem>>) src(%dma_wait3A_25 : memref<640x128xf32, #tpu.memory_space<hbm>>) dst(%dma_wait3A_23 : memref<640x128xf32, #tpu.memory_space<vmem_shared>>)
      tpu.yield
    }) : () -> ()
    "tpu.region"() ({
      %run_scoped3A = tpu.sem_alloc : memref<!tpu.dma_semaphore, #tpu.memory_space<semaphore_mem>>
      tpu.enqueue_dma source(%arg4 : memref<128x128xf32, #tpu.memory_space<hbm>>) target(%arg7 : memref<128x128xf32, #tpu.memory_space<vmem>>) target_semaphore(%run_scoped3A : memref<!tpu.dma_semaphore, #tpu.memory_space<semaphore_mem>>)
      tpu.wait_dma2 semaphore(%run_scoped3A : memref<!tpu.dma_semaphore, #tpu.memory_space<semaphore_mem>>) src(%arg4 : memref<128x128xf32, #tpu.memory_space<hbm>>) dst(%arg7 : memref<128x128xf32, #tpu.memory_space<vmem>>)
      tpu.yield
    }) : () -> ()
    %mul3A_3 = arith.constant 16 : i32
    %mul3A_4 = arith.muli %arg0, %mul3A_3 : i32
    %add3A = arith.addi %mul3A_4, %arg1 : i32
    %mul3A_5 = arith.constant 80 : i32
    %mul3A_6 = arith.muli %add3A, %mul3A_5 : i32
    "tpu.region"() ({
      %run_scoped3A = tpu.sem_alloc : memref<!tpu.dma_semaphore, #tpu.memory_space<semaphore_mem>>
      %dma_start3A = arith.constant 0 : i32
      %dma_start3A_20 = tpu.memref_slice %arg2[%mul3A_6, %dma_start3A] : memref<2560x128xi32, #tpu.memory_space<hbm>> -> memref<80x128xi32, #tpu.memory_space<hbm>>
      %dma_start3A_21 = arith.constant 0 : i32
      %dma_start3A_22 = tpu.memref_slice %arg2[%mul3A_6, %dma_start3A_21] : memref<2560x128xi32, #tpu.memory_space<hbm>> -> memref<80x128xi32, #tpu.memory_space<hbm>>
      tpu.enqueue_dma source(%dma_start3A_22 : memref<80x128xi32, #tpu.memory_space<hbm>>) target(%arg6 : memref<80x128xi32, #tpu.memory_space<vmem>>) target_semaphore(%run_scoped3A : memref<!tpu.dma_semaphore, #tpu.memory_space<semaphore_mem>>)
      %dma_wait3A = arith.constant 0 : i32
      %dma_wait3A_23 = tpu.memref_slice %arg2[%mul3A_6, %dma_wait3A] : memref<2560x128xi32, #tpu.memory_space<hbm>> -> memref<80x128xi32, #tpu.memory_space<hbm>>
      %dma_wait3A_24 = arith.constant 0 : i32
      %dma_wait3A_25 = tpu.memref_slice %arg2[%mul3A_6, %dma_wait3A_24] : memref<2560x128xi32, #tpu.memory_space<hbm>> -> memref<80x128xi32, #tpu.memory_space<hbm>>
      tpu.wait_dma2 semaphore(%run_scoped3A : memref<!tpu.dma_semaphore, #tpu.memory_space<semaphore_mem>>) src(%dma_wait3A_25 : memref<80x128xi32, #tpu.memory_space<hbm>>) dst(%arg6 : memref<80x128xi32, #tpu.memory_space<vmem>>)
      tpu.yield
    }) : () -> ()
    %barrier3A = arith.constant 0 : index
    tpu.barrier barrier_id(%barrier3A)
    %scan3A = arith.constant 0 : i32
    %scan3A_7 = arith.constant 0 : i32
    %scan3A_8 = arith.constant 10 : i32
    %scan3A_9 = arith.addi %scan3A_7, %scan3A_8 : i32
    %scan3A_10 = arith.constant 1 : i32
    scf.for %scan3A_20 = %scan3A_7 to %scan3A_9 step %scan3A_10  : i32 {
      %mul3A_21 = arith.constant 8 : i32
      %mul3A_22 = arith.muli %scan3A_20, %mul3A_21 : i32
      %add3A_23 = arith.constant 0 : i32
      %add3A_24 = arith.addi %mul3A_22, %add3A_23 : i32
      %dma_start3A = arith.constant 0 : i32
      %dma_start3A_25 = tpu.memref_slice %arg6[%add3A_24, %dma_start3A] : memref<80x128xi32, #tpu.memory_space<vmem>> -> memref<1x128xi32, #tpu.memory_space<vmem>>
      %dma_start3A_26 = tpu.memref_squeeze %dma_start3A_25 : memref<1x128xi32, #tpu.memory_space<vmem>> -> memref<128xi32, #tpu.memory_space<vmem>>
      %dma_start3A_27 = arith.constant 0 : i32
      %dma_start3A_28 = arith.constant 0 : i32
      %dma_start3A_29 = tpu.memref_slice %arg9[%dma_start3A_27, %dma_start3A_28] : memref<10240x128xf32, #tpu.memory_space<vmem_shared>> -> memref<10240x128xf32, #tpu.memory_space<vmem_shared>>
      tpu.enqueue_indirect_dma source(%arg7 : memref<128x128xf32, #tpu.memory_space<vmem>>) target(%dma_start3A_29 : memref<10240x128xf32, #tpu.memory_space<vmem_shared>>) offsets(%dma_start3A_26 : memref<128xi32, #tpu.memory_space<vmem>>) semaphore(%arg8 : memref<!tpu.dma_semaphore, #tpu.memory_space<semaphore_mem>>) {add = true}
      %add3A_30 = arith.constant 1 : i32
      %add3A_31 = arith.addi %mul3A_22, %add3A_30 : i32
      %dma_start3A_32 = arith.constant 0 : i32
      %dma_start3A_33 = tpu.memref_slice %arg6[%add3A_31, %dma_start3A_32] : memref<80x128xi32, #tpu.memory_space<vmem>> -> memref<1x128xi32, #tpu.memory_space<vmem>>
      %dma_start3A_34 = tpu.memref_squeeze %dma_start3A_33 : memref<1x128xi32, #tpu.memory_space<vmem>> -> memref<128xi32, #tpu.memory_space<vmem>>
      %dma_start3A_35 = arith.constant 0 : i32
      %dma_start3A_36 = arith.constant 0 : i32
      %dma_start3A_37 = tpu.memref_slice %arg9[%dma_start3A_35, %dma_start3A_36] : memref<10240x128xf32, #tpu.memory_space<vmem_shared>> -> memref<10240x128xf32, #tpu.memory_space<vmem_shared>>
      tpu.enqueue_indirect_dma source(%arg7 : memref<128x128xf32, #tpu.memory_space<vmem>>) target(%dma_start3A_37 : memref<10240x128xf32, #tpu.memory_space<vmem_shared>>) offsets(%dma_start3A_34 : memref<128xi32, #tpu.memory_space<vmem>>) semaphore(%arg8 : memref<!tpu.dma_semaphore, #tpu.memory_space<semaphore_mem>>) {add = true}
      %add3A_38 = arith.constant 2 : i32
      %add3A_39 = arith.addi %mul3A_22, %add3A_38 : i32
      %dma_start3A_40 = arith.constant 0 : i32
      %dma_start3A_41 = tpu.memref_slice %arg6[%add3A_39, %dma_start3A_40] : memref<80x128xi32, #tpu.memory_space<vmem>> -> memref<1x128xi32, #tpu.memory_space<vmem>>
      %dma_start3A_42 = tpu.memref_squeeze %dma_start3A_41 : memref<1x128xi32, #tpu.memory_space<vmem>> -> memref<128xi32, #tpu.memory_space<vmem>>
      %dma_start3A_43 = arith.constant 0 : i32
      %dma_start3A_44 = arith.constant 0 : i32
      %dma_start3A_45 = tpu.memref_slice %arg9[%dma_start3A_43, %dma_start3A_44] : memref<10240x128xf32, #tpu.memory_space<vmem_shared>> -> memref<10240x128xf32, #tpu.memory_space<vmem_shared>>
      tpu.enqueue_indirect_dma source(%arg7 : memref<128x128xf32, #tpu.memory_space<vmem>>) target(%dma_start3A_45 : memref<10240x128xf32, #tpu.memory_space<vmem_shared>>) offsets(%dma_start3A_42 : memref<128xi32, #tpu.memory_space<vmem>>) semaphore(%arg8 : memref<!tpu.dma_semaphore, #tpu.memory_space<semaphore_mem>>) {add = true}
      %add3A_46 = arith.constant 3 : i32
      %add3A_47 = arith.addi %mul3A_22, %add3A_46 : i32
      %dma_start3A_48 = arith.constant 0 : i32
      %dma_start3A_49 = tpu.memref_slice %arg6[%add3A_47, %dma_start3A_48] : memref<80x128xi32, #tpu.memory_space<vmem>> -> memref<1x128xi32, #tpu.memory_space<vmem>>
      %dma_start3A_50 = tpu.memref_squeeze %dma_start3A_49 : memref<1x128xi32, #tpu.memory_space<vmem>> -> memref<128xi32, #tpu.memory_space<vmem>>
      %dma_start3A_51 = arith.constant 0 : i32
      %dma_start3A_52 = arith.constant 0 : i32
      %dma_start3A_53 = tpu.memref_slice %arg9[%dma_start3A_51, %dma_start3A_52] : memref<10240x128xf32, #tpu.memory_space<vmem_shared>> -> memref<10240x128xf32, #tpu.memory_space<vmem_shared>>
      tpu.enqueue_indirect_dma source(%arg7 : memref<128x128xf32, #tpu.memory_space<vmem>>) target(%dma_start3A_53 : memref<10240x128xf32, #tpu.memory_space<vmem_shared>>) offsets(%dma_start3A_50 : memref<128xi32, #tpu.memory_space<vmem>>) semaphore(%arg8 : memref<!tpu.dma_semaphore, #tpu.memory_space<semaphore_mem>>) {add = true}
      %add3A_54 = arith.constant 4 : i32
      %add3A_55 = arith.addi %mul3A_22, %add3A_54 : i32
      %dma_start3A_56 = arith.constant 0 : i32
      %dma_start3A_57 = tpu.memref_slice %arg6[%add3A_55, %dma_start3A_56] : memref<80x128xi32, #tpu.memory_space<vmem>> -> memref<1x128xi32, #tpu.memory_space<vmem>>
      %dma_start3A_58 = tpu.memref_squeeze %dma_start3A_57 : memref<1x128xi32, #tpu.memory_space<vmem>> -> memref<128xi32, #tpu.memory_space<vmem>>
      %dma_start3A_59 = arith.constant 0 : i32
      %dma_start3A_60 = arith.constant 0 : i32
      %dma_start3A_61 = tpu.memref_slice %arg9[%dma_start3A_59, %dma_start3A_60] : memref<10240x128xf32, #tpu.memory_space<vmem_shared>> -> memref<10240x128xf32, #tpu.memory_space<vmem_shared>>
      tpu.enqueue_indirect_dma source(%arg7 : memref<128x128xf32, #tpu.memory_space<vmem>>) target(%dma_start3A_61 : memref<10240x128xf32, #tpu.memory_space<vmem_shared>>) offsets(%dma_start3A_58 : memref<128xi32, #tpu.memory_space<vmem>>) semaphore(%arg8 : memref<!tpu.dma_semaphore, #tpu.memory_space<semaphore_mem>>) {add = true}
      %add3A_62 = arith.constant 5 : i32
      %add3A_63 = arith.addi %mul3A_22, %add3A_62 : i32
      %dma_start3A_64 = arith.constant 0 : i32
      %dma_start3A_65 = tpu.memref_slice %arg6[%add3A_63, %dma_start3A_64] : memref<80x128xi32, #tpu.memory_space<vmem>> -> memref<1x128xi32, #tpu.memory_space<vmem>>
      %dma_start3A_66 = tpu.memref_squeeze %dma_start3A_65 : memref<1x128xi32, #tpu.memory_space<vmem>> -> memref<128xi32, #tpu.memory_space<vmem>>
      %dma_start3A_67 = arith.constant 0 : i32
      %dma_start3A_68 = arith.constant 0 : i32
      %dma_start3A_69 = tpu.memref_slice %arg9[%dma_start3A_67, %dma_start3A_68] : memref<10240x128xf32, #tpu.memory_space<vmem_shared>> -> memref<10240x128xf32, #tpu.memory_space<vmem_shared>>
      tpu.enqueue_indirect_dma source(%arg7 : memref<128x128xf32, #tpu.memory_space<vmem>>) target(%dma_start3A_69 : memref<10240x128xf32, #tpu.memory_space<vmem_shared>>) offsets(%dma_start3A_66 : memref<128xi32, #tpu.memory_space<vmem>>) semaphore(%arg8 : memref<!tpu.dma_semaphore, #tpu.memory_space<semaphore_mem>>) {add = true}
      %add3A_70 = arith.constant 6 : i32
      %add3A_71 = arith.addi %mul3A_22, %add3A_70 : i32
      %dma_start3A_72 = arith.constant 0 : i32
      %dma_start3A_73 = tpu.memref_slice %arg6[%add3A_71, %dma_start3A_72] : memref<80x128xi32, #tpu.memory_space<vmem>> -> memref<1x128xi32, #tpu.memory_space<vmem>>
      %dma_start3A_74 = tpu.memref_squeeze %dma_start3A_73 : memref<1x128xi32, #tpu.memory_space<vmem>> -> memref<128xi32, #tpu.memory_space<vmem>>
      %dma_start3A_75 = arith.constant 0 : i32
      %dma_start3A_76 = arith.constant 0 : i32
      %dma_start3A_77 = tpu.memref_slice %arg9[%dma_start3A_75, %dma_start3A_76] : memref<10240x128xf32, #tpu.memory_space<vmem_shared>> -> memref<10240x128xf32, #tpu.memory_space<vmem_shared>>
      tpu.enqueue_indirect_dma source(%arg7 : memref<128x128xf32, #tpu.memory_space<vmem>>) target(%dma_start3A_77 : memref<10240x128xf32, #tpu.memory_space<vmem_shared>>) offsets(%dma_start3A_74 : memref<128xi32, #tpu.memory_space<vmem>>) semaphore(%arg8 : memref<!tpu.dma_semaphore, #tpu.memory_space<semaphore_mem>>) {add = true}
      %add3A_78 = arith.constant 7 : i32
      %add3A_79 = arith.addi %mul3A_22, %add3A_78 : i32
      %dma_start3A_80 = arith.constant 0 : i32
      %dma_start3A_81 = tpu.memref_slice %arg6[%add3A_79, %dma_start3A_80] : memref<80x128xi32, #tpu.memory_space<vmem>> -> memref<1x128xi32, #tpu.memory_space<vmem>>
      %dma_start3A_82 = tpu.memref_squeeze %dma_start3A_81 : memref<1x128xi32, #tpu.memory_space<vmem>> -> memref<128xi32, #tpu.memory_space<vmem>>
      %dma_start3A_83 = arith.constant 0 : i32
      %dma_start3A_84 = arith.constant 0 : i32
      %dma_start3A_85 = tpu.memref_slice %arg9[%dma_start3A_83, %dma_start3A_84] : memref<10240x128xf32, #tpu.memory_space<vmem_shared>> -> memref<10240x128xf32, #tpu.memory_space<vmem_shared>>
      tpu.enqueue_indirect_dma source(%arg7 : memref<128x128xf32, #tpu.memory_space<vmem>>) target(%dma_start3A_85 : memref<10240x128xf32, #tpu.memory_space<vmem_shared>>) offsets(%dma_start3A_82 : memref<128xi32, #tpu.memory_space<vmem>>) semaphore(%arg8 : memref<!tpu.dma_semaphore, #tpu.memory_space<semaphore_mem>>) {add = true}
      %dma_wait3A = arith.constant 0 : i32
      %dma_wait3A_86 = tpu.memref_slice %arg6[%mul3A_22, %dma_wait3A] : memref<80x128xi32, #tpu.memory_space<vmem>> -> memref<1x128xi32, #tpu.memory_space<vmem>>
      %dma_wait3A_87 = tpu.memref_squeeze %dma_wait3A_86 : memref<1x128xi32, #tpu.memory_space<vmem>> -> memref<128xi32, #tpu.memory_space<vmem>>
      %dma_wait3A_88 = arith.constant 0 : i32
      %dma_wait3A_89 = arith.constant 0 : i32
      %dma_wait3A_90 = tpu.memref_slice %arg9[%dma_wait3A_88, %dma_wait3A_89] : memref<10240x128xf32, #tpu.memory_space<vmem_shared>> -> memref<10240x128xf32, #tpu.memory_space<vmem_shared>>
      tpu.wait_indirect_dma semaphore(%arg8 : memref<!tpu.dma_semaphore, #tpu.memory_space<semaphore_mem>>) src(%arg7 : memref<128x128xf32, #tpu.memory_space<vmem>>) dst(%dma_wait3A_90 : memref<10240x128xf32, #tpu.memory_space<vmem_shared>>)
      %dma_wait3A_91 = arith.constant 0 : i32
      %dma_wait3A_92 = tpu.memref_slice %arg6[%mul3A_22, %dma_wait3A_91] : memref<80x128xi32, #tpu.memory_space<vmem>> -> memref<1x128xi32, #tpu.memory_space<vmem>>
      %dma_wait3A_93 = tpu.memref_squeeze %dma_wait3A_92 : memref<1x128xi32, #tpu.memory_space<vmem>> -> memref<128xi32, #tpu.memory_space<vmem>>
      %dma_wait3A_94 = arith.constant 0 : i32
      %dma_wait3A_95 = arith.constant 0 : i32
      %dma_wait3A_96 = tpu.memref_slice %arg9[%dma_wait3A_94, %dma_wait3A_95] : memref<10240x128xf32, #tpu.memory_space<vmem_shared>> -> memref<10240x128xf32, #tpu.memory_space<vmem_shared>>
      tpu.wait_indirect_dma semaphore(%arg8 : memref<!tpu.dma_semaphore, #tpu.memory_space<semaphore_mem>>) src(%arg7 : memref<128x128xf32, #tpu.memory_space<vmem>>) dst(%dma_wait3A_96 : memref<10240x128xf32, #tpu.memory_space<vmem_shared>>)
      %dma_wait3A_97 = arith.constant 0 : i32
      %dma_wait3A_98 = tpu.memref_slice %arg6[%mul3A_22, %dma_wait3A_97] : memref<80x128xi32, #tpu.memory_space<vmem>> -> memref<1x128xi32, #tpu.memory_space<vmem>>
      %dma_wait3A_99 = tpu.memref_squeeze %dma_wait3A_98 : memref<1x128xi32, #tpu.memory_space<vmem>> -> memref<128xi32, #tpu.memory_space<vmem>>
      %dma_wait3A_100 = arith.constant 0 : i32
      %dma_wait3A_101 = arith.constant 0 : i32
      %dma_wait3A_102 = tpu.memref_slice %arg9[%dma_wait3A_100, %dma_wait3A_101] : memref<10240x128xf32, #tpu.memory_space<vmem_shared>> -> memref<10240x128xf32, #tpu.memory_space<vmem_shared>>
      tpu.wait_indirect_dma semaphore(%arg8 : memref<!tpu.dma_semaphore, #tpu.memory_space<semaphore_mem>>) src(%arg7 : memref<128x128xf32, #tpu.memory_space<vmem>>) dst(%dma_wait3A_102 : memref<10240x128xf32, #tpu.memory_space<vmem_shared>>)
      %dma_wait3A_103 = arith.constant 0 : i32
      %dma_wait3A_104 = tpu.memref_slice %arg6[%mul3A_22, %dma_wait3A_103] : memref<80x128xi32, #tpu.memory_space<vmem>> -> memref<1x128xi32, #tpu.memory_space<vmem>>
      %dma_wait3A_105 = tpu.memref_squeeze %dma_wait3A_104 : memref<1x128xi32, #tpu.memory_space<vmem>> -> memref<128xi32, #tpu.memory_space<vmem>>
      %dma_wait3A_106 = arith.constant 0 : i32
      %dma_wait3A_107 = arith.constant 0 : i32
      %dma_wait3A_108 = tpu.memref_slice %arg9[%dma_wait3A_106, %dma_wait3A_107] : memref<10240x128xf32, #tpu.memory_space<vmem_shared>> -> memref<10240x128xf32, #tpu.memory_space<vmem_shared>>
      tpu.wait_indirect_dma semaphore(%arg8 : memref<!tpu.dma_semaphore, #tpu.memory_space<semaphore_mem>>) src(%arg7 : memref<128x128xf32, #tpu.memory_space<vmem>>) dst(%dma_wait3A_108 : memref<10240x128xf32, #tpu.memory_space<vmem_shared>>)
      %dma_wait3A_109 = arith.constant 0 : i32
      %dma_wait3A_110 = tpu.memref_slice %arg6[%mul3A_22, %dma_wait3A_109] : memref<80x128xi32, #tpu.memory_space<vmem>> -> memref<1x128xi32, #tpu.memory_space<vmem>>
      %dma_wait3A_111 = tpu.memref_squeeze %dma_wait3A_110 : memref<1x128xi32, #tpu.memory_space<vmem>> -> memref<128xi32, #tpu.memory_space<vmem>>
      %dma_wait3A_112 = arith.constant 0 : i32
      %dma_wait3A_113 = arith.constant 0 : i32
      %dma_wait3A_114 = tpu.memref_slice %arg9[%dma_wait3A_112, %dma_wait3A_113] : memref<10240x128xf32, #tpu.memory_space<vmem_shared>> -> memref<10240x128xf32, #tpu.memory_space<vmem_shared>>
      tpu.wait_indirect_dma semaphore(%arg8 : memref<!tpu.dma_semaphore, #tpu.memory_space<semaphore_mem>>) src(%arg7 : memref<128x128xf32, #tpu.memory_space<vmem>>) dst(%dma_wait3A_114 : memref<10240x128xf32, #tpu.memory_space<vmem_shared>>)
      %dma_wait3A_115 = arith.constant 0 : i32
      %dma_wait3A_116 = tpu.memref_slice %arg6[%mul3A_22, %dma_wait3A_115] : memref<80x128xi32, #tpu.memory_space<vmem>> -> memref<1x128xi32, #tpu.memory_space<vmem>>
      %dma_wait3A_117 = tpu.memref_squeeze %dma_wait3A_116 : memref<1x128xi32, #tpu.memory_space<vmem>> -> memref<128xi32, #tpu.memory_space<vmem>>
      %dma_wait3A_118 = arith.constant 0 : i32
      %dma_wait3A_119 = arith.constant 0 : i32
      %dma_wait3A_120 = tpu.memref_slice %arg9[%dma_wait3A_118, %dma_wait3A_119] : memref<10240x128xf32, #tpu.memory_space<vmem_shared>> -> memref<10240x128xf32, #tpu.memory_space<vmem_shared>>
      tpu.wait_indirect_dma semaphore(%arg8 : memref<!tpu.dma_semaphore, #tpu.memory_space<semaphore_mem>>) src(%arg7 : memref<128x128xf32, #tpu.memory_space<vmem>>) dst(%dma_wait3A_120 : memref<10240x128xf32, #tpu.memory_space<vmem_shared>>)
      %dma_wait3A_121 = arith.constant 0 : i32
      %dma_wait3A_122 = tpu.memref_slice %arg6[%mul3A_22, %dma_wait3A_121] : memref<80x128xi32, #tpu.memory_space<vmem>> -> memref<1x128xi32, #tpu.memory_space<vmem>>
      %dma_wait3A_123 = tpu.memref_squeeze %dma_wait3A_122 : memref<1x128xi32, #tpu.memory_space<vmem>> -> memref<128xi32, #tpu.memory_space<vmem>>
      %dma_wait3A_124 = arith.constant 0 : i32
      %dma_wait3A_125 = arith.constant 0 : i32
      %dma_wait3A_126 = tpu.memref_slice %arg9[%dma_wait3A_124, %dma_wait3A_125] : memref<10240x128xf32, #tpu.memory_space<vmem_shared>> -> memref<10240x128xf32, #tpu.memory_space<vmem_shared>>
      tpu.wait_indirect_dma semaphore(%arg8 : memref<!tpu.dma_semaphore, #tpu.memory_space<semaphore_mem>>) src(%arg7 : memref<128x128xf32, #tpu.memory_space<vmem>>) dst(%dma_wait3A_126 : memref<10240x128xf32, #tpu.memory_space<vmem_shared>>)
      %dma_wait3A_127 = arith.constant 0 : i32
      %dma_wait3A_128 = tpu.memref_slice %arg6[%mul3A_22, %dma_wait3A_127] : memref<80x128xi32, #tpu.memory_space<vmem>> -> memref<1x128xi32, #tpu.memory_space<vmem>>
      %dma_wait3A_129 = tpu.memref_squeeze %dma_wait3A_128 : memref<1x128xi32, #tpu.memory_space<vmem>> -> memref<128xi32, #tpu.memory_space<vmem>>
      %dma_wait3A_130 = arith.constant 0 : i32
      %dma_wait3A_131 = arith.constant 0 : i32
      %dma_wait3A_132 = tpu.memref_slice %arg9[%dma_wait3A_130, %dma_wait3A_131] : memref<10240x128xf32, #tpu.memory_space<vmem_shared>> -> memref<10240x128xf32, #tpu.memory_space<vmem_shared>>
      tpu.wait_indirect_dma semaphore(%arg8 : memref<!tpu.dma_semaphore, #tpu.memory_space<semaphore_mem>>) src(%arg7 : memref<128x128xf32, #tpu.memory_space<vmem>>) dst(%dma_wait3A_132 : memref<10240x128xf32, #tpu.memory_space<vmem_shared>>)
    }
    %scan3A_11 = arith.constant 10 : i32
    %barrier3A_12 = arith.constant 0 : index
    tpu.barrier barrier_id(%barrier3A_12)
    %eq3A = arith.constant 0 : i32
    %eq3A_13 = arith.cmpi eq, %arg0, %eq3A : i32
    %convert_element_type3A = arith.extui %eq3A_13 : i1 to i32
    %cond3A = arith.constant 0 : i32
    %cond3A_14 = arith.cmpi ne, %convert_element_type3A, %cond3A : i32
    scf.if %cond3A_14 {
      %mul3A_20 = arith.constant 640 : i32
      %mul3A_21 = arith.muli %arg1, %mul3A_20 : i32
      %mul3A_22 = arith.constant 640 : i32
      %mul3A_23 = arith.muli %arg1, %mul3A_22 : i32
      %run_scoped3A = arith.constant 0 : i32
      "tpu.region"() ({
        %run_scoped3A_24 = tpu.sem_alloc : memref<!tpu.dma_semaphore, #tpu.memory_space<semaphore_mem>>
        %dma_start3A = arith.constant 0 : i32
        %dma_start3A_25 = tpu.memref_slice %arg5[%run_scoped3A, %mul3A_23, %dma_start3A] : memref<2x10240x128xf32, #tpu.memory_space<hbm>> -> memref<1x640x128xf32, #tpu.memory_space<hbm>>
        %dma_start3A_26 = tpu.memref_squeeze %dma_start3A_25 : memref<1x640x128xf32, #tpu.memory_space<hbm>> -> memref<640x128xf32, #tpu.memory_space<hbm>>
        %dma_start3A_27 = arith.constant 0 : i32
        %dma_start3A_28 = tpu.memref_slice %arg9[%mul3A_21, %dma_start3A_27] : memref<10240x128xf32, #tpu.memory_space<vmem_shared>> -> memref<640x128xf32, #tpu.memory_space<vmem_shared>>
        tpu.enqueue_dma source(%dma_start3A_28 : memref<640x128xf32, #tpu.memory_space<vmem_shared>>) target(%dma_start3A_26 : memref<640x128xf32, #tpu.memory_space<hbm>>) target_semaphore(%run_scoped3A_24 : memref<!tpu.dma_semaphore, #tpu.memory_space<semaphore_mem>>)
        %dma_wait3A = arith.constant 0 : i32
        %dma_wait3A_29 = tpu.memref_slice %arg5[%run_scoped3A, %mul3A_23, %dma_wait3A] : memref<2x10240x128xf32, #tpu.memory_space<hbm>> -> memref<1x640x128xf32, #tpu.memory_space<hbm>>
        %dma_wait3A_30 = tpu.memref_squeeze %dma_wait3A_29 : memref<1x640x128xf32, #tpu.memory_space<hbm>> -> memref<640x128xf32, #tpu.memory_space<hbm>>
        %dma_wait3A_31 = arith.constant 0 : i32
        %dma_wait3A_32 = tpu.memref_slice %arg9[%mul3A_21, %dma_wait3A_31] : memref<10240x128xf32, #tpu.memory_space<vmem_shared>> -> memref<640x128xf32, #tpu.memory_space<vmem_shared>>
        tpu.wait_dma2 semaphore(%run_scoped3A_24 : memref<!tpu.dma_semaphore, #tpu.memory_space<semaphore_mem>>) src(%dma_wait3A_32 : memref<640x128xf32, #tpu.memory_space<vmem_shared>>) dst(%dma_wait3A_30 : memref<640x128xf32, #tpu.memory_space<hbm>>)
        tpu.yield
      }) : () -> ()
    } else {
    }
    %eq3A_15 = arith.constant 1 : i32
    %eq3A_16 = arith.cmpi eq, %arg0, %eq3A_15 : i32
    %convert_element_type3A_17 = arith.extui %eq3A_16 : i1 to i32
    %cond3A_18 = arith.constant 0 : i32
    %cond3A_19 = arith.cmpi ne, %convert_element_type3A_17, %cond3A_18 : i32
    scf.if %cond3A_19 {
      %mul3A_20 = arith.constant 640 : i32
      %mul3A_21 = arith.muli %arg1, %mul3A_20 : i32
      %mul3A_22 = arith.constant 640 : i32
      %mul3A_23 = arith.muli %arg1, %mul3A_22 : i32
      %run_scoped3A = arith.constant 1 : i32
      "tpu.region"() ({
        %run_scoped3A_24 = tpu.sem_alloc : memref<!tpu.dma_semaphore, #tpu.memory_space<semaphore_mem>>
        %dma_start3A = arith.constant 0 : i32
        %dma_start3A_25 = tpu.memref_slice %arg5[%run_scoped3A, %mul3A_23, %dma_start3A] : memref<2x10240x128xf32, #tpu.memory_space<hbm>> -> memref<1x640x128xf32, #tpu.memory_space<hbm>>
        %dma_start3A_26 = tpu.memref_squeeze %dma_start3A_25 : memref<1x640x128xf32, #tpu.memory_space<hbm>> -> memref<640x128xf32, #tpu.memory_space<hbm>>
        %dma_start3A_27 = arith.constant 0 : i32
        %dma_start3A_28 = tpu.memref_slice %arg9[%mul3A_21, %dma_start3A_27] : memref<10240x128xf32, #tpu.memory_space<vmem_shared>> -> memref<640x128xf32, #tpu.memory_space<vmem_shared>>
        tpu.enqueue_dma source(%dma_start3A_28 : memref<640x128xf32, #tpu.memory_space<vmem_shared>>) target(%dma_start3A_26 : memref<640x128xf32, #tpu.memory_space<hbm>>) target_semaphore(%run_scoped3A_24 : memref<!tpu.dma_semaphore, #tpu.memory_space<semaphore_mem>>)
        %dma_wait3A = arith.constant 0 : i32
        %dma_wait3A_29 = tpu.memref_slice %arg5[%run_scoped3A, %mul3A_23, %dma_wait3A] : memref<2x10240x128xf32, #tpu.memory_space<hbm>> -> memref<1x640x128xf32, #tpu.memory_space<hbm>>
        %dma_wait3A_30 = tpu.memref_squeeze %dma_wait3A_29 : memref<1x640x128xf32, #tpu.memory_space<hbm>> -> memref<640x128xf32, #tpu.memory_space<hbm>>
        %dma_wait3A_31 = arith.constant 0 : i32
        %dma_wait3A_32 = tpu.memref_slice %arg9[%mul3A_21, %dma_wait3A_31] : memref<10240x128xf32, #tpu.memory_space<vmem_shared>> -> memref<640x128xf32, #tpu.memory_space<vmem_shared>>
        tpu.wait_dma2 semaphore(%run_scoped3A_24 : memref<!tpu.dma_semaphore, #tpu.memory_space<semaphore_mem>>) src(%dma_wait3A_32 : memref<640x128xf32, #tpu.memory_space<vmem_shared>>) dst(%dma_wait3A_30 : memref<640x128xf32, #tpu.memory_space<hbm>>)
        tpu.yield
      }) : () -> ()
    } else {
    }
    return
  }
}

module attributes {stable_mosaic.version = 14 : i64} {
  func.func @_scale_body(%arg0: i32, %arg1: memref<2560x384xf32, #tpu.memory_space<vmem>>, %arg2: memref<2x2560x128xf32, #tpu.memory_space<vmem>>, %arg3: memref<2560x128xf32, #tpu.memory_space<vmem>>, %arg4: memref<2560x128xf32, #tpu.memory_space<vmem>>, %arg5: memref<2560x128xf32, #tpu.memory_space<vmem>>) attributes {dimension_semantics = [#tpu.dimension_semantics<arbitrary>], iteration_bounds = array<i64: 4>, scalar_prefetch = 0 : i64, scratch_operands = 0 : i64, tpu.core_type = #tpu.core_type<tc>, window_params = [{transform_indices = @transform_0, window_bounds = array<i64: 2560, 384>}, {transform_indices = @transform_1, window_bounds = array<i64: 2, 2560, 128>}, {transform_indices = @transform_2, window_bounds = array<i64: 2560, 128>}, {transform_indices = @transform_3, window_bounds = array<i64: 2560, 128>}, {transform_indices = @transform_4, window_bounds = array<i64: 2560, 128>}]} {
    %get3A = arith.constant 0 : index
    %get3A_0 = arith.constant 0 : index
    %get3A_1 = arith.constant 0 : index
    %get3A_2 = vector.load %arg2[%get3A, %get3A_0, %get3A_1] : memref<2x2560x128xf32, #tpu.memory_space<vmem>>, vector<1x2560x1xf32>
    %get3A_3 = vector.shape_cast %get3A_2 : vector<1x2560x1xf32> to vector<2560x1xf32>
    %get3A_4 = arith.constant 1 : index
    %get3A_5 = arith.constant 0 : index
    %get3A_6 = arith.constant 0 : index
    %get3A_7 = vector.load %arg2[%get3A_4, %get3A_5, %get3A_6] : memref<2x2560x128xf32, #tpu.memory_space<vmem>>, vector<1x2560x1xf32>
    %get3A_8 = vector.shape_cast %get3A_7 : vector<1x2560x1xf32> to vector<2560x1xf32>
    %add3A = arith.addf %get3A_3, %get3A_8 : vector<2560x1xf32>
    %add3A_9 = arith.constant 1.000000e+00 : f32
    %add3A_10 = vector.broadcast %add3A_9 : f32 to vector<2560x1xf32>
    %add3A_11 = arith.addf %add3A, %add3A_10 : vector<2560x1xf32>
    %rsqrt3A = math.rsqrt %add3A_11 : vector<2560x1xf32>
    %get3A_12 = arith.constant 0 : index
    %get3A_13 = arith.constant 0 : index
    %get3A_14 = vector.load %arg1[%get3A_12, %get3A_13] : memref<2560x384xf32, #tpu.memory_space<vmem>>, vector<2560x384xf32>
    %mul3A = vector.broadcast %rsqrt3A : vector<2560x1xf32> to vector<2560x384xf32>
    %mul3A_15 = arith.mulf %get3A_14, %mul3A : vector<2560x384xf32>
    %slice3A = vector.extract_strided_slice %mul3A_15 {offsets = [0, 0], sizes = [2560, 128], strides = [1, 1]} : vector<2560x384xf32> to vector<2560x128xf32>
    %swap3A = arith.constant 0 : index
    %swap3A_16 = arith.constant 0 : index
    %swap3A_17 = vector.load %arg3[%swap3A, %swap3A_16] : memref<2560x128xf32, #tpu.memory_space<vmem>>, vector<2560x128xf32>
    tpu.vector_store %arg3[%swap3A, %swap3A_16], %slice3A {strides = array<i32>} : memref<2560x128xf32, #tpu.memory_space<vmem>>, vector<2560x128xf32>,
    %slice3A_18 = vector.extract_strided_slice %mul3A_15 {offsets = [0, 128], sizes = [2560, 128], strides = [1, 1]} : vector<2560x384xf32> to vector<2560x128xf32>
    %swap3A_19 = arith.constant 0 : index
    %swap3A_20 = arith.constant 0 : index
    %swap3A_21 = vector.load %arg4[%swap3A_19, %swap3A_20] : memref<2560x128xf32, #tpu.memory_space<vmem>>, vector<2560x128xf32>
    tpu.vector_store %arg4[%swap3A_19, %swap3A_20], %slice3A_18 {strides = array<i32>} : memref<2560x128xf32, #tpu.memory_space<vmem>>, vector<2560x128xf32>,
    %slice3A_22 = vector.extract_strided_slice %mul3A_15 {offsets = [0, 256], sizes = [2560, 128], strides = [1, 1]} : vector<2560x384xf32> to vector<2560x128xf32>
    %swap3A_23 = arith.constant 0 : index
    %swap3A_24 = arith.constant 0 : index
    %swap3A_25 = vector.load %arg5[%swap3A_23, %swap3A_24] : memref<2560x128xf32, #tpu.memory_space<vmem>>, vector<2560x128xf32>
    tpu.vector_store %arg5[%swap3A_23, %swap3A_24], %slice3A_22 {strides = array<i32>} : memref<2560x128xf32, #tpu.memory_space<vmem>>, vector<2560x128xf32>,
    return
  }
  func.func @transform_0(%arg0: i32) -> (i32, i32) {
    %c0_i32 = arith.constant 0 : i32
    %c0_i32_0 = arith.constant 0 : i32
    return %arg0, %c0_i32 : i32, i32
  }
  func.func @transform_1(%arg0: i32) -> (i32, i32, i32) {
    %c0_i32 = arith.constant 0 : i32
    %c0_i32_0 = arith.constant 0 : i32
    %c0_i32_1 = arith.constant 0 : i32
    return %c0_i32, %arg0, %c0_i32_0 : i32, i32, i32
  }
  func.func @transform_2(%arg0: i32) -> (i32, i32) {
    %c0_i32 = arith.constant 0 : i32
    %c0_i32_0 = arith.constant 0 : i32
    return %arg0, %c0_i32 : i32, i32
  }
  func.func @transform_3(%arg0: i32) -> (i32, i32) {
    %c0_i32 = arith.constant 0 : i32
    %c0_i32_0 = arith.constant 0 : i32
    return %arg0, %c0_i32 : i32, i32
  }
  func.func @transform_4(%arg0: i32) -> (i32, i32) {
    %c0_i32 = arith.constant 0 : i32
    %c0_i32_0 = arith.constant 0 : i32
    return %arg0, %c0_i32 : i32, i32
  }
}

module attributes {stable_mosaic.version = 14 : i64} {
  func.func @_prep_body(%arg0: memref<32x128xf32, #tpu.memory_space<vmem>>, %arg1: memref<256x128xf32, #tpu.memory_space<vmem>>, %arg2: memref<1x128xf32, #tpu.memory_space<vmem>>, %arg3: memref<1x128xf32, #tpu.memory_space<vmem>>, %arg4: memref<32x128xf32, #tpu.memory_space<vmem>>, %arg5: memref<256x128xf32, #tpu.memory_space<vmem>>, %arg6: memref<1x128xf32, #tpu.memory_space<vmem>>, %arg7: memref<1x128xf32, #tpu.memory_space<vmem>>, %arg8: memref<1x12xf32, #tpu.memory_space<vmem>>, %arg9: memref<32x128xf32, #tpu.memory_space<vmem>>, %arg10: memref<32x128xf32, #tpu.memory_space<vmem>>, %arg11: memref<2x128xf32, #tpu.memory_space<vmem>>, %arg12: memref<1x12xf32, #tpu.memory_space<vmem>>) attributes {dimension_semantics = [], scalar_prefetch = 0 : i64, scratch_operands = 0 : i64, tpu.core_type = #tpu.core_type<tc>} {
    %get3A = arith.constant 0 : index
    %get3A_0 = arith.constant 0 : index
    %get3A_1 = vector.load %arg1[%get3A, %get3A_0] : memref<256x128xf32, #tpu.memory_space<vmem>>, vector<128x128xf32>
    %get3A_2 = arith.constant 0 : index
    %get3A_3 = arith.constant 0 : index
    %get3A_4 = vector.load %arg5[%get3A_2, %get3A_3] : memref<256x128xf32, #tpu.memory_space<vmem>>, vector<128x128xf32>
    %get3A_5 = arith.constant 0 : index
    %get3A_6 = arith.constant 0 : index
    %get3A_7 = vector.load %arg0[%get3A_5, %get3A_6] : memref<32x128xf32, #tpu.memory_space<vmem>>, vector<32x128xf32>
    %dot_general3A = arith.constant dense<0.000000e+00> : vector<32x128xf32>
    %dot_general3A_8 = tpu.matmul %get3A_7, %get3A_1, %dot_general3A {dimension_numbers = #tpu.dot_dimension_numbers<[1], [0], [0], [1], [0, 0, 1, 1], [], []>, transpose_lhs_hint = false} : vector<32x128xf32>, vector<128x128xf32>, vector<32x128xf32> -> vector<32x128xf32>
    %swap3A = arith.constant 0 : index
    %swap3A_9 = arith.constant 0 : index
    %swap3A_10 = vector.load %arg9[%swap3A, %swap3A_9] : memref<32x128xf32, #tpu.memory_space<vmem>>, vector<32x128xf32>
    tpu.vector_store %arg9[%swap3A, %swap3A_9], %dot_general3A_8 {strides = array<i32>} : memref<32x128xf32, #tpu.memory_space<vmem>>, vector<32x128xf32>,
    %get3A_11 = arith.constant 0 : index
    %get3A_12 = arith.constant 0 : index
    %get3A_13 = vector.load %arg4[%get3A_11, %get3A_12] : memref<32x128xf32, #tpu.memory_space<vmem>>, vector<32x128xf32>
    %dot_general3A_14 = arith.constant dense<0.000000e+00> : vector<32x128xf32>
    %dot_general3A_15 = tpu.matmul %get3A_13, %get3A_4, %dot_general3A_14 {dimension_numbers = #tpu.dot_dimension_numbers<[1], [0], [0], [1], [0, 0, 1, 1], [], []>, transpose_lhs_hint = false} : vector<32x128xf32>, vector<128x128xf32>, vector<32x128xf32> -> vector<32x128xf32>
    %swap3A_16 = arith.constant 0 : index
    %swap3A_17 = arith.constant 0 : index
    %swap3A_18 = vector.load %arg10[%swap3A_16, %swap3A_17] : memref<32x128xf32, #tpu.memory_space<vmem>>, vector<32x128xf32>
    tpu.vector_store %arg10[%swap3A_16, %swap3A_17], %dot_general3A_15 {strides = array<i32>} : memref<32x128xf32, #tpu.memory_space<vmem>>, vector<32x128xf32>,
    %get3A_19 = arith.constant 0 : index
    %get3A_20 = arith.constant 0 : index
    %get3A_21 = vector.load %arg2[%get3A_19, %get3A_20] : memref<1x128xf32, #tpu.memory_space<vmem>>, vector<1x128xf32>
    %dot_general3A_22 = arith.constant dense<0.000000e+00> : vector<1x128xf32>
    %dot_general3A_23 = tpu.matmul %get3A_21, %get3A_1, %dot_general3A_22 {dimension_numbers = #tpu.dot_dimension_numbers<[1], [0], [0], [1], [0, 0, 1, 1], [], []>, transpose_lhs_hint = false} : vector<1x128xf32>, vector<128x128xf32>, vector<1x128xf32> -> vector<1x128xf32>
    %get3A_24 = arith.constant 0 : index
    %get3A_25 = arith.constant 0 : index
    %get3A_26 = vector.load %arg3[%get3A_24, %get3A_25] : memref<1x128xf32, #tpu.memory_space<vmem>>, vector<1x128xf32>
    %add3A = arith.addf %dot_general3A_23, %get3A_26 : vector<1x128xf32>
    %swap3A_27 = arith.constant 0 : index
    %swap3A_28 = arith.constant 0 : index
    %swap3A_29 = vector.load %arg11[%swap3A_27, %swap3A_28] : memref<2x128xf32, #tpu.memory_space<vmem>>, vector<1x128xf32>
    tpu.vector_store %arg11[%swap3A_27, %swap3A_28], %add3A {strides = array<i32>} : memref<2x128xf32, #tpu.memory_space<vmem>>, vector<1x128xf32>,
    %get3A_30 = arith.constant 0 : index
    %get3A_31 = arith.constant 0 : index
    %get3A_32 = vector.load %arg6[%get3A_30, %get3A_31] : memref<1x128xf32, #tpu.memory_space<vmem>>, vector<1x128xf32>
    %dot_general3A_33 = arith.constant dense<0.000000e+00> : vector<1x128xf32>
    %dot_general3A_34 = tpu.matmul %get3A_32, %get3A_4, %dot_general3A_33 {dimension_numbers = #tpu.dot_dimension_numbers<[1], [0], [0], [1], [0, 0, 1, 1], [], []>, transpose_lhs_hint = false} : vector<1x128xf32>, vector<128x128xf32>, vector<1x128xf32> -> vector<1x128xf32>
    %get3A_35 = arith.constant 0 : index
    %get3A_36 = arith.constant 0 : index
    %get3A_37 = vector.load %arg7[%get3A_35, %get3A_36] : memref<1x128xf32, #tpu.memory_space<vmem>>, vector<1x128xf32>
    %add3A_38 = arith.addf %dot_general3A_34, %get3A_37 : vector<1x128xf32>
    %swap3A_39 = arith.constant 1 : index
    %swap3A_40 = arith.constant 0 : index
    %swap3A_41 = vector.load %arg11[%swap3A_39, %swap3A_40] : memref<2x128xf32, #tpu.memory_space<vmem>>, vector<1x128xf32>
    tpu.vector_store %arg11[%swap3A_39, %swap3A_40], %add3A_38 {strides = array<i32>} : memref<2x128xf32, #tpu.memory_space<vmem>>, vector<1x128xf32>,
    %get3A_42 = arith.constant 0 : index
    %get3A_43 = arith.constant 0 : index
    %get3A_44 = vector.load %arg8[%get3A_42, %get3A_43] : memref<1x12xf32, #tpu.memory_space<vmem>>, vector<1x12xf32>
    %reduce_max3A = arith.constant dense<0xFF800000> : vector<1xf32>
    %reduce_max3A_45 = vector.multi_reduction <maximumf>, %get3A_44, %reduce_max3A [1] : vector<1x12xf32> to vector<1xf32>
    %broadcast_in_dim3A = vector.shape_cast %reduce_max3A_45 : vector<1xf32> to vector<1x1xf32>
    %sub3A = vector.broadcast %broadcast_in_dim3A : vector<1x1xf32> to vector<1x12xf32>
    %sub3A_46 = arith.subf %get3A_44, %sub3A : vector<1x12xf32>
    %exp3A = math.exp %sub3A_46 : vector<1x12xf32>
    %reduce_sum3A = arith.constant dense<0.000000e+00> : vector<1xf32>
    %reduce_sum3A_47 = vector.multi_reduction <add>, %exp3A, %reduce_sum3A [1] : vector<1x12xf32> to vector<1xf32>
    %broadcast_in_dim3A_48 = vector.shape_cast %reduce_sum3A_47 : vector<1xf32> to vector<1x1xf32>
    %div3A = vector.broadcast %broadcast_in_dim3A_48 : vector<1x1xf32> to vector<1x12xf32>
    %div3A_49 = arith.divf %exp3A, %div3A : vector<1x12xf32>
    %swap3A_50 = arith.constant 0 : index
    %swap3A_51 = arith.constant 0 : index
    %swap3A_52 = vector.load %arg12[%swap3A_50, %swap3A_51] : memref<1x12xf32, #tpu.memory_space<vmem>>, vector<1x12xf32>
    tpu.vector_store %arg12[%swap3A_50, %swap3A_51], %div3A_49 {strides = array<i32>} : memref<1x12xf32, #tpu.memory_space<vmem>>, vector<1x12xf32>,
    return
  }
}

module attributes {stable_mosaic.version = 14 : i64} {
  func.func @_final_body(%arg0: i32, %arg1: memref<6x2560x128xf32, #tpu.memory_space<vmem>>, %arg2: memref<2560x128xf32, #tpu.memory_space<vmem>>, %arg3: memref<2560x128xf32, #tpu.memory_space<vmem>>, %arg4: memref<2560x128xf32, #tpu.memory_space<vmem>>, %arg5: memref<2x2560x128xf32, #tpu.memory_space<vmem>>, %arg6: memref<32x128xf32, #tpu.memory_space<vmem>>, %arg7: memref<32x128xf32, #tpu.memory_space<vmem>>, %arg8: memref<2x128xf32, #tpu.memory_space<vmem>>, %arg9: memref<1x12xf32, #tpu.memory_space<smem>>, %arg10: memref<128x128xf32, #tpu.memory_space<vmem>>, %arg11: memref<1x128xf32, #tpu.memory_space<vmem>>, %arg12: memref<2560x128xf32, #tpu.memory_space<vmem>>) attributes {dimension_semantics = [#tpu.dimension_semantics<arbitrary>], iteration_bounds = array<i64: 4>, scalar_prefetch = 0 : i64, scratch_operands = 0 : i64, tpu.core_type = #tpu.core_type<tc>, window_params = [{transform_indices = @transform_0, window_bounds = array<i64: 6, 2560, 128>}, {transform_indices = @transform_1, window_bounds = array<i64: 2560, 128>}, {transform_indices = @transform_2, window_bounds = array<i64: 2560, 128>}, {transform_indices = @transform_3, window_bounds = array<i64: 2560, 128>}, {transform_indices = @transform_4, window_bounds = array<i64: 2, 2560, 128>}, {pipeline_mode = #tpu.pipeline_mode<synchronous>, transform_indices = @transform_5, window_bounds = array<i64: 32, 128>}, {pipeline_mode = #tpu.pipeline_mode<synchronous>, transform_indices = @transform_6, window_bounds = array<i64: 32, 128>}, {pipeline_mode = #tpu.pipeline_mode<synchronous>, transform_indices = @transform_7, window_bounds = array<i64: 2, 128>}, {transform_indices = @transform_8, window_bounds = array<i64: 1, 12>}, {pipeline_mode = #tpu.pipeline_mode<synchronous>, transform_indices = @transform_9, window_bounds = array<i64: 128, 128>}, {pipeline_mode = #tpu.pipeline_mode<synchronous>, transform_indices = @transform_10, window_bounds = array<i64: 1, 128>}, {transform_indices = @transform_11, window_bounds = array<i64: 2560, 128>}]} {
    %get3A = arith.constant 0 : index
    %get3A_0 = arith.constant 0 : index
    %get3A_1 = arith.constant 0 : index
    %get3A_2 = vector.load %arg5[%get3A, %get3A_0, %get3A_1] : memref<2x2560x128xf32, #tpu.memory_space<vmem>>, vector<1x2560x1xf32>
    %get3A_3 = vector.shape_cast %get3A_2 : vector<1x2560x1xf32> to vector<2560x1xf32>
    %get3A_4 = arith.constant 1 : index
    %get3A_5 = arith.constant 0 : index
    %get3A_6 = arith.constant 0 : index
    %get3A_7 = vector.load %arg5[%get3A_4, %get3A_5, %get3A_6] : memref<2x2560x128xf32, #tpu.memory_space<vmem>>, vector<1x2560x1xf32>
    %get3A_8 = vector.shape_cast %get3A_7 : vector<1x2560x1xf32> to vector<2560x1xf32>
    %add3A = arith.addf %get3A_3, %get3A_8 : vector<2560x1xf32>
    %add3A_9 = arith.constant 1.000000e+00 : f32
    %add3A_10 = vector.broadcast %add3A_9 : f32 to vector<2560x1xf32>
    %add3A_11 = arith.addf %add3A, %add3A_10 : vector<2560x1xf32>
    %rsqrt3A = math.rsqrt %add3A_11 : vector<2560x1xf32>
    %get3A_12 = arith.constant 0 : index
    %get3A_13 = arith.constant 0 : index
    %get3A_14 = vector.load %arg6[%get3A_12, %get3A_13] : memref<32x128xf32, #tpu.memory_space<vmem>>, vector<32x128xf32>
    %get3A_15 = arith.constant 0 : index
    %get3A_16 = arith.constant 0 : index
    %get3A_17 = vector.load %arg7[%get3A_15, %get3A_16] : memref<32x128xf32, #tpu.memory_space<vmem>>, vector<32x128xf32>
    %get3A_18 = arith.constant 0 : index
    %get3A_19 = arith.constant 0 : index
    %get3A_20 = vector.load %arg8[%get3A_18, %get3A_19] : memref<2x128xf32, #tpu.memory_space<vmem>>, vector<1x128xf32>
    %get3A_21 = arith.constant 1 : index
    %get3A_22 = arith.constant 0 : index
    %get3A_23 = vector.load %arg8[%get3A_21, %get3A_22] : memref<2x128xf32, #tpu.memory_space<vmem>>, vector<1x128xf32>
    %broadcast_in_dim3A = arith.constant 0.000000e+00 : f32
    %broadcast_in_dim3A_24 = vector.broadcast %broadcast_in_dim3A : f32 to vector<2560x128xf32>
    %get3A_25 = arith.constant 0 : index
    %get3A_26 = arith.constant 0 : index
    %get3A_27 = arith.constant 0 : index
    %get3A_28 = vector.load %arg1[%get3A_25, %get3A_26, %get3A_27] : memref<6x2560x128xf32, #tpu.memory_space<vmem>>, vector<1x2560x32xf32>
    %get3A_29 = vector.shape_cast %get3A_28 : vector<1x2560x32xf32> to vector<2560x32xf32>
    %get3A_30 = arith.constant 3 : index
    %get3A_31 = arith.constant 0 : index
    %get3A_32 = arith.constant 0 : index
    %get3A_33 = vector.load %arg1[%get3A_30, %get3A_31, %get3A_32] : memref<6x2560x128xf32, #tpu.memory_space<vmem>>, vector<1x2560x32xf32>
    %get3A_34 = vector.shape_cast %get3A_33 : vector<1x2560x32xf32> to vector<2560x32xf32>
    %add3A_35 = arith.addf %get3A_29, %get3A_34 : vector<2560x32xf32>
    %get3A_36 = arith.constant 0 : index
    %get3A_37 = arith.constant 0 : index
    %get3A_38 = vector.load %arg2[%get3A_36, %get3A_37] : memref<2560x128xf32, #tpu.memory_space<vmem>>, vector<2560x32xf32>
    %add3A_39 = arith.addf %add3A_35, %get3A_38 : vector<2560x32xf32>
    %mul3A = vector.broadcast %rsqrt3A : vector<2560x1xf32> to vector<2560x32xf32>
    %mul3A_40 = arith.mulf %add3A_39, %mul3A : vector<2560x32xf32>
    %dot_general3A = arith.constant dense<0.000000e+00> : vector<2560x128xf32>
    %dot_general3A_41 = tpu.matmul %mul3A_40, %get3A_14, %dot_general3A {dimension_numbers = #tpu.dot_dimension_numbers<[1], [0], [0], [1], [0, 0, 1, 1], [], []>, transpose_lhs_hint = false} : vector<2560x32xf32>, vector<32x128xf32>, vector<2560x128xf32> -> vector<2560x128xf32>
    %add3A_42 = vector.broadcast %get3A_20 : vector<1x128xf32> to vector<2560x128xf32>
    %add3A_43 = arith.addf %dot_general3A_41, %add3A_42 : vector<2560x128xf32>
    %logistic3A = arith.negf %add3A_43 : vector<2560x128xf32>
    %logistic3A_44 = math.exp %logistic3A : vector<2560x128xf32>
    %logistic3A_45 = arith.constant 1.000000e+00 : f32
    %logistic3A_46 = vector.broadcast %logistic3A_45 : f32 to vector<2560x128xf32>
    %logistic3A_47 = arith.addf %logistic3A_46, %logistic3A_44 : vector<2560x128xf32>
    %logistic3A_48 = arith.divf %logistic3A_46, %logistic3A_47 : vector<2560x128xf32>
    %dot_general3A_49 = arith.constant dense<0.000000e+00> : vector<2560x128xf32>
    %dot_general3A_50 = tpu.matmul %mul3A_40, %get3A_17, %dot_general3A_49 {dimension_numbers = #tpu.dot_dimension_numbers<[1], [0], [0], [1], [0, 0, 1, 1], [], []>, transpose_lhs_hint = false} : vector<2560x32xf32>, vector<32x128xf32>, vector<2560x128xf32> -> vector<2560x128xf32>
    %add3A_51 = vector.broadcast %get3A_23 : vector<1x128xf32> to vector<2560x128xf32>
    %add3A_52 = arith.addf %dot_general3A_50, %add3A_51 : vector<2560x128xf32>
    %tanh3A = math.tanh %add3A_52 : vector<2560x128xf32>
    %get3A_53 = arith.constant 0 : index
    %get3A_54 = arith.constant 0 : index
    %get3A_55 = memref.load %arg9[%get3A_53, %get3A_54] : memref<1x12xf32, #tpu.memory_space<smem>>
    %sub3A = arith.constant 1.000000e+00 : f32
    %sub3A_56 = vector.broadcast %sub3A : f32 to vector<2560x128xf32>
    %sub3A_57 = arith.subf %sub3A_56, %logistic3A_48 : vector<2560x128xf32>
    %mul3A_58 = arith.mulf %sub3A_57, %tanh3A : vector<2560x128xf32>
    %mul3A_59 = vector.broadcast %get3A_55 : f32 to vector<2560x128xf32>
    %mul3A_60 = arith.mulf %mul3A_59, %mul3A_58 : vector<2560x128xf32>
    %add3A_61 = arith.addf %broadcast_in_dim3A_24, %mul3A_60 : vector<2560x128xf32>
    %get3A_62 = arith.constant 0 : index
    %get3A_63 = arith.constant 0 : index
    %get3A_64 = arith.constant 32 : index
    %get3A_65 = vector.load %arg1[%get3A_62, %get3A_63, %get3A_64] : memref<6x2560x128xf32, #tpu.memory_space<vmem>>, vector<1x2560x32xf32>
    %get3A_66 = vector.shape_cast %get3A_65 : vector<1x2560x32xf32> to vector<2560x32xf32>
    %get3A_67 = arith.constant 3 : index
    %get3A_68 = arith.constant 0 : index
    %get3A_69 = arith.constant 32 : index
    %get3A_70 = vector.load %arg1[%get3A_67, %get3A_68, %get3A_69] : memref<6x2560x128xf32, #tpu.memory_space<vmem>>, vector<1x2560x32xf32>
    %get3A_71 = vector.shape_cast %get3A_70 : vector<1x2560x32xf32> to vector<2560x32xf32>
    %add3A_72 = arith.addf %get3A_66, %get3A_71 : vector<2560x32xf32>
    %get3A_73 = arith.constant 0 : index
    %get3A_74 = arith.constant 32 : index
    %get3A_75 = vector.load %arg2[%get3A_73, %get3A_74] : memref<2560x128xf32, #tpu.memory_space<vmem>>, vector<2560x32xf32>
    %add3A_76 = arith.addf %add3A_72, %get3A_75 : vector<2560x32xf32>
    %mul3A_77 = vector.broadcast %rsqrt3A : vector<2560x1xf32> to vector<2560x32xf32>
    %mul3A_78 = arith.mulf %add3A_76, %mul3A_77 : vector<2560x32xf32>
    %dot_general3A_79 = arith.constant dense<0.000000e+00> : vector<2560x128xf32>
    %dot_general3A_80 = tpu.matmul %mul3A_78, %get3A_14, %dot_general3A_79 {dimension_numbers = #tpu.dot_dimension_numbers<[1], [0], [0], [1], [0, 0, 1, 1], [], []>, transpose_lhs_hint = false} : vector<2560x32xf32>, vector<32x128xf32>, vector<2560x128xf32> -> vector<2560x128xf32>
    %add3A_81 = vector.broadcast %get3A_20 : vector<1x128xf32> to vector<2560x128xf32>
    %add3A_82 = arith.addf %dot_general3A_80, %add3A_81 : vector<2560x128xf32>
    %logistic3A_83 = arith.negf %add3A_82 : vector<2560x128xf32>
    %logistic3A_84 = math.exp %logistic3A_83 : vector<2560x128xf32>
    %logistic3A_85 = arith.constant 1.000000e+00 : f32
    %logistic3A_86 = vector.broadcast %logistic3A_85 : f32 to vector<2560x128xf32>
    %logistic3A_87 = arith.addf %logistic3A_86, %logistic3A_84 : vector<2560x128xf32>
    %logistic3A_88 = arith.divf %logistic3A_86, %logistic3A_87 : vector<2560x128xf32>
    %dot_general3A_89 = arith.constant dense<0.000000e+00> : vector<2560x128xf32>
    %dot_general3A_90 = tpu.matmul %mul3A_78, %get3A_17, %dot_general3A_89 {dimension_numbers = #tpu.dot_dimension_numbers<[1], [0], [0], [1], [0, 0, 1, 1], [], []>, transpose_lhs_hint = false} : vector<2560x32xf32>, vector<32x128xf32>, vector<2560x128xf32> -> vector<2560x128xf32>
    %add3A_91 = vector.broadcast %get3A_23 : vector<1x128xf32> to vector<2560x128xf32>
    %add3A_92 = arith.addf %dot_general3A_90, %add3A_91 : vector<2560x128xf32>
    %tanh3A_93 = math.tanh %add3A_92 : vector<2560x128xf32>
    %get3A_94 = arith.constant 0 : index
    %get3A_95 = arith.constant 1 : index
    %get3A_96 = memref.load %arg9[%get3A_94, %get3A_95] : memref<1x12xf32, #tpu.memory_space<smem>>
    %sub3A_97 = arith.constant 1.000000e+00 : f32
    %sub3A_98 = vector.broadcast %sub3A_97 : f32 to vector<2560x128xf32>
    %sub3A_99 = arith.subf %sub3A_98, %logistic3A_88 : vector<2560x128xf32>
    %mul3A_100 = arith.mulf %sub3A_99, %tanh3A_93 : vector<2560x128xf32>
    %mul3A_101 = vector.broadcast %get3A_96 : f32 to vector<2560x128xf32>
    %mul3A_102 = arith.mulf %mul3A_101, %mul3A_100 : vector<2560x128xf32>
    %add3A_103 = arith.addf %add3A_61, %mul3A_102 : vector<2560x128xf32>
    %get3A_104 = arith.constant 0 : index
    %get3A_105 = arith.constant 0 : index
    %get3A_106 = arith.constant 64 : index
    %get3A_107 = vector.load %arg1[%get3A_104, %get3A_105, %get3A_106] : memref<6x2560x128xf32, #tpu.memory_space<vmem>>, vector<1x2560x32xf32>
    %get3A_108 = vector.shape_cast %get3A_107 : vector<1x2560x32xf32> to vector<2560x32xf32>
    %get3A_109 = arith.constant 3 : index
    %get3A_110 = arith.constant 0 : index
    %get3A_111 = arith.constant 64 : index
    %get3A_112 = vector.load %arg1[%get3A_109, %get3A_110, %get3A_111] : memref<6x2560x128xf32, #tpu.memory_space<vmem>>, vector<1x2560x32xf32>
    %get3A_113 = vector.shape_cast %get3A_112 : vector<1x2560x32xf32> to vector<2560x32xf32>
    %add3A_114 = arith.addf %get3A_108, %get3A_113 : vector<2560x32xf32>
    %get3A_115 = arith.constant 0 : index
    %get3A_116 = arith.constant 64 : index
    %get3A_117 = vector.load %arg2[%get3A_115, %get3A_116] : memref<2560x128xf32, #tpu.memory_space<vmem>>, vector<2560x32xf32>
    %add3A_118 = arith.addf %add3A_114, %get3A_117 : vector<2560x32xf32>
    %mul3A_119 = vector.broadcast %rsqrt3A : vector<2560x1xf32> to vector<2560x32xf32>
    %mul3A_120 = arith.mulf %add3A_118, %mul3A_119 : vector<2560x32xf32>
    %dot_general3A_121 = arith.constant dense<0.000000e+00> : vector<2560x128xf32>
    %dot_general3A_122 = tpu.matmul %mul3A_120, %get3A_14, %dot_general3A_121 {dimension_numbers = #tpu.dot_dimension_numbers<[1], [0], [0], [1], [0, 0, 1, 1], [], []>, transpose_lhs_hint = false} : vector<2560x32xf32>, vector<32x128xf32>, vector<2560x128xf32> -> vector<2560x128xf32>
    %add3A_123 = vector.broadcast %get3A_20 : vector<1x128xf32> to vector<2560x128xf32>
    %add3A_124 = arith.addf %dot_general3A_122, %add3A_123 : vector<2560x128xf32>
    %logistic3A_125 = arith.negf %add3A_124 : vector<2560x128xf32>
    %logistic3A_126 = math.exp %logistic3A_125 : vector<2560x128xf32>
    %logistic3A_127 = arith.constant 1.000000e+00 : f32
    %logistic3A_128 = vector.broadcast %logistic3A_127 : f32 to vector<2560x128xf32>
    %logistic3A_129 = arith.addf %logistic3A_128, %logistic3A_126 : vector<2560x128xf32>
    %logistic3A_130 = arith.divf %logistic3A_128, %logistic3A_129 : vector<2560x128xf32>
    %dot_general3A_131 = arith.constant dense<0.000000e+00> : vector<2560x128xf32>
    %dot_general3A_132 = tpu.matmul %mul3A_120, %get3A_17, %dot_general3A_131 {dimension_numbers = #tpu.dot_dimension_numbers<[1], [0], [0], [1], [0, 0, 1, 1], [], []>, transpose_lhs_hint = false} : vector<2560x32xf32>, vector<32x128xf32>, vector<2560x128xf32> -> vector<2560x128xf32>
    %add3A_133 = vector.broadcast %get3A_23 : vector<1x128xf32> to vector<2560x128xf32>
    %add3A_134 = arith.addf %dot_general3A_132, %add3A_133 : vector<2560x128xf32>
    %tanh3A_135 = math.tanh %add3A_134 : vector<2560x128xf32>
    %get3A_136 = arith.constant 0 : index
    %get3A_137 = arith.constant 2 : index
    %get3A_138 = memref.load %arg9[%get3A_136, %get3A_137] : memref<1x12xf32, #tpu.memory_space<smem>>
    %sub3A_139 = arith.constant 1.000000e+00 : f32
    %sub3A_140 = vector.broadcast %sub3A_139 : f32 to vector<2560x128xf32>
    %sub3A_141 = arith.subf %sub3A_140, %logistic3A_130 : vector<2560x128xf32>
    %mul3A_142 = arith.mulf %sub3A_141, %tanh3A_135 : vector<2560x128xf32>
    %mul3A_143 = vector.broadcast %get3A_138 : f32 to vector<2560x128xf32>
    %mul3A_144 = arith.mulf %mul3A_143, %mul3A_142 : vector<2560x128xf32>
    %add3A_145 = arith.addf %add3A_103, %mul3A_144 : vector<2560x128xf32>
    %get3A_146 = arith.constant 0 : index
    %get3A_147 = arith.constant 0 : index
    %get3A_148 = arith.constant 96 : index
    %get3A_149 = vector.load %arg1[%get3A_146, %get3A_147, %get3A_148] : memref<6x2560x128xf32, #tpu.memory_space<vmem>>, vector<1x2560x32xf32>
    %get3A_150 = vector.shape_cast %get3A_149 : vector<1x2560x32xf32> to vector<2560x32xf32>
    %get3A_151 = arith.constant 3 : index
    %get3A_152 = arith.constant 0 : index
    %get3A_153 = arith.constant 96 : index
    %get3A_154 = vector.load %arg1[%get3A_151, %get3A_152, %get3A_153] : memref<6x2560x128xf32, #tpu.memory_space<vmem>>, vector<1x2560x32xf32>
    %get3A_155 = vector.shape_cast %get3A_154 : vector<1x2560x32xf32> to vector<2560x32xf32>
    %add3A_156 = arith.addf %get3A_150, %get3A_155 : vector<2560x32xf32>
    %get3A_157 = arith.constant 0 : index
    %get3A_158 = arith.constant 96 : index
    %get3A_159 = vector.load %arg2[%get3A_157, %get3A_158] : memref<2560x128xf32, #tpu.memory_space<vmem>>, vector<2560x32xf32>
    %add3A_160 = arith.addf %add3A_156, %get3A_159 : vector<2560x32xf32>
    %mul3A_161 = vector.broadcast %rsqrt3A : vector<2560x1xf32> to vector<2560x32xf32>
    %mul3A_162 = arith.mulf %add3A_160, %mul3A_161 : vector<2560x32xf32>
    %dot_general3A_163 = arith.constant dense<0.000000e+00> : vector<2560x128xf32>
    %dot_general3A_164 = tpu.matmul %mul3A_162, %get3A_14, %dot_general3A_163 {dimension_numbers = #tpu.dot_dimension_numbers<[1], [0], [0], [1], [0, 0, 1, 1], [], []>, transpose_lhs_hint = false} : vector<2560x32xf32>, vector<32x128xf32>, vector<2560x128xf32> -> vector<2560x128xf32>
    %add3A_165 = vector.broadcast %get3A_20 : vector<1x128xf32> to vector<2560x128xf32>
    %add3A_166 = arith.addf %dot_general3A_164, %add3A_165 : vector<2560x128xf32>
    %logistic3A_167 = arith.negf %add3A_166 : vector<2560x128xf32>
    %logistic3A_168 = math.exp %logistic3A_167 : vector<2560x128xf32>
    %logistic3A_169 = arith.constant 1.000000e+00 : f32
    %logistic3A_170 = vector.broadcast %logistic3A_169 : f32 to vector<2560x128xf32>
    %logistic3A_171 = arith.addf %logistic3A_170, %logistic3A_168 : vector<2560x128xf32>
    %logistic3A_172 = arith.divf %logistic3A_170, %logistic3A_171 : vector<2560x128xf32>
    %dot_general3A_173 = arith.constant dense<0.000000e+00> : vector<2560x128xf32>
    %dot_general3A_174 = tpu.matmul %mul3A_162, %get3A_17, %dot_general3A_173 {dimension_numbers = #tpu.dot_dimension_numbers<[1], [0], [0], [1], [0, 0, 1, 1], [], []>, transpose_lhs_hint = false} : vector<2560x32xf32>, vector<32x128xf32>, vector<2560x128xf32> -> vector<2560x128xf32>
    %add3A_175 = vector.broadcast %get3A_23 : vector<1x128xf32> to vector<2560x128xf32>
    %add3A_176 = arith.addf %dot_general3A_174, %add3A_175 : vector<2560x128xf32>
    %tanh3A_177 = math.tanh %add3A_176 : vector<2560x128xf32>
    %get3A_178 = arith.constant 0 : index
    %get3A_179 = arith.constant 3 : index
    %get3A_180 = memref.load %arg9[%get3A_178, %get3A_179] : memref<1x12xf32, #tpu.memory_space<smem>>
    %sub3A_181 = arith.constant 1.000000e+00 : f32
    %sub3A_182 = vector.broadcast %sub3A_181 : f32 to vector<2560x128xf32>
    %sub3A_183 = arith.subf %sub3A_182, %logistic3A_172 : vector<2560x128xf32>
    %mul3A_184 = arith.mulf %sub3A_183, %tanh3A_177 : vector<2560x128xf32>
    %mul3A_185 = vector.broadcast %get3A_180 : f32 to vector<2560x128xf32>
    %mul3A_186 = arith.mulf %mul3A_185, %mul3A_184 : vector<2560x128xf32>
    %add3A_187 = arith.addf %add3A_145, %mul3A_186 : vector<2560x128xf32>
    %get3A_188 = arith.constant 1 : index
    %get3A_189 = arith.constant 0 : index
    %get3A_190 = arith.constant 0 : index
    %get3A_191 = vector.load %arg1[%get3A_188, %get3A_189, %get3A_190] : memref<6x2560x128xf32, #tpu.memory_space<vmem>>, vector<1x2560x32xf32>
    %get3A_192 = vector.shape_cast %get3A_191 : vector<1x2560x32xf32> to vector<2560x32xf32>
    %get3A_193 = arith.constant 4 : index
    %get3A_194 = arith.constant 0 : index
    %get3A_195 = arith.constant 0 : index
    %get3A_196 = vector.load %arg1[%get3A_193, %get3A_194, %get3A_195] : memref<6x2560x128xf32, #tpu.memory_space<vmem>>, vector<1x2560x32xf32>
    %get3A_197 = vector.shape_cast %get3A_196 : vector<1x2560x32xf32> to vector<2560x32xf32>
    %add3A_198 = arith.addf %get3A_192, %get3A_197 : vector<2560x32xf32>
    %get3A_199 = arith.constant 0 : index
    %get3A_200 = arith.constant 0 : index
    %get3A_201 = vector.load %arg3[%get3A_199, %get3A_200] : memref<2560x128xf32, #tpu.memory_space<vmem>>, vector<2560x32xf32>
    %add3A_202 = arith.addf %add3A_198, %get3A_201 : vector<2560x32xf32>
    %mul3A_203 = vector.broadcast %rsqrt3A : vector<2560x1xf32> to vector<2560x32xf32>
    %mul3A_204 = arith.mulf %add3A_202, %mul3A_203 : vector<2560x32xf32>
    %dot_general3A_205 = arith.constant dense<0.000000e+00> : vector<2560x128xf32>
    %dot_general3A_206 = tpu.matmul %mul3A_204, %get3A_14, %dot_general3A_205 {dimension_numbers = #tpu.dot_dimension_numbers<[1], [0], [0], [1], [0, 0, 1, 1], [], []>, transpose_lhs_hint = false} : vector<2560x32xf32>, vector<32x128xf32>, vector<2560x128xf32> -> vector<2560x128xf32>
    %add3A_207 = vector.broadcast %get3A_20 : vector<1x128xf32> to vector<2560x128xf32>
    %add3A_208 = arith.addf %dot_general3A_206, %add3A_207 : vector<2560x128xf32>
    %logistic3A_209 = arith.negf %add3A_208 : vector<2560x128xf32>
    %logistic3A_210 = math.exp %logistic3A_209 : vector<2560x128xf32>
    %logistic3A_211 = arith.constant 1.000000e+00 : f32
    %logistic3A_212 = vector.broadcast %logistic3A_211 : f32 to vector<2560x128xf32>
    %logistic3A_213 = arith.addf %logistic3A_212, %logistic3A_210 : vector<2560x128xf32>
    %logistic3A_214 = arith.divf %logistic3A_212, %logistic3A_213 : vector<2560x128xf32>
    %dot_general3A_215 = arith.constant dense<0.000000e+00> : vector<2560x128xf32>
    %dot_general3A_216 = tpu.matmul %mul3A_204, %get3A_17, %dot_general3A_215 {dimension_numbers = #tpu.dot_dimension_numbers<[1], [0], [0], [1], [0, 0, 1, 1], [], []>, transpose_lhs_hint = false} : vector<2560x32xf32>, vector<32x128xf32>, vector<2560x128xf32> -> vector<2560x128xf32>
    %add3A_217 = vector.broadcast %get3A_23 : vector<1x128xf32> to vector<2560x128xf32>
    %add3A_218 = arith.addf %dot_general3A_216, %add3A_217 : vector<2560x128xf32>
    %tanh3A_219 = math.tanh %add3A_218 : vector<2560x128xf32>
    %get3A_220 = arith.constant 0 : index
    %get3A_221 = arith.constant 4 : index
    %get3A_222 = memref.load %arg9[%get3A_220, %get3A_221] : memref<1x12xf32, #tpu.memory_space<smem>>
    %sub3A_223 = arith.constant 1.000000e+00 : f32
    %sub3A_224 = vector.broadcast %sub3A_223 : f32 to vector<2560x128xf32>
    %sub3A_225 = arith.subf %sub3A_224, %logistic3A_214 : vector<2560x128xf32>
    %mul3A_226 = arith.mulf %sub3A_225, %tanh3A_219 : vector<2560x128xf32>
    %mul3A_227 = vector.broadcast %get3A_222 : f32 to vector<2560x128xf32>
    %mul3A_228 = arith.mulf %mul3A_227, %mul3A_226 : vector<2560x128xf32>
    %add3A_229 = arith.addf %add3A_187, %mul3A_228 : vector<2560x128xf32>
    %get3A_230 = arith.constant 1 : index
    %get3A_231 = arith.constant 0 : index
    %get3A_232 = arith.constant 32 : index
    %get3A_233 = vector.load %arg1[%get3A_230, %get3A_231, %get3A_232] : memref<6x2560x128xf32, #tpu.memory_space<vmem>>, vector<1x2560x32xf32>
    %get3A_234 = vector.shape_cast %get3A_233 : vector<1x2560x32xf32> to vector<2560x32xf32>
    %get3A_235 = arith.constant 4 : index
    %get3A_236 = arith.constant 0 : index
    %get3A_237 = arith.constant 32 : index
    %get3A_238 = vector.load %arg1[%get3A_235, %get3A_236, %get3A_237] : memref<6x2560x128xf32, #tpu.memory_space<vmem>>, vector<1x2560x32xf32>
    %get3A_239 = vector.shape_cast %get3A_238 : vector<1x2560x32xf32> to vector<2560x32xf32>
    %add3A_240 = arith.addf %get3A_234, %get3A_239 : vector<2560x32xf32>
    %get3A_241 = arith.constant 0 : index
    %get3A_242 = arith.constant 32 : index
    %get3A_243 = vector.load %arg3[%get3A_241, %get3A_242] : memref<2560x128xf32, #tpu.memory_space<vmem>>, vector<2560x32xf32>
    %add3A_244 = arith.addf %add3A_240, %get3A_243 : vector<2560x32xf32>
    %mul3A_245 = vector.broadcast %rsqrt3A : vector<2560x1xf32> to vector<2560x32xf32>
    %mul3A_246 = arith.mulf %add3A_244, %mul3A_245 : vector<2560x32xf32>
    %dot_general3A_247 = arith.constant dense<0.000000e+00> : vector<2560x128xf32>
    %dot_general3A_248 = tpu.matmul %mul3A_246, %get3A_14, %dot_general3A_247 {dimension_numbers = #tpu.dot_dimension_numbers<[1], [0], [0], [1], [0, 0, 1, 1], [], []>, transpose_lhs_hint = false} : vector<2560x32xf32>, vector<32x128xf32>, vector<2560x128xf32> -> vector<2560x128xf32>
    %add3A_249 = vector.broadcast %get3A_20 : vector<1x128xf32> to vector<2560x128xf32>
    %add3A_250 = arith.addf %dot_general3A_248, %add3A_249 : vector<2560x128xf32>
    %logistic3A_251 = arith.negf %add3A_250 : vector<2560x128xf32>
    %logistic3A_252 = math.exp %logistic3A_251 : vector<2560x128xf32>
    %logistic3A_253 = arith.constant 1.000000e+00 : f32
    %logistic3A_254 = vector.broadcast %logistic3A_253 : f32 to vector<2560x128xf32>
    %logistic3A_255 = arith.addf %logistic3A_254, %logistic3A_252 : vector<2560x128xf32>
    %logistic3A_256 = arith.divf %logistic3A_254, %logistic3A_255 : vector<2560x128xf32>
    %dot_general3A_257 = arith.constant dense<0.000000e+00> : vector<2560x128xf32>
    %dot_general3A_258 = tpu.matmul %mul3A_246, %get3A_17, %dot_general3A_257 {dimension_numbers = #tpu.dot_dimension_numbers<[1], [0], [0], [1], [0, 0, 1, 1], [], []>, transpose_lhs_hint = false} : vector<2560x32xf32>, vector<32x128xf32>, vector<2560x128xf32> -> vector<2560x128xf32>
    %add3A_259 = vector.broadcast %get3A_23 : vector<1x128xf32> to vector<2560x128xf32>
    %add3A_260 = arith.addf %dot_general3A_258, %add3A_259 : vector<2560x128xf32>
    %tanh3A_261 = math.tanh %add3A_260 : vector<2560x128xf32>
    %get3A_262 = arith.constant 0 : index
    %get3A_263 = arith.constant 5 : index
    %get3A_264 = memref.load %arg9[%get3A_262, %get3A_263] : memref<1x12xf32, #tpu.memory_space<smem>>
    %sub3A_265 = arith.constant 1.000000e+00 : f32
    %sub3A_266 = vector.broadcast %sub3A_265 : f32 to vector<2560x128xf32>
    %sub3A_267 = arith.subf %sub3A_266, %logistic3A_256 : vector<2560x128xf32>
    %mul3A_268 = arith.mulf %sub3A_267, %tanh3A_261 : vector<2560x128xf32>
    %mul3A_269 = vector.broadcast %get3A_264 : f32 to vector<2560x128xf32>
    %mul3A_270 = arith.mulf %mul3A_269, %mul3A_268 : vector<2560x128xf32>
    %add3A_271 = arith.addf %add3A_229, %mul3A_270 : vector<2560x128xf32>
    %get3A_272 = arith.constant 1 : index
    %get3A_273 = arith.constant 0 : index
    %get3A_274 = arith.constant 64 : index
    %get3A_275 = vector.load %arg1[%get3A_272, %get3A_273, %get3A_274] : memref<6x2560x128xf32, #tpu.memory_space<vmem>>, vector<1x2560x32xf32>
    %get3A_276 = vector.shape_cast %get3A_275 : vector<1x2560x32xf32> to vector<2560x32xf32>
    %get3A_277 = arith.constant 4 : index
    %get3A_278 = arith.constant 0 : index
    %get3A_279 = arith.constant 64 : index
    %get3A_280 = vector.load %arg1[%get3A_277, %get3A_278, %get3A_279] : memref<6x2560x128xf32, #tpu.memory_space<vmem>>, vector<1x2560x32xf32>
    %get3A_281 = vector.shape_cast %get3A_280 : vector<1x2560x32xf32> to vector<2560x32xf32>
    %add3A_282 = arith.addf %get3A_276, %get3A_281 : vector<2560x32xf32>
    %get3A_283 = arith.constant 0 : index
    %get3A_284 = arith.constant 64 : index
    %get3A_285 = vector.load %arg3[%get3A_283, %get3A_284] : memref<2560x128xf32, #tpu.memory_space<vmem>>, vector<2560x32xf32>
    %add3A_286 = arith.addf %add3A_282, %get3A_285 : vector<2560x32xf32>
    %mul3A_287 = vector.broadcast %rsqrt3A : vector<2560x1xf32> to vector<2560x32xf32>
    %mul3A_288 = arith.mulf %add3A_286, %mul3A_287 : vector<2560x32xf32>
    %dot_general3A_289 = arith.constant dense<0.000000e+00> : vector<2560x128xf32>
    %dot_general3A_290 = tpu.matmul %mul3A_288, %get3A_14, %dot_general3A_289 {dimension_numbers = #tpu.dot_dimension_numbers<[1], [0], [0], [1], [0, 0, 1, 1], [], []>, transpose_lhs_hint = false} : vector<2560x32xf32>, vector<32x128xf32>, vector<2560x128xf32> -> vector<2560x128xf32>
    %add3A_291 = vector.broadcast %get3A_20 : vector<1x128xf32> to vector<2560x128xf32>
    %add3A_292 = arith.addf %dot_general3A_290, %add3A_291 : vector<2560x128xf32>
    %logistic3A_293 = arith.negf %add3A_292 : vector<2560x128xf32>
    %logistic3A_294 = math.exp %logistic3A_293 : vector<2560x128xf32>
    %logistic3A_295 = arith.constant 1.000000e+00 : f32
    %logistic3A_296 = vector.broadcast %logistic3A_295 : f32 to vector<2560x128xf32>
    %logistic3A_297 = arith.addf %logistic3A_296, %logistic3A_294 : vector<2560x128xf32>
    %logistic3A_298 = arith.divf %logistic3A_296, %logistic3A_297 : vector<2560x128xf32>
    %dot_general3A_299 = arith.constant dense<0.000000e+00> : vector<2560x128xf32>
    %dot_general3A_300 = tpu.matmul %mul3A_288, %get3A_17, %dot_general3A_299 {dimension_numbers = #tpu.dot_dimension_numbers<[1], [0], [0], [1], [0, 0, 1, 1], [], []>, transpose_lhs_hint = false} : vector<2560x32xf32>, vector<32x128xf32>, vector<2560x128xf32> -> vector<2560x128xf32>
    %add3A_301 = vector.broadcast %get3A_23 : vector<1x128xf32> to vector<2560x128xf32>
    %add3A_302 = arith.addf %dot_general3A_300, %add3A_301 : vector<2560x128xf32>
    %tanh3A_303 = math.tanh %add3A_302 : vector<2560x128xf32>
    %get3A_304 = arith.constant 0 : index
    %get3A_305 = arith.constant 6 : index
    %get3A_306 = memref.load %arg9[%get3A_304, %get3A_305] : memref<1x12xf32, #tpu.memory_space<smem>>
    %sub3A_307 = arith.constant 1.000000e+00 : f32
    %sub3A_308 = vector.broadcast %sub3A_307 : f32 to vector<2560x128xf32>
    %sub3A_309 = arith.subf %sub3A_308, %logistic3A_298 : vector<2560x128xf32>
    %mul3A_310 = arith.mulf %sub3A_309, %tanh3A_303 : vector<2560x128xf32>
    %mul3A_311 = vector.broadcast %get3A_306 : f32 to vector<2560x128xf32>
    %mul3A_312 = arith.mulf %mul3A_311, %mul3A_310 : vector<2560x128xf32>
    %add3A_313 = arith.addf %add3A_271, %mul3A_312 : vector<2560x128xf32>
    %get3A_314 = arith.constant 1 : index
    %get3A_315 = arith.constant 0 : index
    %get3A_316 = arith.constant 96 : index
    %get3A_317 = vector.load %arg1[%get3A_314, %get3A_315, %get3A_316] : memref<6x2560x128xf32, #tpu.memory_space<vmem>>, vector<1x2560x32xf32>
    %get3A_318 = vector.shape_cast %get3A_317 : vector<1x2560x32xf32> to vector<2560x32xf32>
    %get3A_319 = arith.constant 4 : index
    %get3A_320 = arith.constant 0 : index
    %get3A_321 = arith.constant 96 : index
    %get3A_322 = vector.load %arg1[%get3A_319, %get3A_320, %get3A_321] : memref<6x2560x128xf32, #tpu.memory_space<vmem>>, vector<1x2560x32xf32>
    %get3A_323 = vector.shape_cast %get3A_322 : vector<1x2560x32xf32> to vector<2560x32xf32>
    %add3A_324 = arith.addf %get3A_318, %get3A_323 : vector<2560x32xf32>
    %get3A_325 = arith.constant 0 : index
    %get3A_326 = arith.constant 96 : index
    %get3A_327 = vector.load %arg3[%get3A_325, %get3A_326] : memref<2560x128xf32, #tpu.memory_space<vmem>>, vector<2560x32xf32>
    %add3A_328 = arith.addf %add3A_324, %get3A_327 : vector<2560x32xf32>
    %mul3A_329 = vector.broadcast %rsqrt3A : vector<2560x1xf32> to vector<2560x32xf32>
    %mul3A_330 = arith.mulf %add3A_328, %mul3A_329 : vector<2560x32xf32>
    %dot_general3A_331 = arith.constant dense<0.000000e+00> : vector<2560x128xf32>
    %dot_general3A_332 = tpu.matmul %mul3A_330, %get3A_14, %dot_general3A_331 {dimension_numbers = #tpu.dot_dimension_numbers<[1], [0], [0], [1], [0, 0, 1, 1], [], []>, transpose_lhs_hint = false} : vector<2560x32xf32>, vector<32x128xf32>, vector<2560x128xf32> -> vector<2560x128xf32>
    %add3A_333 = vector.broadcast %get3A_20 : vector<1x128xf32> to vector<2560x128xf32>
    %add3A_334 = arith.addf %dot_general3A_332, %add3A_333 : vector<2560x128xf32>
    %logistic3A_335 = arith.negf %add3A_334 : vector<2560x128xf32>
    %logistic3A_336 = math.exp %logistic3A_335 : vector<2560x128xf32>
    %logistic3A_337 = arith.constant 1.000000e+00 : f32
    %logistic3A_338 = vector.broadcast %logistic3A_337 : f32 to vector<2560x128xf32>
    %logistic3A_339 = arith.addf %logistic3A_338, %logistic3A_336 : vector<2560x128xf32>
    %logistic3A_340 = arith.divf %logistic3A_338, %logistic3A_339 : vector<2560x128xf32>
    %dot_general3A_341 = arith.constant dense<0.000000e+00> : vector<2560x128xf32>
    %dot_general3A_342 = tpu.matmul %mul3A_330, %get3A_17, %dot_general3A_341 {dimension_numbers = #tpu.dot_dimension_numbers<[1], [0], [0], [1], [0, 0, 1, 1], [], []>, transpose_lhs_hint = false} : vector<2560x32xf32>, vector<32x128xf32>, vector<2560x128xf32> -> vector<2560x128xf32>
    %add3A_343 = vector.broadcast %get3A_23 : vector<1x128xf32> to vector<2560x128xf32>
    %add3A_344 = arith.addf %dot_general3A_342, %add3A_343 : vector<2560x128xf32>
    %tanh3A_345 = math.tanh %add3A_344 : vector<2560x128xf32>
    %get3A_346 = arith.constant 0 : index
    %get3A_347 = arith.constant 7 : index
    %get3A_348 = memref.load %arg9[%get3A_346, %get3A_347] : memref<1x12xf32, #tpu.memory_space<smem>>
    %sub3A_349 = arith.constant 1.000000e+00 : f32
    %sub3A_350 = vector.broadcast %sub3A_349 : f32 to vector<2560x128xf32>
    %sub3A_351 = arith.subf %sub3A_350, %logistic3A_340 : vector<2560x128xf32>
    %mul3A_352 = arith.mulf %sub3A_351, %tanh3A_345 : vector<2560x128xf32>
    %mul3A_353 = vector.broadcast %get3A_348 : f32 to vector<2560x128xf32>
    %mul3A_354 = arith.mulf %mul3A_353, %mul3A_352 : vector<2560x128xf32>
    %add3A_355 = arith.addf %add3A_313, %mul3A_354 : vector<2560x128xf32>
    %get3A_356 = arith.constant 2 : index
    %get3A_357 = arith.constant 0 : index
    %get3A_358 = arith.constant 0 : index
    %get3A_359 = vector.load %arg1[%get3A_356, %get3A_357, %get3A_358] : memref<6x2560x128xf32, #tpu.memory_space<vmem>>, vector<1x2560x32xf32>
    %get3A_360 = vector.shape_cast %get3A_359 : vector<1x2560x32xf32> to vector<2560x32xf32>
    %get3A_361 = arith.constant 5 : index
    %get3A_362 = arith.constant 0 : index
    %get3A_363 = arith.constant 0 : index
    %get3A_364 = vector.load %arg1[%get3A_361, %get3A_362, %get3A_363] : memref<6x2560x128xf32, #tpu.memory_space<vmem>>, vector<1x2560x32xf32>
    %get3A_365 = vector.shape_cast %get3A_364 : vector<1x2560x32xf32> to vector<2560x32xf32>
    %add3A_366 = arith.addf %get3A_360, %get3A_365 : vector<2560x32xf32>
    %get3A_367 = arith.constant 0 : index
    %get3A_368 = arith.constant 0 : index
    %get3A_369 = vector.load %arg4[%get3A_367, %get3A_368] : memref<2560x128xf32, #tpu.memory_space<vmem>>, vector<2560x32xf32>
    %add3A_370 = arith.addf %add3A_366, %get3A_369 : vector<2560x32xf32>
    %mul3A_371 = vector.broadcast %rsqrt3A : vector<2560x1xf32> to vector<2560x32xf32>
    %mul3A_372 = arith.mulf %add3A_370, %mul3A_371 : vector<2560x32xf32>
    %dot_general3A_373 = arith.constant dense<0.000000e+00> : vector<2560x128xf32>
    %dot_general3A_374 = tpu.matmul %mul3A_372, %get3A_14, %dot_general3A_373 {dimension_numbers = #tpu.dot_dimension_numbers<[1], [0], [0], [1], [0, 0, 1, 1], [], []>, transpose_lhs_hint = false} : vector<2560x32xf32>, vector<32x128xf32>, vector<2560x128xf32> -> vector<2560x128xf32>
    %add3A_375 = vector.broadcast %get3A_20 : vector<1x128xf32> to vector<2560x128xf32>
    %add3A_376 = arith.addf %dot_general3A_374, %add3A_375 : vector<2560x128xf32>
    %logistic3A_377 = arith.negf %add3A_376 : vector<2560x128xf32>
    %logistic3A_378 = math.exp %logistic3A_377 : vector<2560x128xf32>
    %logistic3A_379 = arith.constant 1.000000e+00 : f32
    %logistic3A_380 = vector.broadcast %logistic3A_379 : f32 to vector<2560x128xf32>
    %logistic3A_381 = arith.addf %logistic3A_380, %logistic3A_378 : vector<2560x128xf32>
    %logistic3A_382 = arith.divf %logistic3A_380, %logistic3A_381 : vector<2560x128xf32>
    %dot_general3A_383 = arith.constant dense<0.000000e+00> : vector<2560x128xf32>
    %dot_general3A_384 = tpu.matmul %mul3A_372, %get3A_17, %dot_general3A_383 {dimension_numbers = #tpu.dot_dimension_numbers<[1], [0], [0], [1], [0, 0, 1, 1], [], []>, transpose_lhs_hint = false} : vector<2560x32xf32>, vector<32x128xf32>, vector<2560x128xf32> -> vector<2560x128xf32>
    %add3A_385 = vector.broadcast %get3A_23 : vector<1x128xf32> to vector<2560x128xf32>
    %add3A_386 = arith.addf %dot_general3A_384, %add3A_385 : vector<2560x128xf32>
    %tanh3A_387 = math.tanh %add3A_386 : vector<2560x128xf32>
    %get3A_388 = arith.constant 0 : index
    %get3A_389 = arith.constant 8 : index
    %get3A_390 = memref.load %arg9[%get3A_388, %get3A_389] : memref<1x12xf32, #tpu.memory_space<smem>>
    %sub3A_391 = arith.constant 1.000000e+00 : f32
    %sub3A_392 = vector.broadcast %sub3A_391 : f32 to vector<2560x128xf32>
    %sub3A_393 = arith.subf %sub3A_392, %logistic3A_382 : vector<2560x128xf32>
    %mul3A_394 = arith.mulf %sub3A_393, %tanh3A_387 : vector<2560x128xf32>
    %mul3A_395 = vector.broadcast %get3A_390 : f32 to vector<2560x128xf32>
    %mul3A_396 = arith.mulf %mul3A_395, %mul3A_394 : vector<2560x128xf32>
    %add3A_397 = arith.addf %add3A_355, %mul3A_396 : vector<2560x128xf32>
    %get3A_398 = arith.constant 2 : index
    %get3A_399 = arith.constant 0 : index
    %get3A_400 = arith.constant 32 : index
    %get3A_401 = vector.load %arg1[%get3A_398, %get3A_399, %get3A_400] : memref<6x2560x128xf32, #tpu.memory_space<vmem>>, vector<1x2560x32xf32>
    %get3A_402 = vector.shape_cast %get3A_401 : vector<1x2560x32xf32> to vector<2560x32xf32>
    %get3A_403 = arith.constant 5 : index
    %get3A_404 = arith.constant 0 : index
    %get3A_405 = arith.constant 32 : index
    %get3A_406 = vector.load %arg1[%get3A_403, %get3A_404, %get3A_405] : memref<6x2560x128xf32, #tpu.memory_space<vmem>>, vector<1x2560x32xf32>
    %get3A_407 = vector.shape_cast %get3A_406 : vector<1x2560x32xf32> to vector<2560x32xf32>
    %add3A_408 = arith.addf %get3A_402, %get3A_407 : vector<2560x32xf32>
    %get3A_409 = arith.constant 0 : index
    %get3A_410 = arith.constant 32 : index
    %get3A_411 = vector.load %arg4[%get3A_409, %get3A_410] : memref<2560x128xf32, #tpu.memory_space<vmem>>, vector<2560x32xf32>
    %add3A_412 = arith.addf %add3A_408, %get3A_411 : vector<2560x32xf32>
    %mul3A_413 = vector.broadcast %rsqrt3A : vector<2560x1xf32> to vector<2560x32xf32>
    %mul3A_414 = arith.mulf %add3A_412, %mul3A_413 : vector<2560x32xf32>
    %dot_general3A_415 = arith.constant dense<0.000000e+00> : vector<2560x128xf32>
    %dot_general3A_416 = tpu.matmul %mul3A_414, %get3A_14, %dot_general3A_415 {dimension_numbers = #tpu.dot_dimension_numbers<[1], [0], [0], [1], [0, 0, 1, 1], [], []>, transpose_lhs_hint = false} : vector<2560x32xf32>, vector<32x128xf32>, vector<2560x128xf32> -> vector<2560x128xf32>
    %add3A_417 = vector.broadcast %get3A_20 : vector<1x128xf32> to vector<2560x128xf32>
    %add3A_418 = arith.addf %dot_general3A_416, %add3A_417 : vector<2560x128xf32>
    %logistic3A_419 = arith.negf %add3A_418 : vector<2560x128xf32>
    %logistic3A_420 = math.exp %logistic3A_419 : vector<2560x128xf32>
    %logistic3A_421 = arith.constant 1.000000e+00 : f32
    %logistic3A_422 = vector.broadcast %logistic3A_421 : f32 to vector<2560x128xf32>
    %logistic3A_423 = arith.addf %logistic3A_422, %logistic3A_420 : vector<2560x128xf32>
    %logistic3A_424 = arith.divf %logistic3A_422, %logistic3A_423 : vector<2560x128xf32>
    %dot_general3A_425 = arith.constant dense<0.000000e+00> : vector<2560x128xf32>
    %dot_general3A_426 = tpu.matmul %mul3A_414, %get3A_17, %dot_general3A_425 {dimension_numbers = #tpu.dot_dimension_numbers<[1], [0], [0], [1], [0, 0, 1, 1], [], []>, transpose_lhs_hint = false} : vector<2560x32xf32>, vector<32x128xf32>, vector<2560x128xf32> -> vector<2560x128xf32>
    %add3A_427 = vector.broadcast %get3A_23 : vector<1x128xf32> to vector<2560x128xf32>
    %add3A_428 = arith.addf %dot_general3A_426, %add3A_427 : vector<2560x128xf32>
    %tanh3A_429 = math.tanh %add3A_428 : vector<2560x128xf32>
    %get3A_430 = arith.constant 0 : index
    %get3A_431 = arith.constant 9 : index
    %get3A_432 = memref.load %arg9[%get3A_430, %get3A_431] : memref<1x12xf32, #tpu.memory_space<smem>>
    %sub3A_433 = arith.constant 1.000000e+00 : f32
    %sub3A_434 = vector.broadcast %sub3A_433 : f32 to vector<2560x128xf32>
    %sub3A_435 = arith.subf %sub3A_434, %logistic3A_424 : vector<2560x128xf32>
    %mul3A_436 = arith.mulf %sub3A_435, %tanh3A_429 : vector<2560x128xf32>
    %mul3A_437 = vector.broadcast %get3A_432 : f32 to vector<2560x128xf32>
    %mul3A_438 = arith.mulf %mul3A_437, %mul3A_436 : vector<2560x128xf32>
    %add3A_439 = arith.addf %add3A_397, %mul3A_438 : vector<2560x128xf32>
    %get3A_440 = arith.constant 2 : index
    %get3A_441 = arith.constant 0 : index
    %get3A_442 = arith.constant 64 : index
    %get3A_443 = vector.load %arg1[%get3A_440, %get3A_441, %get3A_442] : memref<6x2560x128xf32, #tpu.memory_space<vmem>>, vector<1x2560x32xf32>
    %get3A_444 = vector.shape_cast %get3A_443 : vector<1x2560x32xf32> to vector<2560x32xf32>
    %get3A_445 = arith.constant 5 : index
    %get3A_446 = arith.constant 0 : index
    %get3A_447 = arith.constant 64 : index
    %get3A_448 = vector.load %arg1[%get3A_445, %get3A_446, %get3A_447] : memref<6x2560x128xf32, #tpu.memory_space<vmem>>, vector<1x2560x32xf32>
    %get3A_449 = vector.shape_cast %get3A_448 : vector<1x2560x32xf32> to vector<2560x32xf32>
    %add3A_450 = arith.addf %get3A_444, %get3A_449 : vector<2560x32xf32>
    %get3A_451 = arith.constant 0 : index
    %get3A_452 = arith.constant 64 : index
    %get3A_453 = vector.load %arg4[%get3A_451, %get3A_452] : memref<2560x128xf32, #tpu.memory_space<vmem>>, vector<2560x32xf32>
    %add3A_454 = arith.addf %add3A_450, %get3A_453 : vector<2560x32xf32>
    %mul3A_455 = vector.broadcast %rsqrt3A : vector<2560x1xf32> to vector<2560x32xf32>
    %mul3A_456 = arith.mulf %add3A_454, %mul3A_455 : vector<2560x32xf32>
    %dot_general3A_457 = arith.constant dense<0.000000e+00> : vector<2560x128xf32>
    %dot_general3A_458 = tpu.matmul %mul3A_456, %get3A_14, %dot_general3A_457 {dimension_numbers = #tpu.dot_dimension_numbers<[1], [0], [0], [1], [0, 0, 1, 1], [], []>, transpose_lhs_hint = false} : vector<2560x32xf32>, vector<32x128xf32>, vector<2560x128xf32> -> vector<2560x128xf32>
    %add3A_459 = vector.broadcast %get3A_20 : vector<1x128xf32> to vector<2560x128xf32>
    %add3A_460 = arith.addf %dot_general3A_458, %add3A_459 : vector<2560x128xf32>
    %logistic3A_461 = arith.negf %add3A_460 : vector<2560x128xf32>
    %logistic3A_462 = math.exp %logistic3A_461 : vector<2560x128xf32>
    %logistic3A_463 = arith.constant 1.000000e+00 : f32
    %logistic3A_464 = vector.broadcast %logistic3A_463 : f32 to vector<2560x128xf32>
    %logistic3A_465 = arith.addf %logistic3A_464, %logistic3A_462 : vector<2560x128xf32>
    %logistic3A_466 = arith.divf %logistic3A_464, %logistic3A_465 : vector<2560x128xf32>
    %dot_general3A_467 = arith.constant dense<0.000000e+00> : vector<2560x128xf32>
    %dot_general3A_468 = tpu.matmul %mul3A_456, %get3A_17, %dot_general3A_467 {dimension_numbers = #tpu.dot_dimension_numbers<[1], [0], [0], [1], [0, 0, 1, 1], [], []>, transpose_lhs_hint = false} : vector<2560x32xf32>, vector<32x128xf32>, vector<2560x128xf32> -> vector<2560x128xf32>
    %add3A_469 = vector.broadcast %get3A_23 : vector<1x128xf32> to vector<2560x128xf32>
    %add3A_470 = arith.addf %dot_general3A_468, %add3A_469 : vector<2560x128xf32>
    %tanh3A_471 = math.tanh %add3A_470 : vector<2560x128xf32>
    %get3A_472 = arith.constant 0 : index
    %get3A_473 = arith.constant 10 : index
    %get3A_474 = memref.load %arg9[%get3A_472, %get3A_473] : memref<1x12xf32, #tpu.memory_space<smem>>
    %sub3A_475 = arith.constant 1.000000e+00 : f32
    %sub3A_476 = vector.broadcast %sub3A_475 : f32 to vector<2560x128xf32>
    %sub3A_477 = arith.subf %sub3A_476, %logistic3A_466 : vector<2560x128xf32>
    %mul3A_478 = arith.mulf %sub3A_477, %tanh3A_471 : vector<2560x128xf32>
    %mul3A_479 = vector.broadcast %get3A_474 : f32 to vector<2560x128xf32>
    %mul3A_480 = arith.mulf %mul3A_479, %mul3A_478 : vector<2560x128xf32>
    %add3A_481 = arith.addf %add3A_439, %mul3A_480 : vector<2560x128xf32>
    %get3A_482 = arith.constant 2 : index
    %get3A_483 = arith.constant 0 : index
    %get3A_484 = arith.constant 96 : index
    %get3A_485 = vector.load %arg1[%get3A_482, %get3A_483, %get3A_484] : memref<6x2560x128xf32, #tpu.memory_space<vmem>>, vector<1x2560x32xf32>
    %get3A_486 = vector.shape_cast %get3A_485 : vector<1x2560x32xf32> to vector<2560x32xf32>
    %get3A_487 = arith.constant 5 : index
    %get3A_488 = arith.constant 0 : index
    %get3A_489 = arith.constant 96 : index
    %get3A_490 = vector.load %arg1[%get3A_487, %get3A_488, %get3A_489] : memref<6x2560x128xf32, #tpu.memory_space<vmem>>, vector<1x2560x32xf32>
    %get3A_491 = vector.shape_cast %get3A_490 : vector<1x2560x32xf32> to vector<2560x32xf32>
    %add3A_492 = arith.addf %get3A_486, %get3A_491 : vector<2560x32xf32>
    %get3A_493 = arith.constant 0 : index
    %get3A_494 = arith.constant 96 : index
    %get3A_495 = vector.load %arg4[%get3A_493, %get3A_494] : memref<2560x128xf32, #tpu.memory_space<vmem>>, vector<2560x32xf32>
    %add3A_496 = arith.addf %add3A_492, %get3A_495 : vector<2560x32xf32>
    %mul3A_497 = vector.broadcast %rsqrt3A : vector<2560x1xf32> to vector<2560x32xf32>
    %mul3A_498 = arith.mulf %add3A_496, %mul3A_497 : vector<2560x32xf32>
    %dot_general3A_499 = arith.constant dense<0.000000e+00> : vector<2560x128xf32>
    %dot_general3A_500 = tpu.matmul %mul3A_498, %get3A_14, %dot_general3A_499 {dimension_numbers = #tpu.dot_dimension_numbers<[1], [0], [0], [1], [0, 0, 1, 1], [], []>, transpose_lhs_hint = false} : vector<2560x32xf32>, vector<32x128xf32>, vector<2560x128xf32> -> vector<2560x128xf32>
    %add3A_501 = vector.broadcast %get3A_20 : vector<1x128xf32> to vector<2560x128xf32>
    %add3A_502 = arith.addf %dot_general3A_500, %add3A_501 : vector<2560x128xf32>
    %logistic3A_503 = arith.negf %add3A_502 : vector<2560x128xf32>
    %logistic3A_504 = math.exp %logistic3A_503 : vector<2560x128xf32>
    %logistic3A_505 = arith.constant 1.000000e+00 : f32
    %logistic3A_506 = vector.broadcast %logistic3A_505 : f32 to vector<2560x128xf32>
    %logistic3A_507 = arith.addf %logistic3A_506, %logistic3A_504 : vector<2560x128xf32>
    %logistic3A_508 = arith.divf %logistic3A_506, %logistic3A_507 : vector<2560x128xf32>
    %dot_general3A_509 = arith.constant dense<0.000000e+00> : vector<2560x128xf32>
    %dot_general3A_510 = tpu.matmul %mul3A_498, %get3A_17, %dot_general3A_509 {dimension_numbers = #tpu.dot_dimension_numbers<[1], [0], [0], [1], [0, 0, 1, 1], [], []>, transpose_lhs_hint = false} : vector<2560x32xf32>, vector<32x128xf32>, vector<2560x128xf32> -> vector<2560x128xf32>
    %add3A_511 = vector.broadcast %get3A_23 : vector<1x128xf32> to vector<2560x128xf32>
    %add3A_512 = arith.addf %dot_general3A_510, %add3A_511 : vector<2560x128xf32>
    %tanh3A_513 = math.tanh %add3A_512 : vector<2560x128xf32>
    %get3A_514 = arith.constant 0 : index
    %get3A_515 = arith.constant 11 : index
    %get3A_516 = memref.load %arg9[%get3A_514, %get3A_515] : memref<1x12xf32, #tpu.memory_space<smem>>
    %sub3A_517 = arith.constant 1.000000e+00 : f32
    %sub3A_518 = vector.broadcast %sub3A_517 : f32 to vector<2560x128xf32>
    %sub3A_519 = arith.subf %sub3A_518, %logistic3A_508 : vector<2560x128xf32>
    %mul3A_520 = arith.mulf %sub3A_519, %tanh3A_513 : vector<2560x128xf32>
    %mul3A_521 = vector.broadcast %get3A_516 : f32 to vector<2560x128xf32>
    %mul3A_522 = arith.mulf %mul3A_521, %mul3A_520 : vector<2560x128xf32>
    %add3A_523 = arith.addf %add3A_481, %mul3A_522 : vector<2560x128xf32>
    %max3A = arith.constant 0.000000e+00 : f32
    %max3A_524 = vector.broadcast %max3A : f32 to vector<2560x128xf32>
    %max3A_525 = arith.maximumf %add3A_523, %max3A_524 : vector<2560x128xf32>
    %get3A_526 = arith.constant 0 : index
    %get3A_527 = arith.constant 0 : index
    %get3A_528 = vector.load %arg10[%get3A_526, %get3A_527] : memref<128x128xf32, #tpu.memory_space<vmem>>, vector<128x128xf32>
    %dot_general3A_529 = arith.constant dense<0.000000e+00> : vector<2560x128xf32>
    %dot_general3A_530 = tpu.matmul %max3A_525, %get3A_528, %dot_general3A_529 {dimension_numbers = #tpu.dot_dimension_numbers<[1], [0], [0], [1], [0, 0, 1, 1], [], []>, transpose_lhs_hint = false} : vector<2560x128xf32>, vector<128x128xf32>, vector<2560x128xf32> -> vector<2560x128xf32>
    %get3A_531 = arith.constant 0 : index
    %get3A_532 = arith.constant 0 : index
    %get3A_533 = vector.load %arg11[%get3A_531, %get3A_532] : memref<1x128xf32, #tpu.memory_space<vmem>>, vector<1x128xf32>
    %add3A_534 = vector.broadcast %get3A_533 : vector<1x128xf32> to vector<2560x128xf32>
    %add3A_535 = arith.addf %dot_general3A_530, %add3A_534 : vector<2560x128xf32>
    %reduce_max3A = arith.constant dense<0xFF800000> : vector<2560xf32>
    %reduce_max3A_536 = vector.multi_reduction <maximumf>, %add3A_535, %reduce_max3A [1] : vector<2560x128xf32> to vector<2560xf32>
    %broadcast_in_dim3A_537 = vector.shape_cast %reduce_max3A_536 : vector<2560xf32> to vector<2560x1xf32>
    %sub3A_538 = vector.broadcast %broadcast_in_dim3A_537 : vector<2560x1xf32> to vector<2560x128xf32>
    %sub3A_539 = arith.subf %add3A_535, %sub3A_538 : vector<2560x128xf32>
    %exp3A = math.exp %sub3A_539 : vector<2560x128xf32>
    %reduce_sum3A = arith.constant dense<0.000000e+00> : vector<2560xf32>
    %reduce_sum3A_540 = vector.multi_reduction <add>, %exp3A, %reduce_sum3A [1] : vector<2560x128xf32> to vector<2560xf32>
    %broadcast_in_dim3A_541 = vector.shape_cast %reduce_sum3A_540 : vector<2560xf32> to vector<2560x1xf32>
    %div3A = vector.broadcast %broadcast_in_dim3A_541 : vector<2560x1xf32> to vector<2560x128xf32>
    %div3A_542 = arith.divf %exp3A, %div3A : vector<2560x128xf32>
    %swap3A = arith.constant 0 : index
    %swap3A_543 = arith.constant 0 : index
    %swap3A_544 = vector.load %arg12[%swap3A, %swap3A_543] : memref<2560x128xf32, #tpu.memory_space<vmem>>, vector<2560x128xf32>
    tpu.vector_store %arg12[%swap3A, %swap3A_543], %div3A_542 {strides = array<i32>} : memref<2560x128xf32, #tpu.memory_space<vmem>>, vector<2560x128xf32>,
    return
  }
  func.func @transform_0(%arg0: i32) -> (i32, i32, i32) {
    %c0_i32 = arith.constant 0 : i32
    %c0_i32_0 = arith.constant 0 : i32
    %c0_i32_1 = arith.constant 0 : i32
    return %c0_i32, %arg0, %c0_i32_0 : i32, i32, i32
  }
  func.func @transform_1(%arg0: i32) -> (i32, i32) {
    %c0_i32 = arith.constant 0 : i32
    %c0_i32_0 = arith.constant 0 : i32
    return %arg0, %c0_i32 : i32, i32
  }
  func.func @transform_2(%arg0: i32) -> (i32, i32) {
    %c0_i32 = arith.constant 0 : i32
    %c0_i32_0 = arith.constant 0 : i32
    return %arg0, %c0_i32 : i32, i32
  }
  func.func @transform_3(%arg0: i32) -> (i32, i32) {
    %c0_i32 = arith.constant 0 : i32
    %c0_i32_0 = arith.constant 0 : i32
    return %arg0, %c0_i32 : i32, i32
  }
  func.func @transform_4(%arg0: i32) -> (i32, i32, i32) {
    %c0_i32 = arith.constant 0 : i32
    %c0_i32_0 = arith.constant 0 : i32
    %c0_i32_1 = arith.constant 0 : i32
    return %c0_i32, %arg0, %c0_i32_0 : i32, i32, i32
  }
  func.func @transform_5(%arg0: i32) -> (i32, i32) {
    %c0_i32 = arith.constant 0 : i32
    %c0_i32_0 = arith.constant 0 : i32
    %c0_i32_1 = arith.constant 0 : i32
    return %c0_i32, %c0_i32_0 : i32, i32
  }
  func.func @transform_6(%arg0: i32) -> (i32, i32) {
    %c0_i32 = arith.constant 0 : i32
    %c0_i32_0 = arith.constant 0 : i32
    %c0_i32_1 = arith.constant 0 : i32
    return %c0_i32, %c0_i32_0 : i32, i32
  }
  func.func @transform_7(%arg0: i32) -> (i32, i32) {
    %c0_i32 = arith.constant 0 : i32
    %c0_i32_0 = arith.constant 0 : i32
    %c0_i32_1 = arith.constant 0 : i32
    return %c0_i32, %c0_i32_0 : i32, i32
  }
  func.func @transform_8(%arg0: i32) -> (i32, i32) {
    %c0_i32 = arith.constant 0 : i32
    %c0_i32_0 = arith.constant 0 : i32
    %c0_i32_1 = arith.constant 0 : i32
    return %c0_i32, %c0_i32_0 : i32, i32
  }
  func.func @transform_9(%arg0: i32) -> (i32, i32) {
    %c0_i32 = arith.constant 0 : i32
    %c0_i32_0 = arith.constant 0 : i32
    %c0_i32_1 = arith.constant 0 : i32
    return %c0_i32, %c0_i32_0 : i32, i32
  }
  func.func @transform_10(%arg0: i32) -> (i32, i32) {
    %c0_i32 = arith.constant 0 : i32
    %c0_i32_0 = arith.constant 0 : i32
    %c0_i32_1 = arith.constant 0 : i32
    return %c0_i32, %c0_i32_0 : i32, i32
  }
  func.func @transform_11(%arg0: i32) -> (i32, i32) {
    %c0_i32 = arith.constant 0 : i32
    %c0_i32_0 = arith.constant 0 : i32
    return %arg0, %c0_i32 : i32, i32
  }
}

</mosaic_0001>

<sc_bundles>
// kernel: kernel.10.cloned.1.call-start
scs
__scs_entry_jumppad:
0x0: {  	(pc) =	sbr.rel $0x88, $3  }
0x1: {  	(tag) =	ssettag $0x0;
	lr =	simm.s32 $0x1  }
0x2: {  	[smem:$0x3F94] =	sst lr;
	_ =	strace $0xD0000000  }
0x3: {  	_ = 	snop  }
0x4: {  	_ = 	snop  }
0x5: {  	_ = 	snop  }
0x6: {  	_ = 	snop  }
0x7: {  	_ = 	snop  }
__scs_overlays_trampoline_lowered:
0x8: {  	[smem:$0x3FA3] =	sst s0  }
0x9: {  	[smem:$0x3FA4] =	sst s1  }
0xa: {  	[smem:$0x3FA5] =	sst s2  }
0xb: {  	[smem:$0x3FA6] =	sst s3  }
0xc: {  	[smem:$0x3FA7] =	sst s4  }
0xd: {  	[smem:$0x3FA8] =	sst s5  }
0xe: {  	[smem:$0x3FA9] =	sst s6  }
0xf: {  	[smem:$0x3FAA] =	sst s7  }
0x10: {  	[smem:$0x3FAB] =	sst s8  }
0x11: {  	[smem:$0x3FAC] =	sst s9;
	s0 =	simm.s32 @!p0 $0x0  }
0x12: {  	s1 =	sld [smem:$0x3F92];
	s0 =	simm.s32 @p0 $0x1  }
0x13: {  	[smem:$0x3FAD] =	sst s0;
	s0 =	simm.s32 @!p1 $0x0  }
0x14: {  	s2 =	sld [smem:$0x3F91];
	s0 =	simm.s32 @p1 $0x1  }
0x15: {  	[smem:$0x3FAE] =	sst s0;
	s0 =	simm.s32 @!p2 $0x0  }
0x16: {  	s3 =	sld [smem:$0x3FDB];
	s0 =	simm.s32 @p2 $0x1  }
0x17: {  	s4 =	simm.s32 $0x1BF5;
	[smem:$0x3FB0] =	sst s0  }
0x18: {  	s0 =	sld [smem:$0x3F93];
	_ =	swait.ge [sflag:s4], $0x0  }
0x19: {  	s7 =	sld [smem:$0x3F94]  }
0x1a: {  	s8 =	sadd.s32 $0xFFFFE003, lr  }
0x1b: {  	s9 =	sadd.s32 $0xFFFFFEF7, lr;
	s5 =	simm.s32 $0xFFFFFFFF;
	p2 =	slt.u32 s8, $0xFFFFF086  }
0x1c: {  	p1 =	slt.u32 s9, $0xF7A;
	s5 =	simm.s32 @!p2 $0x0  }
0x1d: {  	s5 =	simm.s32 @p1 $0x1;
	p0 =	seq.s32 s7, s2  }
0x1e: {  	s7 =	smul.u32 @!p0 $0xF7A, s2;
	p2 =	seq.s32 @!p0 s5, $0x0  }
0x1f: {  	s9 =	smul.u32 $0xF7A, s1;
	s8 =	simm.s32 @!p0 $0x1BF5;
	p2 =	por !p2, p0  }
0x20: {  	[sflag:s8] =	ssyncset.s32 @!p0 $0xFFFFF086;
	s6 =	sadd.s32 @!p0 s3, s7;
	s7 =	simm.s32 @!p0 $0x108  }
0x21: {  	s3 =	sadd.s32 s3, s9;
	s6 =	sadd.s32 @!p0 $0x88, s6;
	s7 =	simm.s32 @p2 $0x1082  }
0x22: {  	[simem:s7], [sflag:s8] =	dma.local @!p0 [hbm:s6], $0xF7A  }
0x23: {  	s9 =	sor.u32 $0xD0000000, s2;
	s6 =	simm.s32 $0x108;
	_ =	swait.ge @!p0 [sflag:s8], $0x0  }
0x24: {  	s3 =	sadd.s32 $0x88, s3;
	s6 =	simm.s32 @!p1 $0x1082;
	[sflag:s4] =	ssyncset.s32 $0xFFFFF086  }
0x25: {  	[simem:s6], [sflag:s4] =	dma.local [hbm:s3], $0xF7A  }
0x26: {  	[smem:$0x3F94] =	sst s1;
	(tag) =	ssettag s2;
	_ =	strace s9  }
0x27: {  	s1 =	sld [smem:$0x3FA4]  }
0x28: {  	s2 =	sld [smem:$0x3FA5]  }
0x29: {  	s4 =	sld [smem:$0x3FA7]  }
0x2a: {  	p0 =	seq.s32 s5, $0x0;
	s5 =	sld [smem:$0x3FA8]  }
0x2b: {  	s6 =	sld [smem:$0x3FA9]  }
0x2c: {  	s7 =	sld [smem:$0x3FAA]  }
0x2d: {  	s3 =	simm.s32 $0x108;
	s8 =	sld [smem:$0x3FAB]  }
0x2e: {  	s3 =	simm.s32 @!p0 $0x1082;
	s9 =	sld [smem:$0x3FAC]  }
0x2f: {  	lr =	sadd.s32 s0, s3;
	s0 =	sld [smem:$0x3FA3]  }
0x30: {  	s3 =	sld [smem:$0x3FA6]  }
0x31: {  	[smem:$0x3FAF] =	sst s10  }
0x32: {  	s10 =	sld [smem:$0x3FAD];
	_ =	sdelay $0x3  }
0x33: {  	p0 =	seq.s32 s10, $0x1;
	s10 =	sld [smem:$0x3FAF];
	_ =	sdelay $0x3  }
0x34: {  	[smem:$0x3FAF] =	sst s10  }
0x35: {  	s10 =	sld [smem:$0x3FAE];
	_ =	sdelay $0x3  }
0x36: {  	p1 =	seq.s32 s10, $0x1;
	s10 =	sld [smem:$0x3FAF];
	_ =	sdelay $0x3  }
0x37: {  	[smem:$0x3FAF] =	sst s10  }
0x38: {  	s10 =	sld [smem:$0x3FB0]  }
0x39: {  	_ = 	snop;
	(pc) =	sbr.ind lr, $3  }
0x3a: {  	_ = 	snop  }
0x3b: {  	_ = 	snop  }
0x3c: {  	p2 =	seq.s32 s10, $0x1;
	s10 =	sld [smem:$0x3FAF]  }
0x3d: {  	_ =	shalt  }
0x3e: {  	_ =	shalt  }
0x3f: {  	_ =	shalt  }
0x40: {  	_ =	shalt  }
0x41: {  	_ =	shalt  }
0x42: {  	_ =	shalt  }
0x43: {  	_ =	shalt  }
0x44: {  	_ =	shalt  }
0x45: {  	_ =	shalt  }
0x46: {  	_ =	shalt  }
0x47: {  	_ =	shalt  }
0x48: {  	_ =	shalt  }
0x49: {  	_ =	shalt  }
0x4a: {  	_ =	shalt  }
0x4b: {  	_ =	shalt  }
0x4c: {  	_ =	shalt  }
0x4d: {  	_ =	shalt  }
0x4e: {  	_ =	shalt  }
0x4f: {  	_ =	shalt  }
0x50: {  	_ =	shalt  }
0x51: {  	_ =	shalt  }
0x52: {  	_ =	shalt  }
0x53: {  	_ =	shalt  }
0x54: {  	_ =	shalt  }
0x55: {  	_ =	shalt  }
0x56: {  	_ =	shalt  }
0x57: {  	_ =	shalt  }
0x58: {  	_ =	shalt  }
0x59: {  	_ =	shalt  }
0x5a: {  	_ =	shalt  }
0x5b: {  	_ =	shalt  }
0x5c: {  	_ =	shalt  }
0x5d: {  	_ =	shalt  }
0x5e: {  	_ =	shalt  }
0x5f: {  	_ =	shalt  }
0x60: {  	_ =	shalt  }
0x61: {  	_ =	shalt  }
0x62: {  	_ =	shalt  }
0x63: {  	_ =	shalt  }
0x64: {  	_ =	shalt  }
0x65: {  	_ =	shalt  }
0x66: {  	_ =	shalt  }
0x67: {  	_ =	shalt  }
0x68: {  	_ =	shalt  }
0x69: {  	_ =	shalt  }
0x6a: {  	_ =	shalt  }
0x6b: {  	_ =	shalt  }
0x6c: {  	_ =	shalt  }
0x6d: {  	_ =	shalt  }
0x6e: {  	_ =	shalt  }
0x6f: {  	_ =	shalt  }
0x70: {  	_ =	shalt  }
0x71: {  	_ =	shalt  }
0x72: {  	_ =	shalt  }
0x73: {  	_ =	shalt  }
0x74: {  	_ =	shalt  }
0x75: {  	_ =	shalt  }
0x76: {  	_ =	shalt  }
0x77: {  	_ =	shalt  }
0x78: {  	_ =	shalt  }
0x79: {  	_ =	shalt  }
0x7a: {  	_ =	shalt  }
0x7b: {  	_ =	shalt  }
0x7c: {  	_ =	shalt  }
0x7d: {  	_ =	shalt  }
0x7e: {  	_ =	shalt  }
0x7f: {  	_ =	shalt  }
0x80: {  	_ =	shalt  }
0x81: {  	_ =	shalt  }
0x82: {  	_ =	shalt  }
0x83: {  	_ =	shalt  }
0x84: {  	_ =	shalt  }
0x85: {  	_ =	shalt  }
0x86: {  	_ =	shalt  }
0x87: {  	_ =	shalt  }
.Lfunc_end0:
.L_simem_size_0:
called_computation.1_lowered:
.L_overlay_start_0:
0x88: {  	s2 =	sld [smem:$0x3FD9]  }
0x89: {  	s3 =	sld [smem:$0x3FFE];
	_ =	sdelay $0x1  }
0x8a: {  	s1 =	srdreg.scid  }
0x8b: {  	s0 =	sand.u32 $0x1, s1  }
0x8c: {  	s16 =	sshll.u32 s0, $0xA;
	s2 =	sadd.s32 s3, s2  }
0x8d: {  	s2 =	sadd.s32 s2, s16  }
0x8e: {  	[smem:$0x3FBB] =	sst s2  }
0x8f: {  	_ = 	snop  }
0x90: {  	(tm) =	ssettm $0x1  }
0x91: {  	s17 =	sld [smem:$0x3FFB];
	_ =	sdelay $0x3  }
0x92: {  	_ =	strace s17  }
0x93: {  	s2 =	sld [smem:$0x3FFC];
	_ =	sdelay $0x3  }
0x94: {  	_ =	strace s2  }
0x95: {  	s2 =	sld [smem:$0x3FFD];
	_ =	sdelay $0x3  }
0x96: {  	_ =	strace s2  }
0x97: {  	_ =	strace $0x8FFFFFFF  }
0x98: {  	s18 =	sld [smem:$0x3FDB];
	_ =	sdelay $0x1  }
0x99: {  	s19 =	simm.s32 $_scs_section_size  }
0x9a: {  	s4 =	simm.s32 $_size__tile_overlayer_lowered;
	s5 =	simm.s32 $_tile_overlayer_lowered  }
0x9b: {  	s22 =	simm.s32 $0x1BFF;
	s21 =	sshll.u32 s5, $0x1;
	s2 =	sadd.s32 s19, s18  }
0x9c: {  	s6 =	simm.s32 $0x0;
	s20 =	sshll.u32 s4, $0x1;
	s4 =	sadd.s32 s21, s2  }
0x9d: {  	[timem:s6], [sflag:s22] =	dma.local [hbm:s4], s20  }
0x9e: {  	_ =	swait.ge [sflag:s22], s20  }
0x9f: {  	s3 =	ssub.s32 $0x0, s20;
	[sflag:s22] =	ssyncset.done $0x0  }
0xa0: {  	[sflag:s22] =	ssyncadd.s32 s3;
	_ =	sdelay $0x1  }
0xa1: {  	s23 =	simm.s32 $0x1B8B  }
0xa2: {  	_ =	swait.ge [sflag:s23], $0x1  }
0xa3: {  	[sflag:s23] =	ssyncset.done $0x0  }
0xa4: {  	s25 =	simm.s32 $0x1B8E;
	s24 =	sld [smem:$0x3FFE];
	[sflag:s23] =	ssyncadd.s32 $0xFFFFFFFF  }
0xa5: {  	s26 =	simm.s32 $execute0_lowered;
	[smem:$0x3FD2] =	sst s25  }
0xa6: {  	s4 =	sshll.u32 s26, $0x1;
	_ =	strace $0x80000049;
	[dreg:$0x1] =	wrdreg $0xFFFFFFFF  }
0xa7: {  	s28 =	simm.s32 $_size_execute0_lowered;
	s2 =	sadd.s32 s2, s4;
	[dreg:$0x0] =	wrdreg $0x0  }
0xa8: {  	s4 =	sshll.u32 s28, $0x1;
	[dreg:$0x2] =	wrdreg s2  }
0xa9: {  	[dreg:$0x3] =	wrdreg s4  }
0xaa: {  	[dreg:$0x4] =	wrdreg $0xC0  }
0xab: {  	_ =	task [dreg:s6], $0x5FFFF  }
0xac: {  	[dreg:$0x1] =	wrdreg $0xFFFFFFFF  }
0xad: {  	[dreg:$0x0] =	wrdreg $0x60  }
0xae: {  	[dreg:$0x2] =	wrdreg s24  }
0xaf: {  	[dreg:$0x3] =	wrdreg $0xA8000  }
0xb0: {  	[dreg:$0x4] =	wrdreg $0x9  }
0xb1: {  	_ =	task.clear_ibuf [dreg:s6], $0x5FFFF;
	_ =	strace $0x90000049  }
0xb2: {  	s29 =	simm.s32 $0x9;
	_ =	strace $0x8000004B  }
0xb3: {  	_ =	swait.ge [sflag:s29], $0x1  }
0xb4: {  	[sflag:s29] =	ssyncadd.s32 $0xFFFFFFFF  }
0xb5: {  	_ =	strace $0x9000004B  }
0xb6: {  	_ =	sfence  }
0xb7: {  	s30 =	sld [smem:$0x0];
	_ =	sdelay $0x2  }
0xb8: {  	s31 =	sshll.u32 s1, $0xD;
	s1 =	sshrl.u32 s1, $0x2  }
0xb9: {  	s3 =	sand.u32 $0x4000, s31;
	s1 =	sadd.s32 s1, s30  }
0xba: {  	s0 =	sor.u32 s3, s0;
	s1 =	sshll.u32 s1, $0x11  }
0xbb: {  	s0 =	sor.u32 s1, s0  }
0xbc: {  	s0 =	sadd.s32 $0x8F2B, s0  }
0xbd: {  	[sflag:s0] =	ssyncadd.remote.s32 $0x1  }
0xbe: {  	_ =	sfence.sel $0xFFFF  }
0xbf: {  	[dreg:$0x0] =	wrdreg $0xFFFFFFFF;
	(pc) =	sbr.abs _section_cstart, $3  }
0xc0: {  	[dreg:$0x1] =	wrdreg $0xFFFFFFFF  }
0xc1: {  	_ =	task.clear_ibuf [dreg:s6], $0x2FFFF;
	_ =	strace $0x9FFFFFFF  }
0xc2: {  	(tm) =	ssettm $0x7FFFFFFF  }
0xc3: {  	_ =	shalt  }
tec
execute0_lowered:
.L_overlay_start_1:
0x0: {  	(tag) =	ssettag $0x1  }
0x1: {  	s0 =	rddreg [dreg:$0x0]  }
0x2: {  	s1 =	rddreg [dreg:$0x1];
	s2 =	simm.s32 $0x0;
	s17 =	stileid.u32  }
0x3: {  	s3 =	srdreg.scid;
	s18 =	simm.s32 $0x5;
	s20 =	simm.s32 $0x80  }
0x4: {  	s21 =	simm.s32 $0x2800;
	s22 =	simm.s32 $0x6800;
	s23 =	simm.s32 $0x1  }
0x5: {  	s24 =	simm.s32 $0x2;
	s25 =	simm.s32 $0x3;
	s26 =	simm.s32 $0x4  }
0x6: {  	s31 =	simm.s32 $0x1380;
	[smem:$0x7FF] =	sst s2;
	s4 =	sadd.s32 $0x90A00, s0  }
0x7: {  	s5 =	sadd.s32 $0xB8A00, s0;
	s6 =	sadd.s32 $0xE0A00, s0;
	s28 =	smul.u32 $0x14000, s17  }
0x8: {  	s11 =	sadd.s32 $0x4A00, s0;
	s12 =	sadd.s32 $0xEA00, s0;
	s3 =	sand.u32 $0x1, s3  }
0x9: {  	s8 =	smul.u32 $0x50000, s17;
	s29 =	sshll.u32 s17, $0x6;
	_ =	strace $0x8000004A  }
0xa: {  	s7 =	sshll.u32 s3, $0x4;
	s10 =	ssub.s32 $0x2, s3;
	p0 =	seq.s32 s3, $0x0  }
0xb: {  	s3 =	simm.s32 $0x140000;
	s13 =	sshrl.u32 s28, $0x3;
	s7 =	sor.u32 s17, s7  }
0xc: {  	s14 =	sshrl.u32 s10, $0x1;
	s8 =	sshrl.u32 s8, $0x2;
	s3 =	simm.s32 @!p0 $0x500000  }
0xd: {  	s17 =	simm.s32 $0x280000;
	s9 =	sadd.s32 s13, s0;
	s15 =	smul.u32 $0x2800, s7  }
0xe: {  	s0 =	sadd.s32 $0x108A00, s0;
	s14 =	ssub.s32 s10, s14;
	s16 =	sadd.s32 s8, s1  }
0xf: {  	s30 =	smul.u32 $0x500, s7;
	s8 =	sor.u32 $0x1C05, s29;
	s3 =	sadd.s32 s3, s28  }
0x10: {  	s17 =	simm.s32 @!p0 $0x640000;
	s7 =	sadd.s32 $0x18A00, s9;
	s14 =	smax.u32 s14, $0x1  }
0x11: {  	s3 =	sshrl.u32 s3, $0x3;
	s2 =	sadd.s32 s17, s28;
	s15 =	sshrl.u32 s15, $0x3  }
0x12: {  	s9 =	sadd.s32 s11, s30;
	s10 =	sadd.s32 s12, s30;
	s15 =	sadd.s32 $0x280, s15  }
0x13: {  	s11 =	sadd.s32 s11, s15;
	s12 =	sadd.s32 s12, s15;
	s15 =	sadd.s32 $0x78000, s13  }
0x14: {  	[dreg:$0x3] =	wrdreg s14;
	s3 =	sadd.s32 s0, s3;
	s15 =	smov.u32 @p0 s13  }
0x15: {  	s2 =	sshrl.u32 s2, $0x3;
	[dreg:$0x5] =	wrdreg s3;
	s13 =	sadd.s32 s0, s15  }
0x16: {  	s17 =	sshrl.u32 s16, $0x3;
	s0 =	sadd.s32 s0, s2;
	[dreg:$0x4] =	wrdreg s13  }
0x17: {  	s3 =	simm.s32 $0x2780;
	[dreg:$0x6] =	wrdreg s0;
	s13 =	simm.s32 $0x0  }
.LBB2_1:
0x18: {  	[spmem:s17], [sflag:s8] =	dma.local [hbm:s7], $0x2800  }
0x19: {  	_ =	swait.ge [sflag:s18], $0x2800  }
0x1a: {  	[sflag:s18] =	ssyncset.done $0x0  }
0x1b: {  	s0 =	simm.s32 $0x0;
	[sflag:s18] =	ssyncadd.s32 $0xFFFFD800  }
0x1c: {  	[tilespmem:s0], [sflag:$0x5] =	stream.linear.gather [hbm4b:s9+s0], $0x1400, $0x38;
	[tilespmem:$0x1E800] =	vst v63  }
0x1d: {  	_ =	swait.ge [sflag:s18], $0x1400  }
0x1e: {  	[sflag:s18] =	ssyncset.done $0x0  }
0x1f: {  	s2 =	simm.s32 $0x1400;
	[sflag:s18] =	ssyncadd.s32 $0xFFFFEC00  }
0x20: {  	[tilespmem:s2], [sflag:$0x5] =	stream.linear.gather [hbm4b:s10+s0], $0x1400, $0x38;
	[tilespmem:$0x1E800] =	vst v63  }
0x21: {  	_ =	swait.ge [sflag:s18], $0x1400  }
0x22: {  	p0 =	por $0x1, $0x1;
	s2 =	simm.s32 $0x0;
	[sflag:s18] =	ssyncset.done $0x0  }
0x23: {  	s2 =	simm.s32 @!p0 $0xFFFFFFD8;
	[sflag:s18] =	ssyncadd.s32 $0xFFFFEC00  }
0x24: {  	s2 =	sadd.s32 $0x3, s2;
	[bflag:$0x0] =	sbarrier.arrive $0xFFFF  }
0x25: {  	[tilespmem:s21], [sflag:$0x1] =	stream.indirect.gather [hbm4b:s4+s20], $0x80, s0, s20, $0xb8;
	[tilespmem:$0x1E800] =	vst v63  }
0x26: {  	s2 =	sshll.u32 s2, $0x9  }
0x27: {  	[tilespmem:s22], [sflag:$0x2] =	stream.indirect.gather [hbm4b:s4+s20], $0x80, s20, s20, $0xb8;
	[tilespmem:$0x1E800] =	vst v63  }
0x28: {  	s14 =	sadd.s32 $0xFFFFFA00, s2;
	_ =	swait.ge [sflag:s23], $0x4000  }
0x29: {  	s14 =	sshra.s32 s14, $0x2;
	[sflag:s23] =	ssyncset.done $0x0  }
0x2a: {  	s14 =	sadd.s32 $0x1400, s14;
	[sflag:s23] =	ssyncadd.s32 $0xFFFFC000  }
0x2b: {  	[spmem:s1] =	stream.indirect.scatter.add.f32 [tilespmem:s21], [sflag:$0x3], $0x80, s14, s20, $0xb8;
	[tilespmem:$0x1E800] =	vst v63  }
0x2c: {  	s2 =	sadd.s32 $0xFFFFFC00, s2;
	_ =	swait.ge [sflag:s24], $0x4000  }
0x2d: {  	s2 =	sshra.s32 s2, $0x2;
	[sflag:s24] =	ssyncset.done $0x0  }
0x2e: {  	s2 =	sadd.s32 $0x1400, s2;
	[sflag:s24] =	ssyncadd.s32 $0xFFFFC000  }
0x2f: {  	[spmem:s1] =	stream.indirect.scatter.add.f32 [tilespmem:s22], [sflag:$0x4], $0x80, s2, s20, $0xb8;
	[tilespmem:$0x1E800] =	vst v63  }
0x30: {  	_ =	swait.ge [sflag:s25], $0x4000  }
0x31: {  	[sflag:s25] =	ssyncset.done $0x0  }
0x32: {  	[sflag:s25] =	ssyncadd.s32 $0xFFFFC000  }
0x33: {  	_ =	swait.ge [sflag:s26], $0x4000  }
0x34: {  	p0 =	por $0x1, $0x1;
	[sflag:s26] =	ssyncset.done $0x0  }
0x35: {  	s19 =	simm.s32 @!p0 $0x5;
	s2 =	simm.s32 @!p0 $0x0;
	[sflag:s26] =	ssyncadd.s32 $0xFFFFC000  }
0x36: {  	[tilespmem:s2], [sflag:$0x5] =	stream.linear.gather @!p0 [hbm4b:s11+s2], $0x1400, $0x38;
	[tilespmem:$0x1E800] =	vst v63  }
0x37: {  	s15 =	simm.s32 $0x1;
	s16 =	simm.s32 $0x2;
	_ =	swait.ge @!p0 [sflag:s19], $0x1400  }
0x38: {  	p1 =	por $0x1, $0x1;
	s29 =	simm.s32 $0x0;
	[sflag:s19] =	ssyncset.done @!p0 $0x0  }
0x39: {  	p2 =	por $0x1, $0x1;
	s28 =	simm.s32 @!p0 $0x1400;
	[sflag:s19] =	ssyncadd.s32 @!p0 $0xFFFFEC00  }
0x3a: {  	[tilespmem:s28], [sflag:$0x5] =	stream.linear.gather @!p0 [hbm4b:s12+s2], $0x1400, $0x38;
	[tilespmem:$0x1E800] =	vst v63  }
0x3b: {  	s29 =	simm.s32 @!p1 $0x7FFFD8;
	s14 =	simm.s32 $0x5;
	s28 =	simm.s32 $0x0  }
0x3c: {  	s2 =	sadd.s32 $0x3, s29;
	s28 =	simm.s32 @!p2 $0xFFFFFFD8;
	_ =	swait.ge @!p0 [sflag:s19], $0x1400  }
.LBB2_2:
0x3d: {  	s28 =	sadd.s32 s14, s28;
	[sflag:s19] =	ssyncset.done @!p0 $0x0;
	s29 =	sshll.u32 s2, $0x9  }
0x3e: {  	s30 =	smov.u32 s15;
	s15 =	smov.u32 s16;
	s2 =	smov.u32 s14  }
0x3f: {  	s28 =	sshll.u32 s28, $0x9;
	[sflag:s19] =	ssyncadd.s32 @!p0 $0xFFFFEC00;
	s19 =	sadd.s32 $0xFFFFFE00, s29  }
0x40: {  	s29 =	sshra.s32 s29, $0x2;
	s0 =	sadd.s32 $0xFFFFFA00, s28;
	s19 =	sshra.s32 s19, $0x2  }
0x41: {  	[tilespmem:s21], [sflag:$0x1] =	stream.indirect.gather [hbm4b:s4+s20], $0x80, s19, s20, $0xb8;
	[tilespmem:$0x1E800] =	vst v63  }
0x42: {  	s16 =	sadd.s32 $0x1, s16;
	s19 =	sadd.s32 $0xFFFFFC00, s28  }
0x43: {  	[tilespmem:s22], [sflag:$0x2] =	stream.indirect.gather [hbm4b:s4+s20], $0x80, s29, s20, $0xb8;
	[tilespmem:$0x1E800] =	vst v63  }
0x44: {  	p1 =	sne.s32 s16, $0x26;
	s0 =	sshra.s32 s0, $0x2;
	_ =	swait.ge [sflag:s23], $0x4000  }
0x45: {  	s0 =	sadd.s32 $0x1400, s0;
	[sflag:s23] =	ssyncset.done $0x0  }
0x46: {  	[sflag:s23] =	ssyncadd.s32 $0xFFFFC000  }
0x47: {  	[spmem:s1] =	stream.indirect.scatter.add.f32 [tilespmem:s21], [sflag:$0x3], $0x80, s0, s20, $0xb8;
	[tilespmem:$0x1E800] =	vst v63  }
0x48: {  	s0 =	sshra.s32 s19, $0x2;
	_ =	swait.ge [sflag:s24], $0x4000  }
0x49: {  	s0 =	sadd.s32 $0x1400, s0;
	[sflag:s24] =	ssyncset.done $0x0  }
0x4a: {  	[sflag:s24] =	ssyncadd.s32 $0xFFFFC000  }
0x4b: {  	[spmem:s1] =	stream.indirect.scatter.add.f32 [tilespmem:s22], [sflag:$0x4], $0x80, s0, s20, $0xb8;
	[tilespmem:$0x1E800] =	vst v63  }
0x4c: {  	_ =	swait.ge [sflag:s25], $0x4000  }
0x4d: {  	[sflag:s25] =	ssyncset.done $0x0  }
0x4e: {  	[sflag:s25] =	ssyncadd.s32 $0xFFFFC000  }
0x4f: {  	p0 =	sne.s32 s30, $0x13;
	_ =	swait.ge [sflag:s26], $0x4000  }
0x50: {  	s19 =	simm.s32 @!p0 $0x5;
	s0 =	simm.s32 @!p0 $0x0;
	[sflag:s26] =	ssyncset.done $0x0  }
0x51: {  	s14 =	sadd.s32 $0x2, s14;
	[sflag:s26] =	ssyncadd.s32 $0xFFFFC000  }
0x52: {  	[tilespmem:s0], [sflag:$0x5] =	stream.linear.gather @!p0 [hbm4b:s11+s0], $0x1400, $0x38;
	[tilespmem:$0x1E800] =	vst v63  }
0x53: {  	p2 =	slt.u32 s30, $0x13;
	s28 =	simm.s32 @!p0 $0x1400;
	_ =	swait.ge @!p0 [sflag:s19], $0x1400  }
.Ltmp0:
0x54: {  	s29 =	simm.s32 $0x0;
	[sflag:s19] =	ssyncset.done @!p0 $0x0;
	(pc) =	sbr.rel @p1 .LBB2_2-.Ltmp0, $4  }
0x55: {  	p3 =	slt.u32 s15, $0x14;
	s29 =	simm.s32 @!p2 $0x7FFFD8;
	[sflag:s19] =	ssyncadd.s32 @!p0 $0xFFFFEC00  }
0x56: {  	[tilespmem:s28], [sflag:$0x5] =	stream.linear.gather @!p0 [hbm4b:s12+s0], $0x1400, $0x38;
	[tilespmem:$0x1E800] =	vst v63  }
0x57: {  	s28 =	simm.s32 $0x0  }
0x58: {  	s2 =	sadd.s32 s2, s29;
	s28 =	simm.s32 @!p3 $0xFFFFFFD8;
	_ =	swait.ge @!p0 [sflag:s19], $0x1400  }
0x59: {  	s0 =	sshll.u32 s2, $0x9  }
0x5a: {  	[sflag:s19] =	ssyncset.done @!p0 $0x0;
	s2 =	sadd.s32 $0xFFFFFE00, s0  }
0x5b: {  	s16 =	sadd.s32 s14, s28;
	[sflag:s19] =	ssyncadd.s32 @!p0 $0xFFFFEC00;
	s2 =	sshra.s32 s2, $0x2  }
0x5c: {  	[tilespmem:s21], [sflag:$0x1] =	stream.indirect.gather [hbm4b:s4+s20], $0x80, s2, s20, $0xb8;
	[tilespmem:$0x1E800] =	vst v63  }
0x5d: {  	s29 =	sshll.u32 s16, $0x9;
	s0 =	sshra.s32 s0, $0x2  }
0x5e: {  	[tilespmem:s22], [sflag:$0x2] =	stream.indirect.gather [hbm4b:s4+s20], $0x80, s0, s20, $0xb8;
	[tilespmem:$0x1E800] =	vst v63  }
0x5f: {  	s30 =	sadd.s32 $0xFFFFFA00, s29;
	_ =	swait.ge [sflag:s23], $0x4000  }
0x60: {  	s0 =	sshra.s32 s30, $0x2;
	[sflag:s23] =	ssyncset.done $0x0  }
0x61: {  	s0 =	sadd.s32 $0x1400, s0;
	[sflag:s23] =	ssyncadd.s32 $0xFFFFC000  }
0x62: {  	[spmem:s1] =	stream.indirect.scatter.add.f32 [tilespmem:s21], [sflag:$0x3], $0x80, s0, s20, $0xb8;
	[tilespmem:$0x1E800] =	vst v63  }
0x63: {  	s2 =	sadd.s32 $0xFFFFFC00, s29;
	_ =	swait.ge [sflag:s24], $0x4000  }
0x64: {  	s0 =	sshra.s32 s2, $0x2;
	[sflag:s24] =	ssyncset.done $0x0  }
0x65: {  	s0 =	sadd.s32 $0x1400, s0;
	[sflag:s24] =	ssyncadd.s32 $0xFFFFC000  }
0x66: {  	[spmem:s1] =	stream.indirect.scatter.add.f32 [tilespmem:s22], [sflag:$0x4], $0x80, s0, s20, $0xb8;
	[tilespmem:$0x1E800] =	vst v63  }
0x67: {  	_ =	swait.ge [sflag:s25], $0x4000  }
0x68: {  	[sflag:s25] =	ssyncset.done $0x0  }
0x69: {  	[sflag:s25] =	ssyncadd.s32 $0xFFFFC000  }
0x6a: {  	_ =	swait.ge [sflag:s26], $0x4000  }
0x6b: {  	p0 =	sne.s32 s15, $0x13;
	[sflag:s26] =	ssyncset.done $0x0  }
0x6c: {  	s2 =	simm.s32 @!p0 $0x5;
	s0 =	simm.s32 @!p0 $0x0;
	[sflag:s26] =	ssyncadd.s32 $0xFFFFC000  }
0x6d: {  	[tilespmem:s0], [sflag:$0x5] =	stream.linear.gather @!p0 [hbm4b:s11+s0], $0x1400, $0x38;
	[tilespmem:$0x1E800] =	vst v63  }
0x6e: {  	p1 =	slt.u32 s15, $0x13;
	s15 =	simm.s32 $0x0;
	_ =	swait.ge @!p0 [sflag:s2], $0x1400  }
0x6f: {  	s15 =	simm.s32 @!p1 $0x7FFFD8;
	[sflag:s2] =	ssyncset.done @!p0 $0x0  }
0x70: {  	s16 =	simm.s32 @!p0 $0x1400;
	s14 =	sadd.s32 s14, s15;
	[sflag:s2] =	ssyncadd.s32 @!p0 $0xFFFFEC00  }
0x71: {  	[tilespmem:s16], [sflag:$0x5] =	stream.linear.gather @!p0 [hbm4b:s12+s0], $0x1400, $0x38;
	[tilespmem:$0x1E800] =	vst v63  }
0x72: {  	s0 =	sshll.u32 s14, $0x9;
	_ =	swait.ge @!p0 [sflag:s2], $0x1400  }
0x73: {  	s15 =	sadd.s32 $0xFFFFFE00, s0;
	[sflag:s2] =	ssyncset.done @!p0 $0x0  }
0x74: {  	s16 =	sshra.s32 s15, $0x2;
	[sflag:s2] =	ssyncadd.s32 @!p0 $0xFFFFEC00  }
0x75: {  	[tilespmem:s21], [sflag:$0x1] =	stream.indirect.gather [hbm4b:s4+s20], $0x80, s16, s20, $0xb8;
	[tilespmem:$0x1E800] =	vst v63  }
0x76: {  	s0 =	sshra.s32 s0, $0x2  }
0x77: {  	[tilespmem:s22], [sflag:$0x2] =	stream.indirect.gather [hbm4b:s4+s20], $0x80, s0, s20, $0xb8;
	[tilespmem:$0x1E800] =	vst v63  }
0x78: {  	_ =	swait.ge [sflag:s23], $0x4000  }
0x79: {  	[sflag:s23] =	ssyncset.done $0x0  }
0x7a: {  	s19 =	simm.s32 $0x2600;
	[sflag:s23] =	ssyncadd.s32 $0xFFFFC000  }
0x7b: {  	[spmem:s1] =	stream.indirect.scatter.add.f32 [tilespmem:s21], [sflag:$0x3], $0x80, s19, s20, $0xb8;
	[tilespmem:$0x1E800] =	vst v63  }
0x7c: {  	_ =	swait.ge [sflag:s24], $0x4000  }
0x7d: {  	[sflag:s24] =	ssyncset.done $0x0  }
0x7e: {  	s29 =	simm.s32 $0x2680;
	s30 =	simm.s32 $0x3;
	[sflag:s24] =	ssyncadd.s32 $0xFFFFC000  }
0x7f: {  	[spmem:s1] =	stream.indirect.scatter.add.f32 [tilespmem:s22], [sflag:$0x4], $0x80, s29, s20, $0xb8;
	[tilespmem:$0x1E800] =	vst v63  }
0x80: {  	_ =	swait.ge [sflag:s30], $0x4000  }
0x81: {  	[sflag:s30] =	ssyncset.done $0x0  }
0x82: {  	[sflag:s30] =	ssyncadd.s32 $0xFFFFC000  }
0x83: {  	_ =	swait.ge [sflag:s26], $0x4000  }
0x84: {  	[sflag:s26] =	ssyncset.done $0x0  }
0x85: {  	s14 =	simm.s32 $0x1300;
	[sflag:s26] =	ssyncadd.s32 $0xFFFFC000  }
0x86: {  	[tilespmem:s21], [sflag:$0x1] =	stream.indirect.gather [hbm4b:s4+s20], $0x80, s14, s20, $0xb8;
	[tilespmem:$0x1E800] =	vst v63  }
0x87: {  	_ = 	snop  }
0x88: {  	[tilespmem:s22], [sflag:$0x2] =	stream.indirect.gather [hbm4b:s4+s20], $0x80, s31, s20, $0xb8;
	[tilespmem:$0x1E800] =	vst v63  }
0x89: {  	_ =	swait.ge [sflag:s23], $0x4000  }
0x8a: {  	[sflag:s23] =	ssyncset.done $0x0  }
0x8b: {  	s15 =	simm.s32 $0x2700;
	[sflag:s23] =	ssyncadd.s32 $0xFFFFC000  }
0x8c: {  	[spmem:s1] =	stream.indirect.scatter.add.f32 [tilespmem:s21], [sflag:$0x3], $0x80, s15, s20, $0xb8;
	[tilespmem:$0x1E800] =	vst v63  }
0x8d: {  	_ =	swait.ge [sflag:s24], $0x4000  }
0x8e: {  	[sflag:s24] =	ssyncset.done $0x0  }
0x8f: {  	[sflag:s24] =	ssyncadd.s32 $0xFFFFC000  }
0x90: {  	[spmem:s1] =	stream.indirect.scatter.add.f32 [tilespmem:s22], [sflag:$0x4], $0x80, s3, s20, $0xb8;
	[tilespmem:$0x1E800] =	vst v63  }
0x91: {  	_ =	swait.ge [sflag:s30], $0x4000  }
0x92: {  	[sflag:s30] =	ssyncset.done $0x0  }
0x93: {  	[sflag:s30] =	ssyncadd.s32 $0xFFFFC000  }
0x94: {  	_ =	swait.ge [sflag:s26], $0x4000  }
0x95: {  	[sflag:s26] =	ssyncset.done $0x0  }
0x96: {  	[sflag:s26] =	ssyncadd.s32 $0xFFFFC000  }
0x97: {  	[tilespmem:s21], [sflag:$0x1] =	stream.indirect.gather [hbm4b:s4+s20], $0x80, s31, s20, $0xb8;
	[tilespmem:$0x1E800] =	vst v63  }
0x98: {  	_ = 	snop  }
0x99: {  	[tilespmem:s22], [sflag:$0x2] =	stream.indirect.gather [hbm4b:s4+s20], $0x80, s31, s20, $0xb8;
	[tilespmem:$0x1E800] =	vst v63  }
0x9a: {  	_ =	swait.ge [sflag:s23], $0x4000  }
0x9b: {  	[sflag:s23] =	ssyncset.done $0x0  }
0x9c: {  	[sflag:s23] =	ssyncadd.s32 $0xFFFFC000  }
0x9d: {  	_ =	swait.ge [sflag:s24], $0x4000  }
0x9e: {  	[sflag:s24] =	ssyncset.done $0x0  }
0x9f: {  	[sflag:s24] =	ssyncadd.s32 $0xFFFFC000  }
0xa0: {  	[bflag:$0x0] =	sbarrier.arrive $0xFFFF  }
0xa1: {  	s16 =	rddreg [dreg:$0x4]  }
0xa2: {  	[hbm:s16], [sflag:s8] =	dma.local [spmem:s17], $0x2800  }
0xa3: {  	_ =	swait.ge [sflag:s18], $0x2800  }
0xa4: {  	[sflag:s18] =	ssyncset.done $0x0  }
0xa5: {  	[sflag:s18] =	ssyncadd.s32 $0xFFFFD800  }
0xa6: {  	[spmem:s17], [sflag:s8] =	dma.local [hbm:s7], $0x2800  }
0xa7: {  	_ =	swait.ge [sflag:s18], $0x2800  }
0xa8: {  	[sflag:s18] =	ssyncset.done $0x0  }
0xa9: {  	s19 =	simm.s32 $0x0;
	[sflag:s18] =	ssyncadd.s32 $0xFFFFD800  }
0xaa: {  	[tilespmem:s19], [sflag:$0x5] =	stream.linear.gather [hbm4b:s9+s19], $0x1400, $0x38;
	[tilespmem:$0x1E800] =	vst v63  }
0xab: {  	_ =	swait.ge [sflag:s18], $0x1400  }
0xac: {  	[sflag:s18] =	ssyncset.done $0x0  }
0xad: {  	s29 =	simm.s32 $0x1400;
	[sflag:s18] =	ssyncadd.s32 $0xFFFFEC00  }
0xae: {  	[tilespmem:s29], [sflag:$0x5] =	stream.linear.gather [hbm4b:s10+s19], $0x1400, $0x38;
	[tilespmem:$0x1E800] =	vst v63  }
0xaf: {  	_ =	swait.ge [sflag:s18], $0x1400  }
0xb0: {  	p0 =	por $0x1, $0x1;
	s0 =	simm.s32 $0x0;
	[sflag:s18] =	ssyncset.done $0x0  }
0xb1: {  	s0 =	simm.s32 @!p0 $0xFFFFFFD8;
	[sflag:s18] =	ssyncadd.s32 $0xFFFFEC00  }
0xb2: {  	s0 =	sadd.s32 $0x3, s0;
	[bflag:$0x0] =	sbarrier.arrive $0xFFFF  }
0xb3: {  	[tilespmem:s21], [sflag:$0x1] =	stream.indirect.gather [hbm4b:s5+s20], $0x80, s19, s20, $0xb8;
	[tilespmem:$0x1E800] =	vst v63  }
0xb4: {  	s0 =	sshll.u32 s0, $0x9  }
0xb5: {  	[tilespmem:s22], [sflag:$0x2] =	stream.indirect.gather [hbm4b:s5+s20], $0x80, s20, s20, $0xb8;
	[tilespmem:$0x1E800] =	vst v63  }
0xb6: {  	s30 =	sadd.s32 $0xFFFFFA00, s0;
	_ =	swait.ge [sflag:s23], $0x4000  }
0xb7: {  	s2 =	sshra.s32 s30, $0x2;
	[sflag:s23] =	ssyncset.done $0x0  }
0xb8: {  	s2 =	sadd.s32 $0x1400, s2;
	[sflag:s23] =	ssyncadd.s32 $0xFFFFC000  }
0xb9: {  	[spmem:s1] =	stream.indirect.scatter.add.f32 [tilespmem:s21], [sflag:$0x3], $0x80, s2, s20, $0xb8;
	[tilespmem:$0x1E800] =	vst v63  }
0xba: {  	s0 =	sadd.s32 $0xFFFFFC00, s0;
	_ =	swait.ge [sflag:s24], $0x4000  }
0xbb: {  	s0 =	sshra.s32 s0, $0x2;
	[sflag:s24] =	ssyncset.done $0x0  }
0xbc: {  	s0 =	sadd.s32 $0x1400, s0;
	[sflag:s24] =	ssyncadd.s32 $0xFFFFC000  }
0xbd: {  	[spmem:s1] =	stream.indirect.scatter.add.f32 [tilespmem:s22], [sflag:$0x4], $0x80, s0, s20, $0xb8;
	[tilespmem:$0x1E800] =	vst v63  }
0xbe: {  	_ =	swait.ge [sflag:s25], $0x4000  }
0xbf: {  	[sflag:s25] =	ssyncset.done $0x0  }
0xc0: {  	[sflag:s25] =	ssyncadd.s32 $0xFFFFC000  }
0xc1: {  	_ =	swait.ge [sflag:s26], $0x4000  }
0xc2: {  	p0 =	por $0x1, $0x1;
	[sflag:s26] =	ssyncset.done $0x0  }
0xc3: {  	s19 =	simm.s32 @!p0 $0x5;
	s0 =	simm.s32 @!p0 $0x0;
	[sflag:s26] =	ssyncadd.s32 $0xFFFFC000  }
0xc4: {  	[tilespmem:s0], [sflag:$0x5] =	stream.linear.gather @!p0 [hbm4b:s11+s0], $0x1400, $0x38;
	[tilespmem:$0x1E800] =	vst v63  }
0xc5: {  	_ =	swait.ge @!p0 [sflag:s19], $0x1400  }
0xc6: {  	p2 =	por $0x1, $0x1;
	[sflag:s19] =	ssyncset.done @!p0 $0x0  }
0xc7: {  	s28 =	simm.s32 $0x0;
	s2 =	simm.s32 @!p0 $0x1400;
	[sflag:s19] =	ssyncadd.s32 @!p0 $0xFFFFEC00  }
0xc8: {  	[tilespmem:s2], [sflag:$0x5] =	stream.linear.gather @!p0 [hbm4b:s12+s0], $0x1400, $0x38;
	[tilespmem:$0x1E800] =	vst v63  }
0xc9: {  	s28 =	simm.s32 @!p2 $0xFFFFFFD8;
	p1 =	por $0x1, $0x1;
	s0 =	simm.s32 $0x0  }
0xca: {  	s14 =	simm.s32 $0x5;
	s15 =	simm.s32 $0x1;
	s0 =	simm.s32 @!p1 $0x7FFFD8  }
0xcb: {  	s16 =	simm.s32 $0x2;
	_ =	swait.ge @!p0 [sflag:s19], $0x1400;
	s2 =	sadd.s32 $0x3, s0  }
.LBB2_4:
0xcc: {  	s0 =	sadd.s32 s14, s28;
	[sflag:s19] =	ssyncset.done @!p0 $0x0;
	s28 =	sshll.u32 s2, $0x9  }
0xcd: {  	s29 =	smov.u32 s15;
	s15 =	smov.u32 s16;
	s2 =	smov.u32 s14  }
0xce: {  	s0 =	sshll.u32 s0, $0x9;
	[sflag:s19] =	ssyncadd.s32 @!p0 $0xFFFFEC00;
	s19 =	sadd.s32 $0xFFFFFE00, s28  }
0xcf: {  	s28 =	sshra.s32 s28, $0x2;
	s30 =	sadd.s32 $0xFFFFFA00, s0;
	s19 =	sshra.s32 s19, $0x2  }
0xd0: {  	[tilespmem:s21], [sflag:$0x1] =	stream.indirect.gather [hbm4b:s5+s20], $0x80, s19, s20, $0xb8;
	[tilespmem:$0x1E800] =	vst v63  }
0xd1: {  	s16 =	sadd.s32 $0x1, s16;
	s0 =	sadd.s32 $0xFFFFFC00, s0  }
0xd2: {  	[tilespmem:s22], [sflag:$0x2] =	stream.indirect.gather [hbm4b:s5+s20], $0x80, s28, s20, $0xb8;
	[tilespmem:$0x1E800] =	vst v63  }
0xd3: {  	p1 =	sne.s32 s16, $0x26;
	s19 =	sshra.s32 s30, $0x2;
	_ =	swait.ge [sflag:s23], $0x4000  }
0xd4: {  	s19 =	sadd.s32 $0x1400, s19;
	[sflag:s23] =	ssyncset.done $0x0  }
0xd5: {  	[sflag:s23] =	ssyncadd.s32 $0xFFFFC000  }
0xd6: {  	[spmem:s1] =	stream.indirect.scatter.add.f32 [tilespmem:s21], [sflag:$0x3], $0x80, s19, s20, $0xb8;
	[tilespmem:$0x1E800] =	vst v63  }
0xd7: {  	s0 =	sshra.s32 s0, $0x2;
	_ =	swait.ge [sflag:s24], $0x4000  }
0xd8: {  	s0 =	sadd.s32 $0x1400, s0;
	[sflag:s24] =	ssyncset.done $0x0  }
0xd9: {  	[sflag:s24] =	ssyncadd.s32 $0xFFFFC000  }
0xda: {  	[spmem:s1] =	stream.indirect.scatter.add.f32 [tilespmem:s22], [sflag:$0x4], $0x80, s0, s20, $0xb8;
	[tilespmem:$0x1E800] =	vst v63  }
0xdb: {  	_ =	swait.ge [sflag:s25], $0x4000  }
0xdc: {  	[sflag:s25] =	ssyncset.done $0x0  }
0xdd: {  	[sflag:s25] =	ssyncadd.s32 $0xFFFFC000  }
0xde: {  	p0 =	sne.s32 s29, $0x13;
	_ =	swait.ge [sflag:s26], $0x4000  }
0xdf: {  	s19 =	simm.s32 @!p0 $0x5;
	s0 =	simm.s32 @!p0 $0x0;
	[sflag:s26] =	ssyncset.done $0x0  }
0xe0: {  	s14 =	sadd.s32 $0x2, s14;
	[sflag:s26] =	ssyncadd.s32 $0xFFFFC000  }
0xe1: {  	[tilespmem:s0], [sflag:$0x5] =	stream.linear.gather @!p0 [hbm4b:s11+s0], $0x1400, $0x38;
	[tilespmem:$0x1E800] =	vst v63  }
0xe2: {  	p2 =	slt.u32 s29, $0x13;
	s29 =	simm.s32 $0x0;
	_ =	swait.ge @!p0 [sflag:s19], $0x1400  }
.Ltmp1:
0xe3: {  	s28 =	simm.s32 @!p0 $0x1400;
	[sflag:s19] =	ssyncset.done @!p0 $0x0;
	(pc) =	sbr.rel @p1 .LBB2_4-.Ltmp1, $4  }
0xe4: {  	p3 =	slt.u32 s15, $0x14;
	s29 =	simm.s32 @!p2 $0x7FFFD8;
	[sflag:s19] =	ssyncadd.s32 @!p0 $0xFFFFEC00  }
0xe5: {  	[tilespmem:s28], [sflag:$0x5] =	stream.linear.gather @!p0 [hbm4b:s12+s0], $0x1400, $0x38;
	[tilespmem:$0x1E800] =	vst v63  }
0xe6: {  	s28 =	simm.s32 $0x0  }
0xe7: {  	s2 =	sadd.s32 s2, s29;
	s28 =	simm.s32 @!p3 $0xFFFFFFD8;
	_ =	swait.ge @!p0 [sflag:s19], $0x1400  }
0xe8: {  	s0 =	sshll.u32 s2, $0x9  }
0xe9: {  	[sflag:s19] =	ssyncset.done @!p0 $0x0;
	s2 =	sadd.s32 $0xFFFFFE00, s0  }
0xea: {  	s16 =	sadd.s32 s14, s28;
	[sflag:s19] =	ssyncadd.s32 @!p0 $0xFFFFEC00;
	s2 =	sshra.s32 s2, $0x2  }
0xeb: {  	[tilespmem:s21], [sflag:$0x1] =	stream.indirect.gather [hbm4b:s5+s20], $0x80, s2, s20, $0xb8;
	[tilespmem:$0x1E800] =	vst v63  }
0xec: {  	s29 =	sshll.u32 s16, $0x9;
	s0 =	sshra.s32 s0, $0x2  }
0xed: {  	[tilespmem:s22], [sflag:$0x2] =	stream.indirect.gather [hbm4b:s5+s20], $0x80, s0, s20, $0xb8;
	[tilespmem:$0x1E800] =	vst v63  }
0xee: {  	s30 =	sadd.s32 $0xFFFFFA00, s29;
	_ =	swait.ge [sflag:s23], $0x4000  }
0xef: {  	s0 =	sshra.s32 s30, $0x2;
	[sflag:s23] =	ssyncset.done $0x0  }
0xf0: {  	s0 =	sadd.s32 $0x1400, s0;
	[sflag:s23] =	ssyncadd.s32 $0xFFFFC000  }
0xf1: {  	[spmem:s1] =	stream.indirect.scatter.add.f32 [tilespmem:s21], [sflag:$0x3], $0x80, s0, s20, $0xb8;
	[tilespmem:$0x1E800] =	vst v63  }
0xf2: {  	s2 =	sadd.s32 $0xFFFFFC00, s29;
	_ =	swait.ge [sflag:s24], $0x4000  }
0xf3: {  	s0 =	sshra.s32 s2, $0x2;
	[sflag:s24] =	ssyncset.done $0x0  }
0xf4: {  	s0 =	sadd.s32 $0x1400, s0;
	[sflag:s24] =	ssyncadd.s32 $0xFFFFC000  }
0xf5: {  	[spmem:s1] =	stream.indirect.scatter.add.f32 [tilespmem:s22], [sflag:$0x4], $0x80, s0, s20, $0xb8;
	[tilespmem:$0x1E800] =	vst v63  }
0xf6: {  	_ =	swait.ge [sflag:s25], $0x4000  }
0xf7: {  	[sflag:s25] =	ssyncset.done $0x0  }
0xf8: {  	[sflag:s25] =	ssyncadd.s32 $0xFFFFC000  }
0xf9: {  	_ =	swait.ge [sflag:s26], $0x4000  }
0xfa: {  	p0 =	sne.s32 s15, $0x13;
	[sflag:s26] =	ssyncset.done $0x0  }
0xfb: {  	s2 =	simm.s32 @!p0 $0x5;
	s0 =	simm.s32 @!p0 $0x0;
	[sflag:s26] =	ssyncadd.s32 $0xFFFFC000  }
0xfc: {  	[tilespmem:s0], [sflag:$0x5] =	stream.linear.gather @!p0 [hbm4b:s11+s0], $0x1400, $0x38;
	[tilespmem:$0x1E800] =	vst v63  }
0xfd: {  	p1 =	slt.u32 s15, $0x13;
	s15 =	simm.s32 $0x0;
	_ =	swait.ge @!p0 [sflag:s2], $0x1400  }
0xfe: {  	s15 =	simm.s32 @!p1 $0x7FFFD8;
	[sflag:s2] =	ssyncset.done @!p0 $0x0  }
0xff: {  	s16 =	simm.s32 @!p0 $0x1400;
	s14 =	sadd.s32 s14, s15;
	[sflag:s2] =	ssyncadd.s32 @!p0 $0xFFFFEC00  }
0x100: {  	[tilespmem:s16], [sflag:$0x5] =	stream.linear.gather @!p0 [hbm4b:s12+s0], $0x1400, $0x38;
	[tilespmem:$0x1E800] =	vst v63  }
0x101: {  	s0 =	sshll.u32 s14, $0x9;
	_ =	swait.ge @!p0 [sflag:s2], $0x1400  }
0x102: {  	s15 =	sadd.s32 $0xFFFFFE00, s0;
	[sflag:s2] =	ssyncset.done @!p0 $0x0  }
0x103: {  	s16 =	sshra.s32 s15, $0x2;
	[sflag:s2] =	ssyncadd.s32 @!p0 $0xFFFFEC00  }
0x104: {  	[tilespmem:s21], [sflag:$0x1] =	stream.indirect.gather [hbm4b:s5+s20], $0x80, s16, s20, $0xb8;
	[tilespmem:$0x1E800] =	vst v63  }
0x105: {  	s0 =	sshra.s32 s0, $0x2  }
0x106: {  	[tilespmem:s22], [sflag:$0x2] =	stream.indirect.gather [hbm4b:s5+s20], $0x80, s0, s20, $0xb8;
	[tilespmem:$0x1E800] =	vst v63  }
0x107: {  	_ =	swait.ge [sflag:s23], $0x4000  }
0x108: {  	[sflag:s23] =	ssyncset.done $0x0  }
0x109: {  	s19 =	simm.s32 $0x2600;
	[sflag:s23] =	ssyncadd.s32 $0xFFFFC000  }
0x10a: {  	[spmem:s1] =	stream.indirect.scatter.add.f32 [tilespmem:s21], [sflag:$0x3], $0x80, s19, s20, $0xb8;
	[tilespmem:$0x1E800] =	vst v63  }
0x10b: {  	_ =	swait.ge [sflag:s24], $0x4000  }
0x10c: {  	[sflag:s24] =	ssyncset.done $0x0  }
0x10d: {  	s29 =	simm.s32 $0x2680;
	s30 =	simm.s32 $0x3;
	[sflag:s24] =	ssyncadd.s32 $0xFFFFC000  }
0x10e: {  	[spmem:s1] =	stream.indirect.scatter.add.f32 [tilespmem:s22], [sflag:$0x4], $0x80, s29, s20, $0xb8;
	[tilespmem:$0x1E800] =	vst v63  }
0x10f: {  	_ =	swait.ge [sflag:s30], $0x4000  }
0x110: {  	[sflag:s30] =	ssyncset.done $0x0  }
0x111: {  	[sflag:s30] =	ssyncadd.s32 $0xFFFFC000  }
0x112: {  	_ =	swait.ge [sflag:s26], $0x4000  }
0x113: {  	[sflag:s26] =	ssyncset.done $0x0  }
0x114: {  	s14 =	simm.s32 $0x1300;
	[sflag:s26] =	ssyncadd.s32 $0xFFFFC000  }
0x115: {  	[tilespmem:s21], [sflag:$0x1] =	stream.indirect.gather [hbm4b:s5+s20], $0x80, s14, s20, $0xb8;
	[tilespmem:$0x1E800] =	vst v63  }
0x116: {  	_ = 	snop  }
0x117: {  	[tilespmem:s22], [sflag:$0x2] =	stream.indirect.gather [hbm4b:s5+s20], $0x80, s31, s20, $0xb8;
	[tilespmem:$0x1E800] =	vst v63  }
0x118: {  	_ =	swait.ge [sflag:s23], $0x4000  }
0x119: {  	[sflag:s23] =	ssyncset.done $0x0  }
0x11a: {  	s15 =	simm.s32 $0x2700;
	[sflag:s23] =	ssyncadd.s32 $0xFFFFC000  }
0x11b: {  	[spmem:s1] =	stream.indirect.scatter.add.f32 [tilespmem:s21], [sflag:$0x3], $0x80, s15, s20, $0xb8;
	[tilespmem:$0x1E800] =	vst v63  }
0x11c: {  	_ =	swait.ge [sflag:s24], $0x4000  }
0x11d: {  	[sflag:s24] =	ssyncset.done $0x0  }
0x11e: {  	[sflag:s24] =	ssyncadd.s32 $0xFFFFC000  }
0x11f: {  	[spmem:s1] =	stream.indirect.scatter.add.f32 [tilespmem:s22], [sflag:$0x4], $0x80, s3, s20, $0xb8;
	[tilespmem:$0x1E800] =	vst v63  }
0x120: {  	_ =	swait.ge [sflag:s30], $0x4000  }
0x121: {  	[sflag:s30] =	ssyncset.done $0x0  }
0x122: {  	[sflag:s30] =	ssyncadd.s32 $0xFFFFC000  }
0x123: {  	_ =	swait.ge [sflag:s26], $0x4000  }
0x124: {  	[sflag:s26] =	ssyncset.done $0x0  }
0x125: {  	[sflag:s26] =	ssyncadd.s32 $0xFFFFC000  }
0x126: {  	[tilespmem:s21], [sflag:$0x1] =	stream.indirect.gather [hbm4b:s5+s20], $0x80, s31, s20, $0xb8;
	[tilespmem:$0x1E800] =	vst v63  }
0x127: {  	_ = 	snop  }
0x128: {  	[tilespmem:s22], [sflag:$0x2] =	stream.indirect.gather [hbm4b:s5+s20], $0x80, s31, s20, $0xb8;
	[tilespmem:$0x1E800] =	vst v63  }
0x129: {  	_ =	swait.ge [sflag:s23], $0x4000  }
0x12a: {  	[sflag:s23] =	ssyncset.done $0x0  }
0x12b: {  	[sflag:s23] =	ssyncadd.s32 $0xFFFFC000  }
0x12c: {  	_ =	swait.ge [sflag:s24], $0x4000  }
0x12d: {  	[sflag:s24] =	ssyncset.done $0x0  }
0x12e: {  	[sflag:s24] =	ssyncadd.s32 $0xFFFFC000  }
0x12f: {  	[bflag:$0x0] =	sbarrier.arrive $0xFFFF  }
0x130: {  	s16 =	rddreg [dreg:$0x5]  }
0x131: {  	[hbm:s16], [sflag:s8] =	dma.local [spmem:s17], $0x2800  }
0x132: {  	_ =	swait.ge [sflag:s18], $0x2800  }
0x133: {  	[sflag:s18] =	ssyncset.done $0x0  }
0x134: {  	[sflag:s18] =	ssyncadd.s32 $0xFFFFD800  }
0x135: {  	[spmem:s17], [sflag:s8] =	dma.local [hbm:s7], $0x2800  }
0x136: {  	_ =	swait.ge [sflag:s18], $0x2800  }
0x137: {  	[sflag:s18] =	ssyncset.done $0x0  }
0x138: {  	s19 =	simm.s32 $0x0;
	[sflag:s18] =	ssyncadd.s32 $0xFFFFD800  }
0x139: {  	[tilespmem:s19], [sflag:$0x5] =	stream.linear.gather [hbm4b:s9+s19], $0x1400, $0x38;
	[tilespmem:$0x1E800] =	vst v63  }
0x13a: {  	_ =	swait.ge [sflag:s18], $0x1400  }
0x13b: {  	[sflag:s18] =	ssyncset.done $0x0  }
0x13c: {  	s29 =	simm.s32 $0x1400;
	[sflag:s18] =	ssyncadd.s32 $0xFFFFEC00  }
0x13d: {  	[tilespmem:s29], [sflag:$0x5] =	stream.linear.gather [hbm4b:s10+s19], $0x1400, $0x38;
	[tilespmem:$0x1E800] =	vst v63  }
0x13e: {  	_ =	swait.ge [sflag:s18], $0x1400  }
0x13f: {  	p0 =	por $0x1, $0x1;
	s0 =	simm.s32 $0x0;
	[sflag:s18] =	ssyncset.done $0x0  }
0x140: {  	s0 =	simm.s32 @!p0 $0xFFFFFFD8;
	[sflag:s18] =	ssyncadd.s32 $0xFFFFEC00  }
0x141: {  	s0 =	sadd.s32 $0x3, s0;
	[bflag:$0x0] =	sbarrier.arrive $0xFFFF  }
0x142: {  	[tilespmem:s21], [sflag:$0x1] =	stream.indirect.gather [hbm4b:s6+s20], $0x80, s19, s20, $0xb8;
	[tilespmem:$0x1E800] =	vst v63  }
0x143: {  	s0 =	sshll.u32 s0, $0x9  }
0x144: {  	[tilespmem:s22], [sflag:$0x2] =	stream.indirect.gather [hbm4b:s6+s20], $0x80, s20, s20, $0xb8;
	[tilespmem:$0x1E800] =	vst v63  }
0x145: {  	s30 =	sadd.s32 $0xFFFFFA00, s0;
	_ =	swait.ge [sflag:s23], $0x4000  }
0x146: {  	s2 =	sshra.s32 s30, $0x2;
	[sflag:s23] =	ssyncset.done $0x0  }
0x147: {  	s2 =	sadd.s32 $0x1400, s2;
	[sflag:s23] =	ssyncadd.s32 $0xFFFFC000  }
0x148: {  	[spmem:s1] =	stream.indirect.scatter.add.f32 [tilespmem:s21], [sflag:$0x3], $0x80, s2, s20, $0xb8;
	[tilespmem:$0x1E800] =	vst v63  }
0x149: {  	s0 =	sadd.s32 $0xFFFFFC00, s0;
	_ =	swait.ge [sflag:s24], $0x4000  }
0x14a: {  	s0 =	sshra.s32 s0, $0x2;
	[sflag:s24] =	ssyncset.done $0x0  }
0x14b: {  	s0 =	sadd.s32 $0x1400, s0;
	[sflag:s24] =	ssyncadd.s32 $0xFFFFC000  }
0x14c: {  	[spmem:s1] =	stream.indirect.scatter.add.f32 [tilespmem:s22], [sflag:$0x4], $0x80, s0, s20, $0xb8;
	[tilespmem:$0x1E800] =	vst v63  }
0x14d: {  	_ =	swait.ge [sflag:s25], $0x4000  }
0x14e: {  	[sflag:s25] =	ssyncset.done $0x0  }
0x14f: {  	[sflag:s25] =	ssyncadd.s32 $0xFFFFC000  }
0x150: {  	_ =	swait.ge [sflag:s26], $0x4000  }
0x151: {  	p0 =	por $0x1, $0x1;
	[sflag:s26] =	ssyncset.done $0x0  }
0x152: {  	s19 =	simm.s32 @!p0 $0x5;
	s0 =	simm.s32 @!p0 $0x0;
	[sflag:s26] =	ssyncadd.s32 $0xFFFFC000  }
0x153: {  	[tilespmem:s0], [sflag:$0x5] =	stream.linear.gather @!p0 [hbm4b:s11+s0], $0x1400, $0x38;
	[tilespmem:$0x1E800] =	vst v63  }
0x154: {  	_ =	swait.ge @!p0 [sflag:s19], $0x1400  }
0x155: {  	p2 =	por $0x1, $0x1;
	[sflag:s19] =	ssyncset.done @!p0 $0x0  }
0x156: {  	s28 =	simm.s32 $0x0;
	s2 =	simm.s32 @!p0 $0x1400;
	[sflag:s19] =	ssyncadd.s32 @!p0 $0xFFFFEC00  }
0x157: {  	[tilespmem:s2], [sflag:$0x5] =	stream.linear.gather @!p0 [hbm4b:s12+s0], $0x1400, $0x38;
	[tilespmem:$0x1E800] =	vst v63  }
0x158: {  	s28 =	simm.s32 @!p2 $0xFFFFFFD8;
	p1 =	por $0x1, $0x1;
	s0 =	simm.s32 $0x0  }
0x159: {  	s14 =	simm.s32 $0x1;
	s15 =	simm.s32 $0x5;
	s0 =	simm.s32 @!p1 $0x7FFFD8  }
0x15a: {  	s16 =	simm.s32 $0x2;
	_ =	swait.ge @!p0 [sflag:s19], $0x1400;
	s2 =	sadd.s32 $0x3, s0  }
.LBB2_6:
0x15b: {  	s0 =	sadd.s32 s15, s28;
	[sflag:s19] =	ssyncset.done @!p0 $0x0;
	s28 =	sshll.u32 s2, $0x9  }
0x15c: {  	s29 =	smov.u32 s14;
	s14 =	smov.u32 s16;
	s2 =	smov.u32 s15  }
0x15d: {  	s0 =	sshll.u32 s0, $0x9;
	[sflag:s19] =	ssyncadd.s32 @!p0 $0xFFFFEC00;
	s19 =	sadd.s32 $0xFFFFFE00, s28  }
0x15e: {  	s28 =	sshra.s32 s28, $0x2;
	s30 =	sadd.s32 $0xFFFFFA00, s0;
	s19 =	sshra.s32 s19, $0x2  }
0x15f: {  	[tilespmem:s21], [sflag:$0x1] =	stream.indirect.gather [hbm4b:s6+s20], $0x80, s19, s20, $0xb8;
	[tilespmem:$0x1E800] =	vst v63  }
0x160: {  	s16 =	sadd.s32 $0x1, s16;
	s0 =	sadd.s32 $0xFFFFFC00, s0  }
0x161: {  	[tilespmem:s22], [sflag:$0x2] =	stream.indirect.gather [hbm4b:s6+s20], $0x80, s28, s20, $0xb8;
	[tilespmem:$0x1E800] =	vst v63  }
0x162: {  	p1 =	sne.s32 s16, $0x26;
	s19 =	sshra.s32 s30, $0x2;
	_ =	swait.ge [sflag:s23], $0x4000  }
0x163: {  	s19 =	sadd.s32 $0x1400, s19;
	[sflag:s23] =	ssyncset.done $0x0  }
0x164: {  	[sflag:s23] =	ssyncadd.s32 $0xFFFFC000  }
0x165: {  	[spmem:s1] =	stream.indirect.scatter.add.f32 [tilespmem:s21], [sflag:$0x3], $0x80, s19, s20, $0xb8;
	[tilespmem:$0x1E800] =	vst v63  }
0x166: {  	s0 =	sshra.s32 s0, $0x2;
	_ =	swait.ge [sflag:s24], $0x4000  }
0x167: {  	s0 =	sadd.s32 $0x1400, s0;
	[sflag:s24] =	ssyncset.done $0x0  }
0x168: {  	[sflag:s24] =	ssyncadd.s32 $0xFFFFC000  }
0x169: {  	[spmem:s1] =	stream.indirect.scatter.add.f32 [tilespmem:s22], [sflag:$0x4], $0x80, s0, s20, $0xb8;
	[tilespmem:$0x1E800] =	vst v63  }
0x16a: {  	_ =	swait.ge [sflag:s25], $0x4000  }
0x16b: {  	[sflag:s25] =	ssyncset.done $0x0  }
0x16c: {  	[sflag:s25] =	ssyncadd.s32 $0xFFFFC000  }
0x16d: {  	p0 =	sne.s32 s29, $0x13;
	_ =	swait.ge [sflag:s26], $0x4000  }
0x16e: {  	s19 =	simm.s32 @!p0 $0x5;
	s0 =	simm.s32 @!p0 $0x0;
	[sflag:s26] =	ssyncset.done $0x0  }
0x16f: {  	s15 =	sadd.s32 $0x2, s15;
	[sflag:s26] =	ssyncadd.s32 $0xFFFFC000  }
0x170: {  	[tilespmem:s0], [sflag:$0x5] =	stream.linear.gather @!p0 [hbm4b:s11+s0], $0x1400, $0x38;
	[tilespmem:$0x1E800] =	vst v63  }
0x171: {  	p2 =	slt.u32 s29, $0x13;
	s29 =	simm.s32 $0x0;
	_ =	swait.ge @!p0 [sflag:s19], $0x1400  }
.Ltmp2:
0x172: {  	s28 =	simm.s32 @!p0 $0x1400;
	[sflag:s19] =	ssyncset.done @!p0 $0x0;
	(pc) =	sbr.rel @p1 .LBB2_6-.Ltmp2, $4  }
0x173: {  	p3 =	slt.u32 s14, $0x14;
	s29 =	simm.s32 @!p2 $0x7FFFD8;
	[sflag:s19] =	ssyncadd.s32 @!p0 $0xFFFFEC00  }
0x174: {  	[tilespmem:s28], [sflag:$0x5] =	stream.linear.gather @!p0 [hbm4b:s12+s0], $0x1400, $0x38;
	[tilespmem:$0x1E800] =	vst v63  }
0x175: {  	s28 =	simm.s32 $0x0  }
0x176: {  	s2 =	sadd.s32 s2, s29;
	s28 =	simm.s32 @!p3 $0xFFFFFFD8;
	_ =	swait.ge @!p0 [sflag:s19], $0x1400  }
0x177: {  	s0 =	sshll.u32 s2, $0x9  }
0x178: {  	[sflag:s19] =	ssyncset.done @!p0 $0x0;
	s2 =	sadd.s32 $0xFFFFFE00, s0  }
0x179: {  	s16 =	sadd.s32 s15, s28;
	[sflag:s19] =	ssyncadd.s32 @!p0 $0xFFFFEC00;
	s2 =	sshra.s32 s2, $0x2  }
0x17a: {  	[tilespmem:s21], [sflag:$0x1] =	stream.indirect.gather [hbm4b:s6+s20], $0x80, s2, s20, $0xb8;
	[tilespmem:$0x1E800] =	vst v63  }
0x17b: {  	s19 =	sshll.u32 s16, $0x9;
	s0 =	sshra.s32 s0, $0x2  }
0x17c: {  	[tilespmem:s22], [sflag:$0x2] =	stream.indirect.gather [hbm4b:s6+s20], $0x80, s0, s20, $0xb8;
	[tilespmem:$0x1E800] =	vst v63  }
0x17d: {  	s28 =	sadd.s32 $0xFFFFFA00, s19;
	_ =	swait.ge [sflag:s23], $0x4000  }
0x17e: {  	s0 =	sshra.s32 s28, $0x2;
	[sflag:s23] =	ssyncset.done $0x0  }
0x17f: {  	s0 =	sadd.s32 $0x1400, s0;
	[sflag:s23] =	ssyncadd.s32 $0xFFFFC000  }
0x180: {  	[spmem:s1] =	stream.indirect.scatter.add.f32 [tilespmem:s21], [sflag:$0x3], $0x80, s0, s20, $0xb8;
	[tilespmem:$0x1E800] =	vst v63  }
0x181: {  	s29 =	sadd.s32 $0xFFFFFC00, s19;
	_ =	swait.ge [sflag:s24], $0x4000  }
0x182: {  	s0 =	sshra.s32 s29, $0x2;
	[sflag:s24] =	ssyncset.done $0x0  }
0x183: {  	s0 =	sadd.s32 $0x1400, s0;
	[sflag:s24] =	ssyncadd.s32 $0xFFFFC000  }
0x184: {  	[spmem:s1] =	stream.indirect.scatter.add.f32 [tilespmem:s22], [sflag:$0x4], $0x80, s0, s20, $0xb8;
	[tilespmem:$0x1E800] =	vst v63  }
0x185: {  	_ =	swait.ge [sflag:s25], $0x4000  }
0x186: {  	[sflag:s25] =	ssyncset.done $0x0  }
0x187: {  	[sflag:s25] =	ssyncadd.s32 $0xFFFFC000  }
0x188: {  	_ =	swait.ge [sflag:s26], $0x4000  }
0x189: {  	p0 =	sne.s32 s14, $0x13;
	[sflag:s26] =	ssyncset.done $0x0  }
0x18a: {  	s2 =	simm.s32 @!p0 $0x5;
	s0 =	simm.s32 @!p0 $0x0;
	[sflag:s26] =	ssyncadd.s32 $0xFFFFC000  }
0x18b: {  	[tilespmem:s0], [sflag:$0x5] =	stream.linear.gather @!p0 [hbm4b:s11+s0], $0x1400, $0x38;
	[tilespmem:$0x1E800] =	vst v63  }
0x18c: {  	_ =	swait.ge @!p0 [sflag:s2], $0x1400  }
0x18d: {  	[sflag:s2] =	ssyncset.done @!p0 $0x0  }
0x18e: {  	s16 =	simm.s32 @!p0 $0x1400;
	[sflag:s2] =	ssyncadd.s32 @!p0 $0xFFFFEC00  }
0x18f: {  	[tilespmem:s16], [sflag:$0x5] =	stream.linear.gather @!p0 [hbm4b:s12+s0], $0x1400, $0x38;
	[tilespmem:$0x1E800] =	vst v63  }
0x190: {  	p1 =	slt.u32 s14, $0x13;
	s0 =	simm.s32 $0x0  }
0x191: {  	s0 =	simm.s32 @!p1 $0x7FFFD8  }
0x192: {  	s0 =	sadd.s32 s15, s0  }
0x193: {  	_ =	swait.ge @!p0 [sflag:s2], $0x1400;
	s0 =	sshll.u32 s0, $0x9  }
0x194: {  	[sflag:s2] =	ssyncset.done @!p0 $0x0;
	s30 =	sadd.s32 $0xFFFFFE00, s0  }
0x195: {  	[sflag:s2] =	ssyncadd.s32 @!p0 $0xFFFFEC00;
	s14 =	sshra.s32 s30, $0x2  }
0x196: {  	[tilespmem:s21], [sflag:$0x1] =	stream.indirect.gather [hbm4b:s6+s20], $0x80, s14, s20, $0xb8;
	[tilespmem:$0x1E800] =	vst v63  }
0x197: {  	s0 =	sshra.s32 s0, $0x2  }
0x198: {  	[tilespmem:s22], [sflag:$0x2] =	stream.indirect.gather [hbm4b:s6+s20], $0x80, s0, s20, $0xb8;
	[tilespmem:$0x1E800] =	vst v63  }
0x199: {  	_ =	swait.ge [sflag:s23], $0x4000  }
0x19a: {  	[sflag:s23] =	ssyncset.done $0x0  }
0x19b: {  	s15 =	simm.s32 $0x2600;
	[sflag:s23] =	ssyncadd.s32 $0xFFFFC000  }
0x19c: {  	[spmem:s1] =	stream.indirect.scatter.add.f32 [tilespmem:s21], [sflag:$0x3], $0x80, s15, s20, $0xb8;
	[tilespmem:$0x1E800] =	vst v63  }
0x19d: {  	_ =	swait.ge [sflag:s24], $0x4000  }
0x19e: {  	[sflag:s24] =	ssyncset.done $0x0  }
0x19f: {  	s16 =	simm.s32 $0x2680;
	[sflag:s24] =	ssyncadd.s32 $0xFFFFC000  }
0x1a0: {  	[spmem:s1] =	stream.indirect.scatter.add.f32 [tilespmem:s22], [sflag:$0x4], $0x80, s16, s20, $0xb8;
	[tilespmem:$0x1E800] =	vst v63  }
0x1a1: {  	_ =	swait.ge [sflag:s25], $0x4000  }
0x1a2: {  	[sflag:s25] =	ssyncset.done $0x0  }
0x1a3: {  	[sflag:s25] =	ssyncadd.s32 $0xFFFFC000  }
0x1a4: {  	_ =	swait.ge [sflag:s26], $0x4000  }
0x1a5: {  	[sflag:s26] =	ssyncset.done $0x0  }
0x1a6: {  	s19 =	simm.s32 $0x1300;
	[sflag:s26] =	ssyncadd.s32 $0xFFFFC000  }
0x1a7: {  	[tilespmem:s21], [sflag:$0x1] =	stream.indirect.gather [hbm4b:s6+s20], $0x80, s19, s20, $0xb8;
	[tilespmem:$0x1E800] =	vst v63  }
0x1a8: {  	_ = 	snop  }
0x1a9: {  	[tilespmem:s22], [sflag:$0x2] =	stream.indirect.gather [hbm4b:s6+s20], $0x80, s31, s20, $0xb8;
	[tilespmem:$0x1E800] =	vst v63  }
0x1aa: {  	_ =	swait.ge [sflag:s23], $0x4000  }
0x1ab: {  	[sflag:s23] =	ssyncset.done $0x0  }
0x1ac: {  	s28 =	simm.s32 $0x2700;
	[sflag:s23] =	ssyncadd.s32 $0xFFFFC000  }
0x1ad: {  	[spmem:s1] =	stream.indirect.scatter.add.f32 [tilespmem:s21], [sflag:$0x3], $0x80, s28, s20, $0xb8;
	[tilespmem:$0x1E800] =	vst v63  }
0x1ae: {  	_ =	swait.ge [sflag:s24], $0x4000  }
0x1af: {  	[sflag:s24] =	ssyncset.done $0x0  }
0x1b0: {  	[sflag:s24] =	ssyncadd.s32 $0xFFFFC000  }
0x1b1: {  	[spmem:s1] =	stream.indirect.scatter.add.f32 [tilespmem:s22], [sflag:$0x4], $0x80, s3, s20, $0xb8;
	[tilespmem:$0x1E800] =	vst v63  }
0x1b2: {  	_ =	swait.ge [sflag:s25], $0x4000  }
0x1b3: {  	[sflag:s25] =	ssyncset.done $0x0  }
0x1b4: {  	[sflag:s25] =	ssyncadd.s32 $0xFFFFC000  }
0x1b5: {  	_ =	swait.ge [sflag:s26], $0x4000  }
0x1b6: {  	[sflag:s26] =	ssyncset.done $0x0  }
0x1b7: {  	[sflag:s26] =	ssyncadd.s32 $0xFFFFC000  }
0x1b8: {  	[tilespmem:s21], [sflag:$0x1] =	stream.indirect.gather [hbm4b:s6+s20], $0x80, s31, s20, $0xb8;
	[tilespmem:$0x1E800] =	vst v63  }
0x1b9: {  	_ = 	snop  }
0x1ba: {  	[tilespmem:s22], [sflag:$0x2] =	stream.indirect.gather [hbm4b:s6+s20], $0x80, s31, s20, $0xb8;
	[tilespmem:$0x1E800] =	vst v63  }
0x1bb: {  	_ =	swait.ge [sflag:s23], $0x4000  }
0x1bc: {  	[sflag:s23] =	ssyncset.done $0x0  }
0x1bd: {  	[sflag:s23] =	ssyncadd.s32 $0xFFFFC000  }
0x1be: {  	_ =	swait.ge [sflag:s24], $0x4000  }
0x1bf: {  	[sflag:s24] =	ssyncset.done $0x0  }
0x1c0: {  	[sflag:s24] =	ssyncadd.s32 $0xFFFFC000  }
0x1c1: {  	[bflag:$0x0] =	sbarrier.arrive $0xFFFF  }
0x1c2: {  	s29 =	rddreg [dreg:$0x6]  }
0x1c3: {  	[hbm:s29], [sflag:s8] =	dma.local [spmem:s17], $0x2800  }
0x1c4: {  	_ =	swait.ge [sflag:s18], $0x2800  }
0x1c5: {  	s13 =	sadd.s32 $0x1, s13;
	s30 =	rddreg [dreg:$0x3]  }
0x1c6: {  	p0 =	sne.s32 s13, s30  }
.Ltmp3:
0x1c7: {  	_ = 	snop;
	(pc) =	sbr.rel @p0 .LBB2_1-.Ltmp3, $3  }
0x1c8: {  	_ =	sdelay $0x1  }
0x1c9: {  	[sflag:s18] =	ssyncset.done $0x0  }
0x1ca: {  	[sflag:s18] =	ssyncadd.s32 $0xFFFFD800  }
0x1cb: {  	_ =	sfence.sel $0x180000  }
0x1cc: {  	[bflag:$0x0] =	sbarrier.arrive $0xFFFF  }
0x1cd: {  	_ =	strace $0x9000004A  }
0x1ce: {  	s0 =	stileid.u32;
	[bflag:$0x2] =	sbarrier.arrive $0xFFFF  }
0x1cf: {  	p0 =	sne.s32 s0, $0x0;
	s0 =	rddreg [dreg:$0x2]  }
0x1d0: {  	s0 =	sadd.s32 @!p0 $0x100000, s0  }
0x1d1: {  	[sflag:s0] =	ssyncadd.tile.s32 @!p0 $0x1;
	_ =	shalt  }
.Lfunc_end2:
_tile_overlayer_lowered:
.L_overlay_start_2:
0x1d2: {  	(tag) =	ssettag $0x2  }
0x1d3: {  	s0 =	rddreg [dreg:$0x0];
	s2 =	stileid.u32  }
0x1d4: {  	s1 =	rddreg [dreg:$0x1];
	p0 =	sne.s32 s2, $0x0  }
0x1d5: {  	s3 =	rddreg [dreg:$0x2];
	[bflag:$0x3] =	sbarrier.arrive $0xFFFF;
	s2 =	simm.s32 @!p0 $0x1C05  }
0x1d6: {  	[timem:s3], [sflag:s2] =	dma.local @!p0 [hbm:s0], s1  }
0x1d7: {  	s0 =	simm.s32 @!p0 $0x5  }
0x1d8: {  	_ =	swait.ge @!p0 [sflag:s0], s1  }
0x1d9: {  	s1 =	ssub.s32 @!p0 $0x0, s1;
	[sflag:s0] =	ssyncset.done @!p0 $0x0  }
0x1da: {  	[sflag:s0] =	ssyncadd.s32 @!p0 s1  }
0x1db: {  	[bflag:$0x3] =	sbarrier.arrive $0xFFFF  }
0x1dc: {  	_ =	shalt  }

// kernel: kernel.7.cloned.1.call-start
scs
__scs_entry_jumppad:
0x0: {  	(pc) =	sbr.rel $0x88, $3  }
0x1: {  	(tag) =	ssettag $0x0;
	lr =	simm.s32 $0x1  }
0x2: {  	[smem:$0x3F94] =	sst lr;
	_ =	strace $0xD0000000  }
0x3: {  	_ = 	snop  }
0x4: {  	_ = 	snop  }
0x5: {  	_ = 	snop  }
0x6: {  	_ = 	snop  }
0x7: {  	_ = 	snop  }
__scs_overlays_trampoline_lowered:
0x8: {  	[smem:$0x3FA3] =	sst s0  }
0x9: {  	[smem:$0x3FA4] =	sst s1  }
0xa: {  	[smem:$0x3FA5] =	sst s2  }
0xb: {  	[smem:$0x3FA6] =	sst s3  }
0xc: {  	[smem:$0x3FA7] =	sst s4  }
0xd: {  	[smem:$0x3FA8] =	sst s5  }
0xe: {  	[smem:$0x3FA9] =	sst s6  }
0xf: {  	[smem:$0x3FAA] =	sst s7  }
0x10: {  	[smem:$0x3FAB] =	sst s8  }
0x11: {  	[smem:$0x3FAC] =	sst s9;
	s0 =	simm.s32 @!p0 $0x0  }
0x12: {  	s1 =	sld [smem:$0x3F92];
	s0 =	simm.s32 @p0 $0x1  }
0x13: {  	[smem:$0x3FAD] =	sst s0;
	s0 =	simm.s32 @!p1 $0x0  }
0x14: {  	s2 =	sld [smem:$0x3F91];
	s0 =	simm.s32 @p1 $0x1  }
0x15: {  	[smem:$0x3FAE] =	sst s0;
	s0 =	simm.s32 @!p2 $0x0  }
0x16: {  	s3 =	sld [smem:$0x3FDB];
	s0 =	simm.s32 @p2 $0x1  }
0x17: {  	s4 =	simm.s32 $0x1BF5;
	[smem:$0x3FB0] =	sst s0  }
0x18: {  	s0 =	sld [smem:$0x3F93];
	_ =	swait.ge [sflag:s4], $0x0  }
0x19: {  	s7 =	sld [smem:$0x3F94]  }
0x1a: {  	s8 =	sadd.s32 $0xFFFFE003, lr  }
0x1b: {  	s9 =	sadd.s32 $0xFFFFFEF7, lr;
	s5 =	simm.s32 $0xFFFFFFFF;
	p2 =	slt.u32 s8, $0xFFFFF086  }
0x1c: {  	p1 =	slt.u32 s9, $0xF7A;
	s5 =	simm.s32 @!p2 $0x0  }
0x1d: {  	s5 =	simm.s32 @p1 $0x1;
	p0 =	seq.s32 s7, s2  }
0x1e: {  	s7 =	smul.u32 @!p0 $0xF7A, s2;
	p2 =	seq.s32 @!p0 s5, $0x0  }
0x1f: {  	s9 =	smul.u32 $0xF7A, s1;
	s8 =	simm.s32 @!p0 $0x1BF5;
	p2 =	por !p2, p0  }
0x20: {  	[sflag:s8] =	ssyncset.s32 @!p0 $0xFFFFF086;
	s6 =	sadd.s32 @!p0 s3, s7;
	s7 =	simm.s32 @!p0 $0x108  }
0x21: {  	s3 =	sadd.s32 s3, s9;
	s6 =	sadd.s32 @!p0 $0x88, s6;
	s7 =	simm.s32 @p2 $0x1082  }
0x22: {  	[simem:s7], [sflag:s8] =	dma.local @!p0 [hbm:s6], $0xF7A  }
0x23: {  	s9 =	sor.u32 $0xD0000000, s2;
	s6 =	simm.s32 $0x108;
	_ =	swait.ge @!p0 [sflag:s8], $0x0  }
0x24: {  	s3 =	sadd.s32 $0x88, s3;
	s6 =	simm.s32 @!p1 $0x1082;
	[sflag:s4] =	ssyncset.s32 $0xFFFFF086  }
0x25: {  	[simem:s6], [sflag:s4] =	dma.local [hbm:s3], $0xF7A  }
0x26: {  	[smem:$0x3F94] =	sst s1;
	(tag) =	ssettag s2;
	_ =	strace s9  }
0x27: {  	s1 =	sld [smem:$0x3FA4]  }
0x28: {  	s2 =	sld [smem:$0x3FA5]  }
0x29: {  	s4 =	sld [smem:$0x3FA7]  }
0x2a: {  	p0 =	seq.s32 s5, $0x0;
	s5 =	sld [smem:$0x3FA8]  }
0x2b: {  	s6 =	sld [smem:$0x3FA9]  }
0x2c: {  	s7 =	sld [smem:$0x3FAA]  }
0x2d: {  	s3 =	simm.s32 $0x108;
	s8 =	sld [smem:$0x3FAB]  }
0x2e: {  	s3 =	simm.s32 @!p0 $0x1082;
	s9 =	sld [smem:$0x3FAC]  }
0x2f: {  	lr =	sadd.s32 s0, s3;
	s0 =	sld [smem:$0x3FA3]  }
0x30: {  	s3 =	sld [smem:$0x3FA6]  }
0x31: {  	[smem:$0x3FAF] =	sst s10  }
0x32: {  	s10 =	sld [smem:$0x3FAD];
	_ =	sdelay $0x3  }
0x33: {  	p0 =	seq.s32 s10, $0x1;
	s10 =	sld [smem:$0x3FAF];
	_ =	sdelay $0x3  }
0x34: {  	[smem:$0x3FAF] =	sst s10  }
0x35: {  	s10 =	sld [smem:$0x3FAE];
	_ =	sdelay $0x3  }
0x36: {  	p1 =	seq.s32 s10, $0x1;
	s10 =	sld [smem:$0x3FAF];
	_ =	sdelay $0x3  }
0x37: {  	[smem:$0x3FAF] =	sst s10  }
0x38: {  	s10 =	sld [smem:$0x3FB0]  }
0x39: {  	_ = 	snop;
	(pc) =	sbr.ind lr, $3  }
0x3a: {  	_ = 	snop  }
0x3b: {  	_ = 	snop  }
0x3c: {  	p2 =	seq.s32 s10, $0x1;
	s10 =	sld [smem:$0x3FAF]  }
0x3d: {  	_ =	shalt  }
0x3e: {  	_ =	shalt  }
0x3f: {  	_ =	shalt  }
0x40: {  	_ =	shalt  }
0x41: {  	_ =	shalt  }
0x42: {  	_ =	shalt  }
0x43: {  	_ =	shalt  }
0x44: {  	_ =	shalt  }
0x45: {  	_ =	shalt  }
0x46: {  	_ =	shalt  }
0x47: {  	_ =	shalt  }
0x48: {  	_ =	shalt  }
0x49: {  	_ =	shalt  }
0x4a: {  	_ =	shalt  }
0x4b: {  	_ =	shalt  }
0x4c: {  	_ =	shalt  }
0x4d: {  	_ =	shalt  }
0x4e: {  	_ =	shalt  }
0x4f: {  	_ =	shalt  }
0x50: {  	_ =	shalt  }
0x51: {  	_ =	shalt  }
0x52: {  	_ =	shalt  }
0x53: {  	_ =	shalt  }
0x54: {  	_ =	shalt  }
0x55: {  	_ =	shalt  }
0x56: {  	_ =	shalt  }
0x57: {  	_ =	shalt  }
0x58: {  	_ =	shalt  }
0x59: {  	_ =	shalt  }
0x5a: {  	_ =	shalt  }
0x5b: {  	_ =	shalt  }
0x5c: {  	_ =	shalt  }
0x5d: {  	_ =	shalt  }
0x5e: {  	_ =	shalt  }
0x5f: {  	_ =	shalt  }
0x60: {  	_ =	shalt  }
0x61: {  	_ =	shalt  }
0x62: {  	_ =	shalt  }
0x63: {  	_ =	shalt  }
0x64: {  	_ =	shalt  }
0x65: {  	_ =	shalt  }
0x66: {  	_ =	shalt  }
0x67: {  	_ =	shalt  }
0x68: {  	_ =	shalt  }
0x69: {  	_ =	shalt  }
0x6a: {  	_ =	shalt  }
0x6b: {  	_ =	shalt  }
0x6c: {  	_ =	shalt  }
0x6d: {  	_ =	shalt  }
0x6e: {  	_ =	shalt  }
0x6f: {  	_ =	shalt  }
0x70: {  	_ =	shalt  }
0x71: {  	_ =	shalt  }
0x72: {  	_ =	shalt  }
0x73: {  	_ =	shalt  }
0x74: {  	_ =	shalt  }
0x75: {  	_ =	shalt  }
0x76: {  	_ =	shalt  }
0x77: {  	_ =	shalt  }
0x78: {  	_ =	shalt  }
0x79: {  	_ =	shalt  }
0x7a: {  	_ =	shalt  }
0x7b: {  	_ =	shalt  }
0x7c: {  	_ =	shalt  }
0x7d: {  	_ =	shalt  }
0x7e: {  	_ =	shalt  }
0x7f: {  	_ =	shalt  }
0x80: {  	_ =	shalt  }
0x81: {  	_ =	shalt  }
0x82: {  	_ =	shalt  }
0x83: {  	_ =	shalt  }
0x84: {  	_ =	shalt  }
0x85: {  	_ =	shalt  }
0x86: {  	_ =	shalt  }
0x87: {  	_ =	shalt  }
.Lfunc_end0:
.L_simem_size_0:
called_computation_lowered:
.L_overlay_start_0:
0x88: {  	s2 =	sld [smem:$0x3FD9]  }
0x89: {  	s3 =	sld [smem:$0x3FFE];
	_ =	sdelay $0x1  }
0x8a: {  	s1 =	srdreg.scid  }
0x8b: {  	s0 =	sand.u32 $0x1, s1  }
0x8c: {  	s17 =	sshll.u32 s0, $0xA;
	s2 =	sadd.s32 s3, s2  }
0x8d: {  	s2 =	sadd.s32 s2, s17  }
0x8e: {  	[smem:$0x3FBB] =	sst s2  }
0x8f: {  	_ = 	snop  }
0x90: {  	s2 =	sld [smem:$0x3FD0];
	(tm) =	ssettm $0x1  }
0x91: {  	s18 =	sld [smem:$0x3FFB];
	_ =	sdelay $0x3  }
0x92: {  	_ =	strace s18  }
0x93: {  	s3 =	sld [smem:$0x3FFC];
	_ =	sdelay $0x3  }
0x94: {  	_ =	strace s3  }
0x95: {  	s3 =	sld [smem:$0x3FFD];
	_ =	sdelay $0x3  }
0x96: {  	_ =	strace s3  }
0x97: {  	_ =	strace $0x8FFFFFFF  }
0x98: {  	s19 =	sld [smem:$0x3FDB];
	_ =	sdelay $0x1  }
0x99: {  	s4 =	simm.s32 $_scs_section_size  }
0x9a: {  	s5 =	simm.s32 $_size__tile_overlayer_lowered;
	s6 =	simm.s32 $_tile_overlayer_lowered  }
0x9b: {  	s22 =	simm.s32 $0x1BFF;
	s21 =	sshll.u32 s6, $0x1;
	s3 =	sadd.s32 s4, s19  }
0x9c: {  	s7 =	simm.s32 $0x0;
	s20 =	sshll.u32 s5, $0x1;
	s5 =	sadd.s32 s21, s3  }
0x9d: {  	[timem:s7], [sflag:s22] =	dma.local [hbm:s5], s20  }
0x9e: {  	_ =	swait.ge [sflag:s22], s20  }
0x9f: {  	s4 =	ssub.s32 $0x0, s20;
	[sflag:s22] =	ssyncset.done $0x0  }
0xa0: {  	[sflag:s22] =	ssyncadd.s32 s4;
	_ =	sdelay $0x1  }
0xa1: {  	s23 =	simm.s32 $0x1B8B  }
0xa2: {  	_ =	swait.ge [sflag:s23], $0x1  }
0xa3: {  	[sflag:s23] =	ssyncset.done $0x0  }
0xa4: {  	s25 =	simm.s32 $0x1B8E;
	s24 =	sld [smem:$0x3FFE];
	[sflag:s23] =	ssyncadd.s32 $0xFFFFFFFF  }
0xa5: {  	s26 =	simm.s32 $execute0_lowered;
	[smem:$0x3FD2] =	sst s25  }
0xa6: {  	s5 =	sshll.u32 s26, $0x1;
	_ =	strace $0x80000046;
	[dreg:$0x1] =	wrdreg $0xFFFFFFFF  }
0xa7: {  	s28 =	simm.s32 $_size_execute0_lowered;
	s3 =	sadd.s32 s3, s5;
	[dreg:$0x0] =	wrdreg $0x0  }
0xa8: {  	s5 =	sshll.u32 s28, $0x1;
	[dreg:$0x2] =	wrdreg s3  }
0xa9: {  	[dreg:$0x3] =	wrdreg s5  }
0xaa: {  	[dreg:$0x4] =	wrdreg $0xC0  }
0xab: {  	_ =	task [dreg:s7], $0x5FFFF  }
0xac: {  	[dreg:$0x1] =	wrdreg $0xFFFFFFFF  }
0xad: {  	[dreg:$0x0] =	wrdreg $0x60  }
0xae: {  	[dreg:$0x2] =	wrdreg s24  }
0xaf: {  	[dreg:$0x3] =	wrdreg s2  }
0xb0: {  	[dreg:$0x4] =	wrdreg $0x68000  }
0xb1: {  	[dreg:$0x5] =	wrdreg $0x9  }
0xb2: {  	_ =	task.clear_ibuf [dreg:s7], $0x6FFFF;
	_ =	strace $0x90000046  }
0xb3: {  	s29 =	simm.s32 $0x9;
	_ =	strace $0x80000048  }
0xb4: {  	_ =	swait.ge [sflag:s29], $0x1  }
0xb5: {  	[sflag:s29] =	ssyncadd.s32 $0xFFFFFFFF  }
0xb6: {  	_ =	strace $0x90000048  }
0xb7: {  	_ =	sfence  }
0xb8: {  	s30 =	sld [smem:$0x0];
	_ =	sdelay $0x2  }
0xb9: {  	s31 =	sshll.u32 s1, $0xD;
	s1 =	sshrl.u32 s1, $0x2  }
0xba: {  	s3 =	sand.u32 $0x4000, s31;
	s1 =	sadd.s32 s1, s30  }
0xbb: {  	s0 =	sor.u32 s3, s0;
	s1 =	sshll.u32 s1, $0x11  }
0xbc: {  	s0 =	sor.u32 s1, s0  }
0xbd: {  	s0 =	sadd.s32 $0x8F2B, s0  }
0xbe: {  	[sflag:s0] =	ssyncadd.remote.s32 $0x1  }
0xbf: {  	_ =	sfence.sel $0xFFFF  }
0xc0: {  	[dreg:$0x0] =	wrdreg $0xFFFFFFFF;
	(pc) =	sbr.abs _section_cstart, $3  }
0xc1: {  	[dreg:$0x1] =	wrdreg $0xFFFFFFFF  }
0xc2: {  	_ =	task.clear_ibuf [dreg:s7], $0x2FFFF;
	_ =	strace $0x9FFFFFFF  }
0xc3: {  	(tm) =	ssettm $0x7FFFFFFF  }
tec
execute0_lowered:
.L_overlay_start_1:
0x0: {  	(tag) =	ssettag $0x1  }
0x1: {  	s5 =	rddreg [dreg:$0x0]  }
0x2: {  	s2 =	rddreg [dreg:$0x1]  }
0x3: {  	s3 =	rddreg [dreg:$0x2];
	s4 =	srdreg.scid  }
0x4: {  	s0 =	rddreg [dreg:$0x3];
	s1 =	stileid.u32  }
0x5: {  	s12 =	simm.s32 $0x2800;
	s13 =	simm.s32 $0x80;
	s14 =	simm.s32 $0x1  }
0x6: {  	s15 =	simm.s32 $0x0;
	s6 =	sand.u32 $0x1, s4;
	s8 =	smul.u32 $0x14000, s1  }
0x7: {  	s4 =	simm.s32 $0x0;
	s26 =	smul.u32 $0x50000, s1;
	s31 =	sshll.u32 s1, $0x6  }
0x8: {  	s7 =	sshll.u32 s6, $0x4;
	[smem:$0x7FF] =	sst s4;
	p0 =	seq.s32 s6, $0x1  }
0x9: {  	s6 =	ssub.s32 $0x2, s6;
	s7 =	sor.u32 s1, s7;
	_ =	strace $0x80000047  }
0xa: {  	s8 =	sshrl.u32 s8, $0x3;
	s28 =	sshrl.u32 s6, $0x1;
	s30 =	sshrl.u32 s26, $0x2  }
0xb: {  	s7 =	smul.u32 $0x500, s7;
	s9 =	sadd.s32 s8, s5;
	s10 =	sadd.s32 $0x28000, s8  }
0xc: {  	s29 =	ssub.s32 s6, s28;
	s6 =	sor.u32 $0x1C02, s31;
	s8 =	smov.u32 @p0 s10  }
0xd: {  	s10 =	sadd.s32 s30, s3;
	s7 =	sadd.s32 s7, s5;
	s11 =	sadd.s32 s8, s5  }
0xe: {  	s5 =	sadd.s32 $0x18A00, s9;
	s8 =	smax.u32 s29, $0x1;
	s10 =	sshrl.u32 s10, $0x3  }
0xf: {  	s7 =	sadd.s32 $0xEA00, s7;
	s9 =	sadd.s32 $0x40A00, s11;
	s11 =	simm.s32 $0x2  }
.LBB2_1:
0x10: {  	[spmem:s10], [sflag:s6] =	dma.local [hbm:s5], $0x2800  }
0x11: {  	_ =	swait.ge [sflag:s11], $0x2800  }
0x12: {  	[sflag:s11] =	ssyncset.done $0x0  }
0x13: {  	[sflag:s11] =	ssyncadd.s32 $0xFFFFD800  }
0x14: {  	[tilespmem:s12], [sflag:$0x2] =	stream.linear.gather [hbm4b:s2+s4], $0x4000, $0x38;
	[tilespmem:$0x1A800] =	vst v63  }
0x15: {  	_ =	swait.ge [sflag:s11], $0x4000  }
0x16: {  	[sflag:s11] =	ssyncset.done $0x0  }
0x17: {  	[sflag:s11] =	ssyncadd.s32 $0xFFFFC000  }
0x18: {  	[tilespmem:s4], [sflag:$0x2] =	stream.linear.gather [hbm4b:s7+s4], $0x2800, $0x38;
	[tilespmem:$0x1A800] =	vst v63  }
0x19: {  	_ =	swait.ge [sflag:s11], $0x2800  }
0x1a: {  	[sflag:s11] =	ssyncset.done $0x0  }
0x1b: {  	[sflag:s11] =	ssyncadd.s32 $0xFFFFD800  }
0x1c: {  	s16 =	simm.s32 $0x0;
	[bflag:$0x0] =	sbarrier.arrive $0xFFFF  }
0x1d: {  	[spmem:s3] =	stream.indirect.scatter.add.f32 [tilespmem:s12], [sflag:$0x1], $0x80, s16, s13, $0xb8;
	[tilespmem:$0x1A800] =	vst v63  }
0x1e: {  	s24 =	simm.s32 $0x80  }
0x1f: {  	[spmem:s3] =	stream.indirect.scatter.add.f32 [tilespmem:s12], [sflag:$0x1], $0x80, s24, s13, $0xb8;
	[tilespmem:$0x1A800] =	vst v63  }
0x20: {  	s25 =	simm.s32 $0x100  }
0x21: {  	[spmem:s3] =	stream.indirect.scatter.add.f32 [tilespmem:s12], [sflag:$0x1], $0x80, s25, s13, $0xb8;
	[tilespmem:$0x1A800] =	vst v63  }
0x22: {  	s26 =	simm.s32 $0x180  }
0x23: {  	[spmem:s3] =	stream.indirect.scatter.add.f32 [tilespmem:s12], [sflag:$0x1], $0x80, s26, s13, $0xb8;
	[tilespmem:$0x1A800] =	vst v63  }
0x24: {  	s28 =	simm.s32 $0x200  }
0x25: {  	[spmem:s3] =	stream.indirect.scatter.add.f32 [tilespmem:s12], [sflag:$0x1], $0x80, s28, s13, $0xb8;
	[tilespmem:$0x1A800] =	vst v63  }
0x26: {  	s29 =	simm.s32 $0x280  }
0x27: {  	[spmem:s3] =	stream.indirect.scatter.add.f32 [tilespmem:s12], [sflag:$0x1], $0x80, s29, s13, $0xb8;
	[tilespmem:$0x1A800] =	vst v63  }
0x28: {  	s30 =	simm.s32 $0x300  }
0x29: {  	[spmem:s3] =	stream.indirect.scatter.add.f32 [tilespmem:s12], [sflag:$0x1], $0x80, s30, s13, $0xb8;
	[tilespmem:$0x1A800] =	vst v63  }
0x2a: {  	s31 =	simm.s32 $0x380  }
0x2b: {  	[spmem:s3] =	stream.indirect.scatter.add.f32 [tilespmem:s12], [sflag:$0x1], $0x80, s31, s13, $0xb8;
	[tilespmem:$0x1A800] =	vst v63  }
0x2c: {  	_ =	swait.ge [sflag:s14], $0x4000  }
0x2d: {  	[sflag:s14] =	ssyncset.done $0x0  }
0x2e: {  	[sflag:s14] =	ssyncadd.s32 $0xFFFFC000  }
0x2f: {  	_ =	swait.ge [sflag:s14], $0x4000  }
0x30: {  	[sflag:s14] =	ssyncset.done $0x0  }
0x31: {  	[sflag:s14] =	ssyncadd.s32 $0xFFFFC000  }
0x32: {  	_ =	swait.ge [sflag:s14], $0x4000  }
0x33: {  	[sflag:s14] =	ssyncset.done $0x0  }
0x34: {  	[sflag:s14] =	ssyncadd.s32 $0xFFFFC000  }
0x35: {  	_ =	swait.ge [sflag:s14], $0x4000  }
0x36: {  	[sflag:s14] =	ssyncset.done $0x0  }
0x37: {  	[sflag:s14] =	ssyncadd.s32 $0xFFFFC000  }
0x38: {  	_ =	swait.ge [sflag:s14], $0x4000  }
0x39: {  	[sflag:s14] =	ssyncset.done $0x0  }
0x3a: {  	[sflag:s14] =	ssyncadd.s32 $0xFFFFC000  }
0x3b: {  	_ =	swait.ge [sflag:s14], $0x4000  }
0x3c: {  	[sflag:s14] =	ssyncset.done $0x0  }
0x3d: {  	[sflag:s14] =	ssyncadd.s32 $0xFFFFC000  }
0x3e: {  	_ =	swait.ge [sflag:s14], $0x4000  }
0x3f: {  	[sflag:s14] =	ssyncset.done $0x0  }
0x40: {  	[sflag:s14] =	ssyncadd.s32 $0xFFFFC000  }
0x41: {  	_ =	swait.ge [sflag:s14], $0x4000  }
0x42: {  	s18 =	simm.s32 $0x2000;
	s16 =	simm.s32 $0x1000;
	[sflag:s14] =	ssyncset.done $0x0  }
.LBB2_2:
0x43: {  	s19 =	sshra.s32 s16, $0x2  }
0x44: {  	[sflag:s14] =	ssyncadd.s32 $0xFFFFC000;
	s16 =	smov.u32 s18;
	s17 =	sadd.s32 $0x1000, s18  }
0x45: {  	[spmem:s3] =	stream.indirect.scatter.add.f32 [tilespmem:s12], [sflag:$0x1], $0x80, s19, s13, $0xb8;
	[tilespmem:$0x1A800] =	vst v63  }
0x46: {  	p0 =	sne.s32 s18, $0x9000;
	s18 =	sadd.s32 $0x80, s19  }
0x47: {  	[spmem:s3] =	stream.indirect.scatter.add.f32 [tilespmem:s12], [sflag:$0x1], $0x80, s18, s13, $0xb8;
	[tilespmem:$0x1A800] =	vst v63  }
0x48: {  	s18 =	sadd.s32 $0x100, s19  }
0x49: {  	[spmem:s3] =	stream.indirect.scatter.add.f32 [tilespmem:s12], [sflag:$0x1], $0x80, s18, s13, $0xb8;
	[tilespmem:$0x1A800] =	vst v63  }
0x4a: {  	s18 =	sadd.s32 $0x180, s19  }
0x4b: {  	[spmem:s3] =	stream.indirect.scatter.add.f32 [tilespmem:s12], [sflag:$0x1], $0x80, s18, s13, $0xb8;
	[tilespmem:$0x1A800] =	vst v63  }
0x4c: {  	s18 =	sadd.s32 $0x200, s19  }
0x4d: {  	[spmem:s3] =	stream.indirect.scatter.add.f32 [tilespmem:s12], [sflag:$0x1], $0x80, s18, s13, $0xb8;
	[tilespmem:$0x1A800] =	vst v63  }
0x4e: {  	s18 =	sadd.s32 $0x280, s19  }
0x4f: {  	[spmem:s3] =	stream.indirect.scatter.add.f32 [tilespmem:s12], [sflag:$0x1], $0x80, s18, s13, $0xb8;
	[tilespmem:$0x1A800] =	vst v63  }
0x50: {  	s18 =	sadd.s32 $0x300, s19  }
0x51: {  	[spmem:s3] =	stream.indirect.scatter.add.f32 [tilespmem:s12], [sflag:$0x1], $0x80, s18, s13, $0xb8;
	[tilespmem:$0x1A800] =	vst v63  }
0x52: {  	s18 =	sadd.s32 $0x380, s19  }
0x53: {  	[spmem:s3] =	stream.indirect.scatter.add.f32 [tilespmem:s12], [sflag:$0x1], $0x80, s18, s13, $0xb8;
	[tilespmem:$0x1A800] =	vst v63  }
0x54: {  	_ =	swait.ge [sflag:s14], $0x4000  }
0x55: {  	[sflag:s14] =	ssyncset.done $0x0  }
0x56: {  	[sflag:s14] =	ssyncadd.s32 $0xFFFFC000  }
0x57: {  	_ =	swait.ge [sflag:s14], $0x4000  }
0x58: {  	[sflag:s14] =	ssyncset.done $0x0  }
0x59: {  	[sflag:s14] =	ssyncadd.s32 $0xFFFFC000  }
0x5a: {  	_ =	swait.ge [sflag:s14], $0x4000  }
0x5b: {  	[sflag:s14] =	ssyncset.done $0x0  }
0x5c: {  	[sflag:s14] =	ssyncadd.s32 $0xFFFFC000  }
0x5d: {  	_ =	swait.ge [sflag:s14], $0x4000  }
0x5e: {  	[sflag:s14] =	ssyncset.done $0x0  }
0x5f: {  	[sflag:s14] =	ssyncadd.s32 $0xFFFFC000  }
0x60: {  	_ =	swait.ge [sflag:s14], $0x4000  }
0x61: {  	[sflag:s14] =	ssyncset.done $0x0  }
0x62: {  	[sflag:s14] =	ssyncadd.s32 $0xFFFFC000  }
0x63: {  	_ =	swait.ge [sflag:s14], $0x4000  }
0x64: {  	[sflag:s14] =	ssyncset.done $0x0  }
0x65: {  	[sflag:s14] =	ssyncadd.s32 $0xFFFFC000  }
.Ltmp0:
0x66: {  	_ =	swait.ge [sflag:s14], $0x4000;
	(pc) =	sbr.rel @p0 .LBB2_2-.Ltmp0, $4  }
0x67: {  	[sflag:s14] =	ssyncset.done $0x0  }
0x68: {  	[sflag:s14] =	ssyncadd.s32 $0xFFFFC000  }
0x69: {  	_ =	swait.ge [sflag:s14], $0x4000  }
0x6a: {  	s18 =	smov.u32 s17;
	[sflag:s14] =	ssyncset.done $0x0  }
0x6b: {  	s16 =	sshra.s32 s16, $0x2;
	[sflag:s14] =	ssyncadd.s32 $0xFFFFC000  }
0x6c: {  	[spmem:s3] =	stream.indirect.scatter.add.f32 [tilespmem:s12], [sflag:$0x1], $0x80, s16, s13, $0xb8;
	[tilespmem:$0x1A800] =	vst v63  }
0x6d: {  	s17 =	sadd.s32 $0x80, s16  }
0x6e: {  	[spmem:s3] =	stream.indirect.scatter.add.f32 [tilespmem:s12], [sflag:$0x1], $0x80, s17, s13, $0xb8;
	[tilespmem:$0x1A800] =	vst v63  }
0x6f: {  	s26 =	sadd.s32 $0x100, s16  }
0x70: {  	[spmem:s3] =	stream.indirect.scatter.add.f32 [tilespmem:s12], [sflag:$0x1], $0x80, s26, s13, $0xb8;
	[tilespmem:$0x1A800] =	vst v63  }
0x71: {  	s28 =	sadd.s32 $0x180, s16  }
0x72: {  	[spmem:s3] =	stream.indirect.scatter.add.f32 [tilespmem:s12], [sflag:$0x1], $0x80, s28, s13, $0xb8;
	[tilespmem:$0x1A800] =	vst v63  }
0x73: {  	s29 =	sadd.s32 $0x200, s16  }
0x74: {  	[spmem:s3] =	stream.indirect.scatter.add.f32 [tilespmem:s12], [sflag:$0x1], $0x80, s29, s13, $0xb8;
	[tilespmem:$0x1A800] =	vst v63  }
0x75: {  	s30 =	sadd.s32 $0x280, s16  }
0x76: {  	[spmem:s3] =	stream.indirect.scatter.add.f32 [tilespmem:s12], [sflag:$0x1], $0x80, s30, s13, $0xb8;
	[tilespmem:$0x1A800] =	vst v63  }
0x77: {  	s31 =	sadd.s32 $0x300, s16  }
0x78: {  	[spmem:s3] =	stream.indirect.scatter.add.f32 [tilespmem:s12], [sflag:$0x1], $0x80, s31, s13, $0xb8;
	[tilespmem:$0x1A800] =	vst v63  }
0x79: {  	s16 =	sadd.s32 $0x380, s16  }
0x7a: {  	[spmem:s3] =	stream.indirect.scatter.add.f32 [tilespmem:s12], [sflag:$0x1], $0x80, s16, s13, $0xb8;
	[tilespmem:$0x1A800] =	vst v63  }
0x7b: {  	_ =	swait.ge [sflag:s14], $0x4000  }
0x7c: {  	[sflag:s14] =	ssyncset.done $0x0  }
0x7d: {  	[sflag:s14] =	ssyncadd.s32 $0xFFFFC000  }
0x7e: {  	_ =	swait.ge [sflag:s14], $0x4000  }
0x7f: {  	[sflag:s14] =	ssyncset.done $0x0  }
0x80: {  	[sflag:s14] =	ssyncadd.s32 $0xFFFFC000  }
0x81: {  	_ =	swait.ge [sflag:s14], $0x4000  }
0x82: {  	[sflag:s14] =	ssyncset.done $0x0  }
0x83: {  	[sflag:s14] =	ssyncadd.s32 $0xFFFFC000  }
0x84: {  	_ =	swait.ge [sflag:s14], $0x4000  }
0x85: {  	[sflag:s14] =	ssyncset.done $0x0  }
0x86: {  	[sflag:s14] =	ssyncadd.s32 $0xFFFFC000  }
0x87: {  	_ =	swait.ge [sflag:s14], $0x4000  }
0x88: {  	[sflag:s14] =	ssyncset.done $0x0  }
0x89: {  	[sflag:s14] =	ssyncadd.s32 $0xFFFFC000  }
0x8a: {  	_ =	swait.ge [sflag:s14], $0x4000  }
0x8b: {  	[sflag:s14] =	ssyncset.done $0x0  }
0x8c: {  	[sflag:s14] =	ssyncadd.s32 $0xFFFFC000  }
0x8d: {  	_ =	swait.ge [sflag:s14], $0x4000  }
0x8e: {  	[sflag:s14] =	ssyncset.done $0x0  }
0x8f: {  	[sflag:s14] =	ssyncadd.s32 $0xFFFFC000  }
0x90: {  	_ =	swait.ge [sflag:s14], $0x4000  }
0x91: {  	s15 =	sadd.s32 $0x1, s15;
	[sflag:s14] =	ssyncset.done $0x0  }
0x92: {  	p0 =	sne.s32 s15, s8;
	[sflag:s14] =	ssyncadd.s32 $0xFFFFC000  }
.Ltmp1:
0x93: {  	[bflag:$0x0] =	sbarrier.arrive $0xFFFF;
	(pc) =	sbr.rel @p0 .LBB2_1-.Ltmp1, $4  }
0x94: {  	[hbm:s9], [sflag:s6] =	dma.local [spmem:s10], $0x2800  }
0x95: {  	_ =	swait.ge [sflag:s11], $0x2800  }
0x96: {  	[sflag:s11] =	ssyncset.done $0x0  }
0x97: {  	[sflag:s11] =	ssyncadd.s32 $0xFFFFD800  }
0x98: {  	_ =	sfence.sel $0x180000  }
0x99: {  	[bflag:$0x0] =	sbarrier.arrive $0xFFFF  }
0x9a: {  	p0 =	sne.s32 s1, $0x0;
	_ =	strace $0x90000047  }
0x9b: {  	s0 =	sadd.s32 @!p0 $0x100000, s0;
	[bflag:$0x2] =	sbarrier.arrive $0xFFFF  }
0x9c: {  	[sflag:s0] =	ssyncadd.tile.s32 @!p0 $0x1;
	_ =	shalt  }
.Lfunc_end2:
_tile_overlayer_lowered:
.L_overlay_start_2:
0x9d: {  	(tag) =	ssettag $0x2  }
0x9e: {  	s0 =	rddreg [dreg:$0x0];
	s2 =	stileid.u32  }
0x9f: {  	s1 =	rddreg [dreg:$0x1];
	p0 =	sne.s32 s2, $0x0  }
0xa0: {  	s3 =	rddreg [dreg:$0x2];
	[bflag:$0x3] =	sbarrier.arrive $0xFFFF;
	s2 =	simm.s32 @!p0 $0x1C02  }
0xa1: {  	[timem:s3], [sflag:s2] =	dma.local @!p0 [hbm:s0], s1  }
0xa2: {  	s0 =	simm.s32 @!p0 $0x2  }
0xa3: {  	_ =	swait.ge @!p0 [sflag:s0], s1  }
0xa4: {  	s1 =	ssub.s32 @!p0 $0x0, s1;
	[sflag:s0] =	ssyncset.done @!p0 $0x0  }
0xa5: {  	[sflag:s0] =	ssyncadd.s32 @!p0 s1  }
0xa6: {  	[bflag:$0x3] =	sbarrier.arrive $0xFFFF  }
0xa7: {  	_ =	shalt  }

</sc_bundles>
